<compile_context>
chip_gen: v7x
topology: tpu7x:2x2x1
jax: 0.10.2.dev20260603
libtpu: 0.0.44.dev20260713+nightly
codegen_flags: <defaults>
</compile_context>

<pallas_src>
import numpy as np
import jax
import jax.numpy as jnp
from jax import lax
from jax.experimental import pallas as pl
from jax.experimental.pallas import tpu as pltpu
from jax.experimental.pallas import tpu_sc as plsc

D = 1024
H = 16
DH = 64
DFF = 4096
K_SEL = 1000
NPER = 5440
NTOK = 10880
PSEG = 1024
TP = 2 * PSEG
NV = NPER // 16
U_ROWS = 10888

_f32 = jnp.float32
_bf16 = jnp.bfloat16
_i32 = jnp.int32

_i_of = (np.arange(D) % DH) // 2
_fx = 100.0 ** (-np.arange(14) / 14)
_fy = 100.0 ** (-np.arange(14) / 14)
_fl = 10.0 ** (-np.arange(4) / 4)
_FX = np.where(_i_of < 14, _fx[np.minimum(_i_of, 13)], 0.0)
_FY = np.where((_i_of >= 14) & (_i_of < 28),
               _fy[np.clip(_i_of - 14, 0, 13)], 0.0)
_FL = np.where(_i_of >= 28, _fl[np.clip(_i_of - 28, 0, 3)], 0.0)
_FREQ = np.zeros((8, DH), np.float32)
_FREQ[0] = _FX[:DH]
_FREQ[1] = _FY[:DH]
_FREQ[2] = _FL[:DH]
_KBIAS = np.where(np.arange(PSEG) < K_SEL, 0.0, -1e30).reshape(1, PSEG)
_KBIAS = _KBIAS.astype(np.float32)



_CCH = 40


def _sc_main_body(se_hbm, ss_hbm, px_hbm, py_hbm, lv_hbm, q_hbm,
                  u_hbm, xo_hbm, idxs_hbm, pxo_hbm, pyo_hbm, lvo_hbm,
                  key_v, sub_v, px_v, py_v, lv_v,
                  og_v, os_v, opx_v, opy_v, olv_v,
                  cbuf, rows_v, idx_v, sh_idx, sem):
    c = lax.axis_index("c")
    s = lax.axis_index("s")

    @pl.when(s == 0)
    def _():
        b = c
        seg = pl.ds(pl.multiple_of(b * NPER, 8), NPER)
        pltpu.sync_copy(se_hbm.at[seg], px_v)
        pltpu.sync_copy(ss_hbm.at[seg], py_v)

        zeros = jnp.zeros((16,), _i32)
        kvec = jnp.full((16,), K_SEL, _i32)
        himask = jnp.full((16,), -65536, _i32)

        def key_body(i, carry):
            sl = pl.ds(i * 16, 16)
            x = px_v[sl] + py_v[sl]
            bits = lax.bitcast_convert_type(x, _i32)
            key = jnp.where(bits < 0, bits ^ jnp.int32(0x7FFFFFFF), bits)
            key_v[sl] = key
            return carry
        lax.fori_loop(0, NV, key_body, 0)

        pltpu.sync_copy(px_hbm.at[seg], px_v)
        pltpu.sync_copy(py_hbm.at[seg], py_v)
        pltpu.sync_copy(lv_hbm.at[seg], lv_v)

        def count_full(pred):
            def body(i, acc):
                kv = key_v[pl.ds(i * 16, 16)]
                return acc + plsc.all_reduce_population_count(pred(kv))
            return lax.fori_loop(0, NV, body, zeros)

        def bisect(cnt_fn, lo0, hi0, target, iters):
            def body(_, lh):
                lo, hi = lh
                mid = (lo + hi + 1) >> 1
                ok = cnt_fn(mid) >= target
                return (jnp.where(ok, mid, lo), jnp.where(ok, hi, mid - 1))
            lo, _ = lax.fori_loop(0, iters, body, (lo0, hi0))
            return lo

        vhi = bisect(
            lambda v: count_full(lambda kv: (kv & himask) >= (v << 16)),
            jnp.full((16,), -32768, _i32), jnp.full((16,), 32767, _i32),
            kvec, 16)
        base = vhi << 16
        n_hi = count_full(lambda kv: (kv & himask) > base)

        def fill_body(i, carry):
            sub_v[pl.ds(i * 16, 16)] = base
            return carry
        lax.fori_loop(0, NV, fill_body, 0)

        def comp_body(i, cnt):
            kv = key_v[pl.ds(i * 16, 16)]
            m = (kv & himask) == base
            pos = cnt + plsc.cumsum(jnp.where(m, 1, 0)) - 1
            plsc.store_scatter(sub_v, [pos], kv, mask=m)
            return cnt + plsc.all_reduce_population_count(m)
        n_eq = lax.fori_loop(0, NV, comp_body, zeros)
        nv_sub = jnp.max((n_eq + 15) >> 4)

        def count_sub(t):
            def body(i, acc):
                sv = sub_v[pl.ds(i * 16, 16)]
                return acc + plsc.all_reduce_population_count(sv >= t)
            return lax.fori_loop(0, nv_sub, body, zeros)

        wlo = bisect(lambda w: count_sub(base + w),
                     zeros, jnp.full((16,), 65535, _i32),
                     kvec - n_hi, 16)
        tstar = base + wlo

        def init_body(i, carry):
            sl = pl.ds(i * 16, 16)
            og_v[sl] = zeros
            os_v[sl] = jnp.full((16,), NTOK, _i32)
            fz = jnp.zeros((16,), _f32)
            opx_v[sl] = fz
            opy_v[sl] = fz
            olv_v[sl] = fz
            return carry
        lax.fori_loop(0, PSEG // 16, init_body, 0)

        lanes = lax.iota(_i32, 16)

        def scatter_sel(i, pos, m):
            gidx = b * NPER + i * 16 + lanes
            plsc.store_scatter(og_v, [pos], gidx, mask=m)
            plsc.store_scatter(os_v, [pos], gidx, mask=m)
            sl = pl.ds(i * 16, 16)
            plsc.store_scatter(opx_v, [pos], px_v[sl], mask=m)
            plsc.store_scatter(opy_v, [pos], py_v[sl], mask=m)
            plsc.store_scatter(olv_v, [pos], lv_v[sl], mask=m)

        def passA(i, cnt):
            kv = key_v[pl.ds(i * 16, 16)]
            m = kv > tstar
            pos = cnt + plsc.cumsum(jnp.where(m, 1, 0)) - 1
            scatter_sel(i, pos, m)
            return cnt + plsc.all_reduce_population_count(m)
        cnt = lax.fori_loop(0, NV, passA, zeros)

        def passB(i, cnt):
            kv = key_v[pl.ds(i * 16, 16)]
            m = kv == tstar
            pos = cnt + plsc.cumsum(jnp.where(m, 1, 0)) - 1
            scatter_sel(i, pos, m & (pos < K_SEL))
            return cnt + plsc.all_reduce_population_count(m)
        lax.fori_loop(0, NV, passB, cnt)

        oseg = pl.ds(pl.multiple_of(b * PSEG, 8), PSEG)
        pltpu.sync_copy(os_v, idxs_hbm.at[oseg])
        pltpu.sync_copy(opx_v, pxo_hbm.at[oseg])
        pltpu.sync_copy(opy_v, pyo_hbm.at[oseg])
        pltpu.sync_copy(olv_v, lvo_hbm.at[oseg])
        pltpu.sync_copy(og_v, sh_idx)

    @pl.when(s > 0)
    def _():
        base = c * NPER
        nchunks = NPER // _CCH

        def copy_chunk(j, carry):
            cid = j * 15 + (s - 1)

            @pl.when(cid < nchunks)
            def _():
                sl = pl.ds(pl.multiple_of(base + cid * _CCH, 8), _CCH)
                pltpu.sync_copy(q_hbm.at[sl], cbuf)
                pltpu.sync_copy(cbuf, u_hbm.at[sl])
            return carry
        lax.fori_loop(0, (NPER // _CCH + 14) // 15, copy_chunk, 0)

    plsc.subcore_barrier()

    slot = pl.multiple_of(c * PSEG + s * 64, 8)
    pltpu.sync_copy(sh_idx.at[pl.ds(s * 64, 64)], idx_v)
    for half in range(2):
        pltpu.async_copy(q_hbm.at[idx_v.at[pl.ds(half * 32, 32)]],
                         rows_v, sem).wait()
        pltpu.sync_copy(rows_v, xo_hbm.at[pl.ds(slot + half * 32, 32)])


def _sc_main(tes, tpss, px, py, lv, queries):
    mesh = plsc.VectorSubcoreMesh(core_axis_name="c", subcore_axis_name="s")
    out_type = (
        jax.ShapeDtypeStruct((U_ROWS, D), _f32),
        jax.ShapeDtypeStruct((TP, D), _f32),
        jax.ShapeDtypeStruct((TP,), _i32),
        jax.ShapeDtypeStruct((TP,), _f32),
        jax.ShapeDtypeStruct((TP,), _f32),
        jax.ShapeDtypeStruct((TP,), _f32),
    )
    scratch = [
        pltpu.VMEM((NPER,), _i32),
        pltpu.VMEM((NPER,), _i32),
        pltpu.VMEM((NPER,), _f32),
        pltpu.VMEM((NPER,), _f32),
        pltpu.VMEM((NPER,), _f32),
        pltpu.VMEM((PSEG,), _i32),
        pltpu.VMEM((PSEG,), _i32),
        pltpu.VMEM((PSEG,), _f32),
        pltpu.VMEM((PSEG,), _f32),
        pltpu.VMEM((PSEG,), _f32),
        pltpu.VMEM((_CCH, D), _f32),
        pltpu.VMEM((32, D), _f32),
        pltpu.VMEM((64,), _i32),
        pltpu.VMEM_SHARED((PSEG,), _i32),
        pltpu.SemaphoreType.DMA,
    ]
    fn = pl.kernel(_sc_main_body, out_type=out_type, mesh=mesh,
                   scratch_types=scratch,
                   compiler_params=pltpu.CompilerParams(
                       needs_layout_passes=False))
    return fn(tes, tpss, px, py, lv, queries)



def _qkv_body(x_ref, px_ref, py_ref, lv_ref, fq_ref, g_ref, b_ref, w_ref,
              q_ref, k_ref, v_ref):
    xb = x_ref[...]
    mu = jnp.mean(xb, -1, keepdims=True)
    xc = xb - mu
    var = jnp.mean(xc * xc, -1, keepdims=True)
    h = xc * lax.rsqrt(var + 1e-5) * g_ref[...] + b_ref[...]
    qkv = jnp.dot(h.astype(_bf16), w_ref[...], preferred_element_type=_f32)
    ang = (px_ref[...] * fq_ref[0:1, :] + py_ref[...] * fq_ref[1:2, :]
           + lv_ref[...] * fq_ref[2:3, :])
    cc = jnp.concatenate([jnp.cos(ang)] * H, axis=1)
    ss = jnp.concatenate([jnp.sin(ang)] * H, axis=1)
    q_ref[...] = (qkv[:, 0:D] * cc + qkv[:, D:2 * D] * ss).astype(_bf16)
    k_ref[...] = (qkv[:, 2 * D:3 * D] * cc
                  + qkv[:, 3 * D:4 * D] * ss).astype(_bf16)
    v_ref[...] = qkv[:, 4 * D:5 * D].astype(_bf16)


def _qkv(x, pxs, pys, lvs, freq, g, b, wbig):
    rb = 512
    grid = (TP // rb,)
    return pl.pallas_call(
        _qkv_body,
        grid=grid,
        in_specs=[
            pl.BlockSpec((rb, D), lambda i: (i, 0)),
            pl.BlockSpec((rb, 1), lambda i: (i, 0)),
            pl.BlockSpec((rb, 1), lambda i: (i, 0)),
            pl.BlockSpec((rb, 1), lambda i: (i, 0)),
            pl.BlockSpec((8, DH), lambda i: (0, 0)),
            pl.BlockSpec((1, D), lambda i: (0, 0)),
            pl.BlockSpec((1, D), lambda i: (0, 0)),
            pl.BlockSpec((D, 5 * D), lambda i: (0, 0)),
        ],
        out_specs=[
            pl.BlockSpec((rb, D), lambda i: (i, 0)),
            pl.BlockSpec((rb, D), lambda i: (i, 0)),
            pl.BlockSpec((rb, D), lambda i: (i, 0)),
        ],
        out_shape=[jax.ShapeDtypeStruct((TP, D), _bf16)] * 3,
    )(x, pxs, pys, lvs, freq, g, b, wbig)



def _attn_body(q_ref, k_ref, v_ref, wo_ref, x_ref, kb_ref, o_ref):
    hh = pl.program_id(1)
    part = None
    for t in range(8):
        qh = q_ref[t]
        kh = k_ref[t]
        sc = lax.dot_general(qh, kh, (((1,), (1,)), ((), ())),
                             preferred_element_type=_f32)
        sc = sc * (1.0 / 8.0) + kb_ref[...]
        p = jnp.exp(sc)
        denom = jnp.sum(p, -1, keepdims=True)
        oh = jnp.dot(p.astype(_bf16), v_ref[t],
                     preferred_element_type=_f32) / denom
        pp = jnp.dot(oh.astype(_bf16), wo_ref[t],
                     preferred_element_type=_f32)
        part = pp if part is None else part + pp

    @pl.when(hh == 0)
    def _():
        o_ref[...] = x_ref[...]
    o_ref[...] += part


def _attn(q3, k3, v3, wo3, x, kbias):
    return pl.pallas_call(
        _attn_body,
        grid=(2, H // 8),
        in_specs=[
            pl.BlockSpec((8, PSEG, DH),
                         lambda bb, hh: (bb * (H // 8) + hh, 0, 0)),
            pl.BlockSpec((8, PSEG, DH),
                         lambda bb, hh: (bb * (H // 8) + hh, 0, 0)),
            pl.BlockSpec((8, PSEG, DH),
                         lambda bb, hh: (bb * (H // 8) + hh, 0, 0)),
            pl.BlockSpec((8, DH, D), lambda bb, hh: (hh, 0, 0)),
            pl.BlockSpec((PSEG, D), lambda bb, hh: (bb, 0)),
            pl.BlockSpec((1, PSEG), lambda bb, hh: (0, 0)),
        ],
        out_specs=pl.BlockSpec((PSEG, D), lambda bb, hh: (bb, 0)),
        out_shape=jax.ShapeDtypeStruct((TP, D), _f32),
    )(q3, k3, v3, wo3, x, kbias)



def _sc_scatter_body(idx_hbm, a_hbm, u_hbm, idx_v, rows_v, sem):
    wid = lax.axis_index("s") * 2 + lax.axis_index("c")
    base = pl.multiple_of(wid * (TP // 32), 8)
    pltpu.sync_copy(idx_hbm.at[pl.ds(base, TP // 32)], idx_v)
    pltpu.sync_copy(a_hbm.at[pl.ds(base, TP // 32)], rows_v)
    pltpu.async_copy(rows_v, u_hbm.at[idx_v], sem).wait()


def _sc_scatter(idxs, attn_out, u_ref):
    mesh = plsc.VectorSubcoreMesh(core_axis_name="c", subcore_axis_name="s")
    fn = pl.kernel(
        _sc_scatter_body,
        out_type=(),
        mesh=mesh,
        scratch_types=[
            pltpu.VMEM((TP // 32,), _i32),
            pltpu.VMEM((TP // 32, D), _f32),
            pltpu.SemaphoreType.DMA,
        ],
        compiler_params=pltpu.CompilerParams(needs_layout_passes=False))
    fn(idxs, attn_out, u_ref)



def _ffn_body(u_ref, g_ref, bb_ref, w1_ref, b1_ref, w2_ref, b2_ref, o_ref):
    ub = u_ref[...]
    mu = jnp.mean(ub, -1, keepdims=True)
    uc = ub - mu
    var = jnp.mean(uc * uc, -1, keepdims=True)
    h = (uc * lax.rsqrt(var + 1e-5) * g_ref[...] + bb_ref[...]).astype(_bf16)
    acc = jnp.zeros(ub.shape, _f32)
    for j in range(4):
        a = jnp.dot(h, w1_ref[:, j * D:(j + 1) * D],
                    preferred_element_type=_f32) + b1_ref[0:1, j * D:(j + 1) * D]
        a = 0.5 * a * (1.0 + lax.erf(a * 0.7071067811865476))
        acc = acc + jnp.dot(a.astype(_bf16), w2_ref[j * D:(j + 1) * D, :],
                            preferred_element_type=_f32)
    o_ref[...] = ub + acc + b2_ref[...]


def _ffn(u, g, b, w1_bf, b1, w2_bf, b2):
    rb = 640
    return pl.pallas_call(
        _ffn_body,
        grid=(NTOK // rb,),
        in_specs=[
            pl.BlockSpec((rb, D), lambda i: (i, 0)),
            pl.BlockSpec((1, D), lambda i: (0, 0)),
            pl.BlockSpec((1, D), lambda i: (0, 0)),
            pl.BlockSpec((D, DFF), lambda i: (0, 0)),
            pl.BlockSpec((1, DFF), lambda i: (0, 0)),
            pl.BlockSpec((DFF, D), lambda i: (0, 0)),
            pl.BlockSpec((1, D), lambda i: (0, 0)),
        ],
        out_specs=pl.BlockSpec((rb, D), lambda i: (i, 0)),
        out_shape=jax.ShapeDtypeStruct((NTOK, D), _f32),
    )(u, g, b, w1_bf, b1, w2_bf, b2)



def _pair_swap(w):
    w4 = w.reshape(D, D // 2, 2)
    return jnp.stack([-w4[:, :, 1], w4[:, :, 0]], axis=-1).reshape(D, D)


def kernel(queries, query_batch_offsets, token_predicted_salience_score,
           query_spatial_indices, stacked_feature_maps, level_spatial_shapes,
           token_electron_scores, ln1_g, ln1_b, Wqkv, Wo, ln2_g, ln2_b,
           W1, b1, W2, b2):
    px = query_spatial_indices[1].astype(_f32)
    py = query_spatial_indices[2].astype(_f32)
    lv = query_spatial_indices[3].astype(_f32)

    u0, x, idxs, pxs, pys, lvs = _sc_main(
        token_electron_scores, token_predicted_salience_score, px, py, lv,
        queries)
    u_ref = jax.new_ref(u0)

    wq = Wqkv[:, :D]
    wk = Wqkv[:, D:2 * D]
    wv = Wqkv[:, 2 * D:]
    wbig = jnp.concatenate(
        [wq, _pair_swap(wq), wk, _pair_swap(wk), wv], axis=1).astype(_bf16)
    freq = jnp.asarray(_FREQ)

    q, k, v = _qkv(x, pxs.reshape(TP, 1), pys.reshape(TP, 1),
                   lvs.reshape(TP, 1), freq,
                   ln1_g.reshape(1, D), ln1_b.reshape(1, D), wbig)

    def to_heads(a):
        return a.reshape(2, PSEG, H, DH).transpose(0, 2, 1, 3).reshape(
            2 * H, PSEG, DH)

    wo3 = Wo.astype(_bf16).reshape(H, DH, D)
    attn_out = _attn(to_heads(q), to_heads(k), to_heads(v), wo3, x,
                     jnp.asarray(_KBIAS))

    _sc_scatter(idxs, attn_out, u_ref)
    u = u_ref[...]

    out = _ffn(u, ln2_g.reshape(1, D), ln2_b.reshape(1, D),
               W1.astype(_bf16), b1.reshape(1, DFF),
               W2.astype(_bf16), b2.reshape(1, D))
    return out

# --- scband reference (transcript-rebuilt; emitter-appended) ---
"""Pipeline reference for scband-transformer-encoder-layer-70282844832276 (READ-ONLY COPY).

The authoritative reference and input builder live on the scoring server;
editing this copy changes nothing except your own understanding.
"""

import jax, jax.numpy as jnp
import numpy as np

D_MODEL = 1024
N_HEADS = 16
D_FF = 4096
MAX_SA = 1000
LEVELS = [(64, 64), (32, 32), (16, 16), (8, 8)]
B = 2


def layer_norm(x, g, b):
    mu = x.mean(-1, keepdims=True)
    var = ((x - mu) ** 2).mean(-1, keepdims=True)
    return (x - mu) / jnp.sqrt(var + 1e-5) * g + b


def rope_angles(pos, lvl):
    dh = D_MODEL // N_HEADS
    npairs = dh // 2
    nx, ny = 14, 14
    nl = npairs - nx - ny
    fx = 100.0 ** (-jnp.arange(nx) / nx)
    fy = 100.0 ** (-jnp.arange(ny) / ny)
    fl = 10.0 ** (-jnp.arange(nl) / nl)
    return jnp.concatenate([
        pos[:, 0:1] * fx[None, :],
        pos[:, 1:2] * fy[None, :],
        lvl[:, None].astype(jnp.float32) * fl[None, :],
    ], axis=-1)


def rope_rotate(x, ang):
    cos = jnp.cos(ang)[:, None, :]
    sin = jnp.sin(ang)[:, None, :]
    x1 = x[..., 0::2]
    x2 = x[..., 1::2]
    r1 = x1 * cos - x2 * sin
    r2 = x1 * sin + x2 * cos
    return jnp.stack([r1, r2], axis=-1).reshape(x.shape)


def batch_topk(scores, offsets, k):
    nb = offsets.shape[0] - 1
    seg = scores.shape[0] // nb
    idxs = []
    new_offs = [0]
    for b in range(nb):
        s = offsets[b]
        kk = min(k, seg)
        sb = jax.lax.dynamic_slice(scores, (s,), (seg,))
        _, ti = jax.lax.top_k(sb, kk)
        idxs.append(ti + s)
        new_offs.append(new_offs[-1] + kk)
    return jnp.concatenate(idxs), new_offs


def setup_inputs(seed: int = 0):
    key = jax.random.key(seed)
    ks = jax.random.split(key, 10)
    n_per = sum(h * w for h, w in LEVELS)
    N = B * n_per
    d = D_MODEL
    rows = []
    for b in range(B):
        for l, (h, w) in enumerate(LEVELS):
            ii, jj = np.meshgrid(np.arange(h), np.arange(w), indexing='ij')
            rows.append(np.stack([np.full(h * w, b), ii.ravel(), jj.ravel(), np.full(h * w, l)], axis=0))
    qsi = jnp.asarray(np.concatenate(rows, axis=1), dtype=jnp.int32)
    return {
        'queries': jax.random.normal(ks[0], (N, d), jnp.float32),
        'query_batch_offsets': jnp.array([0, n_per, 2 * n_per], jnp.int32),
        'token_predicted_salience_score': jax.random.normal(ks[1], (N,), jnp.float32),
        'query_spatial_indices': qsi,
        'stacked_feature_maps': jax.random.normal(ks[2], (B, n_per, d), jnp.float32) * 0.02,
        'level_spatial_shapes': jnp.array(LEVELS, jnp.int32),
        'token_electron_scores': jax.random.normal(ks[3], (N,), jnp.float32),
        'ln1_g': jnp.ones((d,), jnp.float32),
        'ln1_b': jnp.zeros((d,), jnp.float32),
        'Wqkv': jax.random.normal(ks[4], (d, 3 * d), jnp.float32) / np.sqrt(d),
        'Wo': jax.random.normal(ks[5], (d, d), jnp.float32) / np.sqrt(d),
        'ln2_g': jnp.ones((d,), jnp.float32),
        'ln2_b': jnp.zeros((d,), jnp.float32),
        'W1': jax.random.normal(ks[6], (d, D_FF), jnp.float32) / np.sqrt(d),
        'b1': jnp.zeros((D_FF,), jnp.float32),
        'W2': jax.random.normal(ks[7], (D_FF, d), jnp.float32) / np.sqrt(D_FF),
        'b2': jnp.zeros((d,), jnp.float32),
    }


def reference(queries, query_batch_offsets, token_predicted_salience_score, query_spatial_indices,
              stacked_feature_maps, level_spatial_shapes, token_electron_scores,
              ln1_g, ln1_b, Wqkv, Wo, ln2_g, ln2_b, W1, b1, W2, b2):
    # salience-based token selection (batch_topk)
    scores = token_electron_scores + token_predicted_salience_score
    topk_idx, topk_offs = batch_topk(scores, query_batch_offsets, MAX_SA)
    x = queries[topk_idx]
    si = query_spatial_indices[:, topk_idx]
    pos = si[1:3].T.astype(jnp.float32)
    lvl = si[3]
    # multilevel self-attention with RoPE (pre-norm block with residual)
    h = layer_norm(x, ln1_g, ln1_b)
    qkv = h @ Wqkv
    T = x.shape[0]
    H = N_HEADS
    dh = D_MODEL // H
    q, k, v = jnp.split(qkv, 3, axis=-1)
    q = q.reshape(T, H, dh)
    k = k.reshape(T, H, dh)
    v = v.reshape(T, H, dh)
    ang = rope_angles(pos, lvl)
    q = rope_rotate(q, ang)
    k = rope_rotate(k, ang)
    outs = []
    for b in range(len(topk_offs) - 1):
        s, e = topk_offs[b], topk_offs[b + 1]
        qb, kb, vb = q[s:e], k[s:e], v[s:e]
        att = jnp.einsum('qhd,khd->hqk', qb, kb) / np.sqrt(dh)
        att = jax.nn.softmax(att, axis=-1)
        ob = jnp.einsum('hqk,khd->qhd', att, vb).reshape(e - s, D_MODEL)
        outs.append(ob)
    sa = jnp.concatenate(outs, axis=0) @ Wo
    self_attn_out = x + sa
    # scatter updated salient tokens back (index_copy)
    queries = queries.at[topk_idx].set(self_attn_out)
    # FFN block (pre-norm, residual)
    h2 = layer_norm(queries, ln2_g, ln2_b)
    queries = queries + (jax.nn.gelu(h2 @ W1 + b1, approximate=False) @ W2 + b2)
    return queries

if __name__ == "__main__":
    import jax
    _d = setup_inputs()
    print(jax.jit(kernel)(*tuple(_d.values())))

</pallas_src>

<mosaic_0001>
#map = affine_map<(d0, d1) -> (0)>
#map1 = affine_map<(d0, d1) -> (0, 0)>
module attributes {stable_mosaic.version = 14 : i64} {
  func.func @new_body(%arg0: i32, %arg1: i32, %arg2: memref<2048xi32, #tpu.memory_space<hbm>>, %arg3: memref<2048x1024xf32, #tpu.memory_space<hbm>>, %arg4: memref<10888x1024xf32, #tpu.memory_space<hbm>>, %arg5: memref<10888x1024xf32, #tpu.memory_space<hbm>>, %arg6: memref<64xi32, #tpu.memory_space<vmem>>, %arg7: memref<64x1024xf32, #tpu.memory_space<vmem>>, %arg8: memref<!tpu.dma_semaphore, #tpu.memory_space<semaphore_mem>>) attributes {dimension_semantics = [#tpu.dimension_semantics<core_parallel>, #tpu.dimension_semantics<subcore_parallel>], iteration_bounds = array<i64: 2, 16>, scalar_prefetch = 0 : i64, scratch_operands = 3 : i64, tpu.core_type = #tpu.core_type<sc_vector_subcore>, window_params = [{transform_indices = #map}, {transform_indices = #map1}, {transform_indices = #map1}, {transform_indices = #map1}]} {
    %mul3A = arith.constant 2 : i32
    %mul3A_0 = arith.muli %arg1, %mul3A : i32
    %add3A = arith.addi %mul3A_0, %arg0 : i32
    %mul3A_1 = arith.constant 64 : i32
    %mul3A_2 = arith.muli %add3A, %mul3A_1 : i32
    %multiple_of3A = tpu.assume_multiple %mul3A_2, 8 : i32
    "tpu.region"() ({
      %run_scoped3A = tpu.sem_alloc : memref<!tpu.dma_semaphore, #tpu.memory_space<semaphore_mem>>
      %dma_start3A_7 = tpu.memref_slice %arg2[%multiple_of3A] : memref<2048xi32, #tpu.memory_space<hbm>> -> memref<64xi32, #tpu.memory_space<hbm>>
      %dma_start3A_8 = tpu.memref_slice %arg2[%multiple_of3A] : memref<2048xi32, #tpu.memory_space<hbm>> -> memref<64xi32, #tpu.memory_space<hbm>>
      tpu.enqueue_dma source(%dma_start3A_8 : memref<64xi32, #tpu.memory_space<hbm>>) target(%arg6 : memref<64xi32, #tpu.memory_space<vmem>>) target_semaphore(%run_scoped3A : memref<!tpu.dma_semaphore, #tpu.memory_space<semaphore_mem>>)
      %dma_wait3A_9 = tpu.memref_slice %arg2[%multiple_of3A] : memref<2048xi32, #tpu.memory_space<hbm>> -> memref<64xi32, #tpu.memory_space<hbm>>
      %dma_wait3A_10 = tpu.memref_slice %arg2[%multiple_of3A] : memref<2048xi32, #tpu.memory_space<hbm>> -> memref<64xi32, #tpu.memory_space<hbm>>
      tpu.wait_dma2 semaphore(%run_scoped3A : memref<!tpu.dma_semaphore, #tpu.memory_space<semaphore_mem>>) src(%dma_wait3A_10 : memref<64xi32, #tpu.memory_space<hbm>>) dst(%arg6 : memref<64xi32, #tpu.memory_space<vmem>>)
      tpu.yield
    }) : () -> ()
    "tpu.region"() ({
      %run_scoped3A = tpu.sem_alloc : memref<!tpu.dma_semaphore, #tpu.memory_space<semaphore_mem>>
      %dma_start3A_7 = arith.constant 0 : i32
      %dma_start3A_8 = tpu.memref_slice %arg3[%multiple_of3A, %dma_start3A_7] : memref<2048x1024xf32, #tpu.memory_space<hbm>> -> memref<64x1024xf32, #tpu.memory_space<hbm>>
      %dma_start3A_9 = arith.constant 0 : i32
      %dma_start3A_10 = tpu.memref_slice %arg3[%multiple_of3A, %dma_start3A_9] : memref<2048x1024xf32, #tpu.memory_space<hbm>> -> memref<64x1024xf32, #tpu.memory_space<hbm>>
      tpu.enqueue_dma source(%dma_start3A_10 : memref<64x1024xf32, #tpu.memory_space<hbm>>) target(%arg7 : memref<64x1024xf32, #tpu.memory_space<vmem>>) target_semaphore(%run_scoped3A : memref<!tpu.dma_semaphore, #tpu.memory_space<semaphore_mem>>)
      %dma_wait3A_11 = arith.constant 0 : i32
      %dma_wait3A_12 = tpu.memref_slice %arg3[%multiple_of3A, %dma_wait3A_11] : memref<2048x1024xf32, #tpu.memory_space<hbm>> -> memref<64x1024xf32, #tpu.memory_space<hbm>>
      %dma_wait3A_13 = arith.constant 0 : i32
      %dma_wait3A_14 = tpu.memref_slice %arg3[%multiple_of3A, %dma_wait3A_13] : memref<2048x1024xf32, #tpu.memory_space<hbm>> -> memref<64x1024xf32, #tpu.memory_space<hbm>>
      tpu.wait_dma2 semaphore(%run_scoped3A : memref<!tpu.dma_semaphore, #tpu.memory_space<semaphore_mem>>) src(%dma_wait3A_14 : memref<64x1024xf32, #tpu.memory_space<hbm>>) dst(%arg7 : memref<64x1024xf32, #tpu.memory_space<vmem>>)
      tpu.yield
    }) : () -> ()
    %dma_start3A = arith.constant 0 : i32
    %dma_start3A_3 = arith.constant 0 : i32
    %dma_start3A_4 = tpu.memref_slice %arg4[%dma_start3A, %dma_start3A_3] : memref<10888x1024xf32, #tpu.memory_space<hbm>> -> memref<10888x1024xf32, #tpu.memory_space<hbm>>
    tpu.enqueue_indirect_dma source(%arg7 : memref<64x1024xf32, #tpu.memory_space<vmem>>) target(%dma_start3A_4 : memref<10888x1024xf32, #tpu.memory_space<hbm>>) offsets(%arg6 : memref<64xi32, #tpu.memory_space<vmem>>) semaphore(%arg8 : memref<!tpu.dma_semaphore, #tpu.memory_space<semaphore_mem>>)
    %dma_wait3A = arith.constant 0 : i32
    %dma_wait3A_5 = arith.constant 0 : i32
    %dma_wait3A_6 = tpu.memref_slice %arg4[%dma_wait3A, %dma_wait3A_5] : memref<10888x1024xf32, #tpu.memory_space<hbm>> -> memref<10888x1024xf32, #tpu.memory_space<hbm>>
    tpu.wait_indirect_dma semaphore(%arg8 : memref<!tpu.dma_semaphore, #tpu.memory_space<semaphore_mem>>) src(%arg7 : memref<64x1024xf32, #tpu.memory_space<vmem>>) dst(%dma_wait3A_6 : memref<10888x1024xf32, #tpu.memory_space<hbm>>)
    return
  }
}

#map = affine_map<(d0, d1) -> (0)>
#map1 = affine_map<(d0, d1) -> (0, 0)>
module attributes {stable_mosaic.version = 14 : i64} {
  func.func @_sc_main_body(%arg0: i32, %arg1: i32, %arg2: memref<10880xf32, #tpu.memory_space<hbm>>, %arg3: memref<10880xf32, #tpu.memory_space<hbm>>, %arg4: memref<10880xf32, #tpu.memory_space<hbm>>, %arg5: memref<10880xf32, #tpu.memory_space<hbm>>, %arg6: memref<10880xf32, #tpu.memory_space<hbm>>, %arg7: memref<10880x1024xf32, #tpu.memory_space<hbm>>, %arg8: memref<10888x1024xf32, #tpu.memory_space<hbm>>, %arg9: memref<2048x1024xf32, #tpu.memory_space<hbm>>, %arg10: memref<2048xi32, #tpu.memory_space<hbm>>, %arg11: memref<2048xf32, #tpu.memory_space<hbm>>, %arg12: memref<2048xf32, #tpu.memory_space<hbm>>, %arg13: memref<2048xf32, #tpu.memory_space<hbm>>, %arg14: memref<5440xi32, #tpu.memory_space<vmem>>, %arg15: memref<5440xi32, #tpu.memory_space<vmem>>, %arg16: memref<5440xf32, #tpu.memory_space<vmem>>, %arg17: memref<5440xf32, #tpu.memory_space<vmem>>, %arg18: memref<5440xf32, #tpu.memory_space<vmem>>, %arg19: memref<1024xi32, #tpu.memory_space<vmem>>, %arg20: memref<1024xi32, #tpu.memory_space<vmem>>, %arg21: memref<1024xf32, #tpu.memory_space<vmem>>, %arg22: memref<1024xf32, #tpu.memory_space<vmem>>, %arg23: memref<1024xf32, #tpu.memory_space<vmem>>, %arg24: memref<40x1024xf32, #tpu.memory_space<vmem>>, %arg25: memref<32x1024xf32, #tpu.memory_space<vmem>>, %arg26: memref<64xi32, #tpu.memory_space<vmem>>, %arg27: memref<1024xi32, #tpu.memory_space<vmem_shared>>, %arg28: memref<!tpu.dma_semaphore, #tpu.memory_space<semaphore_mem>>) attributes {dimension_semantics = [#tpu.dimension_semantics<core_parallel>, #tpu.dimension_semantics<subcore_parallel>], iteration_bounds = array<i64: 2, 16>, scalar_prefetch = 0 : i64, scratch_operands = 15 : i64, tpu.core_type = #tpu.core_type<sc_vector_subcore>, window_params = [{transform_indices = #map}, {transform_indices = #map}, {transform_indices = #map}, {transform_indices = #map}, {transform_indices = #map}, {transform_indices = #map1}, {transform_indices = #map1}, {transform_indices = #map1}, {transform_indices = #map}, {transform_indices = #map}, {transform_indices = #map}, {transform_indices = #map}]} {
    %eq3A = arith.constant 0 : i32
    %eq3A_0 = arith.cmpi eq, %arg1, %eq3A : i32
    %convert_element_type3A = arith.extui %eq3A_0 : i1 to i32
    %cond3A = arith.constant 0 : i32
    %cond3A_1 = arith.cmpi ne, %convert_element_type3A, %cond3A : i32
    scf.if %cond3A_1 {
      %mul3A_33 = arith.constant 5440 : i32
      %mul3A_34 = arith.muli %arg0, %mul3A_33 : i32
      %multiple_of3A_35 = tpu.assume_multiple %mul3A_34, 8 : i32
      "tpu.region"() ({
        %run_scoped3A = tpu.sem_alloc : memref<!tpu.dma_semaphore, #tpu.memory_space<semaphore_mem>>
        %dma_start3A_118 = tpu.memref_slice %arg2[%multiple_of3A_35] : memref<10880xf32, #tpu.memory_space<hbm>> -> memref<5440xf32, #tpu.memory_space<hbm>>
        %dma_start3A_119 = tpu.memref_slice %arg2[%multiple_of3A_35] : memref<10880xf32, #tpu.memory_space<hbm>> -> memref<5440xf32, #tpu.memory_space<hbm>>
        tpu.enqueue_dma source(%dma_start3A_119 : memref<5440xf32, #tpu.memory_space<hbm>>) target(%arg16 : memref<5440xf32, #tpu.memory_space<vmem>>) target_semaphore(%run_scoped3A : memref<!tpu.dma_semaphore, #tpu.memory_space<semaphore_mem>>)
        %dma_wait3A_120 = tpu.memref_slice %arg2[%multiple_of3A_35] : memref<10880xf32, #tpu.memory_space<hbm>> -> memref<5440xf32, #tpu.memory_space<hbm>>
        %dma_wait3A_121 = tpu.memref_slice %arg2[%multiple_of3A_35] : memref<10880xf32, #tpu.memory_space<hbm>> -> memref<5440xf32, #tpu.memory_space<hbm>>
        tpu.wait_dma2 semaphore(%run_scoped3A : memref<!tpu.dma_semaphore, #tpu.memory_space<semaphore_mem>>) src(%dma_wait3A_121 : memref<5440xf32, #tpu.memory_space<hbm>>) dst(%arg16 : memref<5440xf32, #tpu.memory_space<vmem>>)
        tpu.yield
      }) : () -> ()
      "tpu.region"() ({
        %run_scoped3A = tpu.sem_alloc : memref<!tpu.dma_semaphore, #tpu.memory_space<semaphore_mem>>
        %dma_start3A_118 = tpu.memref_slice %arg3[%multiple_of3A_35] : memref<10880xf32, #tpu.memory_space<hbm>> -> memref<5440xf32, #tpu.memory_space<hbm>>
        %dma_start3A_119 = tpu.memref_slice %arg3[%multiple_of3A_35] : memref<10880xf32, #tpu.memory_space<hbm>> -> memref<5440xf32, #tpu.memory_space<hbm>>
        tpu.enqueue_dma source(%dma_start3A_119 : memref<5440xf32, #tpu.memory_space<hbm>>) target(%arg17 : memref<5440xf32, #tpu.memory_space<vmem>>) target_semaphore(%run_scoped3A : memref<!tpu.dma_semaphore, #tpu.memory_space<semaphore_mem>>)
        %dma_wait3A_120 = tpu.memref_slice %arg3[%multiple_of3A_35] : memref<10880xf32, #tpu.memory_space<hbm>> -> memref<5440xf32, #tpu.memory_space<hbm>>
        %dma_wait3A_121 = tpu.memref_slice %arg3[%multiple_of3A_35] : memref<10880xf32, #tpu.memory_space<hbm>> -> memref<5440xf32, #tpu.memory_space<hbm>>
        tpu.wait_dma2 semaphore(%run_scoped3A : memref<!tpu.dma_semaphore, #tpu.memory_space<semaphore_mem>>) src(%dma_wait3A_121 : memref<5440xf32, #tpu.memory_space<hbm>>) dst(%arg17 : memref<5440xf32, #tpu.memory_space<vmem>>)
        tpu.yield
      }) : () -> ()
      %broadcast_in_dim3A = arith.constant 0 : i32
      %broadcast_in_dim3A_36 = vector.broadcast %broadcast_in_dim3A : i32 to vector<16xi32>
      %broadcast_in_dim3A_37 = arith.constant 1000 : i32
      %broadcast_in_dim3A_38 = vector.broadcast %broadcast_in_dim3A_37 : i32 to vector<16xi32>
      %broadcast_in_dim3A_39 = arith.constant -65536 : i32
      %broadcast_in_dim3A_40 = vector.broadcast %broadcast_in_dim3A_39 : i32 to vector<16xi32>
      %scan3A = arith.constant 0 : i32
      %scan3A_41 = arith.constant 0 : i32
      %scan3A_42 = arith.constant 340 : i32
      %scan3A_43 = arith.addi %scan3A_41, %scan3A_42 : i32
      %scan3A_44 = arith.constant 1 : i32
      scf.for %scan3A_118 = %scan3A_41 to %scan3A_43 step %scan3A_44  : i32 {
        %mul3A_119 = arith.constant 16 : i32
        %mul3A_120 = arith.muli %scan3A_118, %mul3A_119 : i32
        %get3A = arith.index_cast %mul3A_120 : i32 to index
        %get3A_121 = tpu.vector_load %arg16[%get3A] {strides = array<i32>} : memref<5440xf32, #tpu.memory_space<vmem>>, vector<16xf32>,
        %get3A_122 = arith.index_cast %mul3A_120 : i32 to index
        %get3A_123 = tpu.vector_load %arg17[%get3A_122] {strides = array<i32>} : memref<5440xf32, #tpu.memory_space<vmem>>, vector<16xf32>,
        %add3A_124 = arith.addf %get3A_121, %get3A_123 : vector<16xf32>
        %bitcast_convert_type3A = tpu.bitcast %add3A_124 : vector<16xf32> -> vector<16xi32>
        %lt3A = arith.constant 0 : i32
        %lt3A_125 = vector.broadcast %lt3A : i32 to vector<16xi32>
        %lt3A_126 = arith.cmpi slt, %bitcast_convert_type3A, %lt3A_125 : vector<16xi32>
        %xor3A = arith.constant 2147483647 : i32
        %xor3A_127 = vector.broadcast %xor3A : i32 to vector<16xi32>
        %xor3A_128 = arith.xori %bitcast_convert_type3A, %xor3A_127 : vector<16xi32>
        %select_n3A = arith.select %lt3A_126, %xor3A_128, %bitcast_convert_type3A : vector<16xi1>, vector<16xi32>
        %swap3A = arith.index_cast %mul3A_120 : i32 to index
        %swap3A_129 = tpu.vector_load %arg14[%swap3A] {strides = array<i32>} : memref<5440xi32, #tpu.memory_space<vmem>>, vector<16xi32>,
        tpu.vector_store %arg14[%swap3A], %select_n3A {strides = array<i32>} : memref<5440xi32, #tpu.memory_space<vmem>>, vector<16xi32>,
      }
      %scan3A_45 = arith.constant 340 : i32
      "tpu.region"() ({
        %run_scoped3A = tpu.sem_alloc : memref<!tpu.dma_semaphore, #tpu.memory_space<semaphore_mem>>
        %dma_start3A_118 = tpu.memref_slice %arg4[%multiple_of3A_35] : memref<10880xf32, #tpu.memory_space<hbm>> -> memref<5440xf32, #tpu.memory_space<hbm>>
        %dma_start3A_119 = tpu.memref_slice %arg4[%multiple_of3A_35] : memref<10880xf32, #tpu.memory_space<hbm>> -> memref<5440xf32, #tpu.memory_space<hbm>>
        tpu.enqueue_dma source(%dma_start3A_119 : memref<5440xf32, #tpu.memory_space<hbm>>) target(%arg16 : memref<5440xf32, #tpu.memory_space<vmem>>) target_semaphore(%run_scoped3A : memref<!tpu.dma_semaphore, #tpu.memory_space<semaphore_mem>>)
        %dma_wait3A_120 = tpu.memref_slice %arg4[%multiple_of3A_35] : memref<10880xf32, #tpu.memory_space<hbm>> -> memref<5440xf32, #tpu.memory_space<hbm>>
        %dma_wait3A_121 = tpu.memref_slice %arg4[%multiple_of3A_35] : memref<10880xf32, #tpu.memory_space<hbm>> -> memref<5440xf32, #tpu.memory_space<hbm>>
        tpu.wait_dma2 semaphore(%run_scoped3A : memref<!tpu.dma_semaphore, #tpu.memory_space<semaphore_mem>>) src(%dma_wait3A_121 : memref<5440xf32, #tpu.memory_space<hbm>>) dst(%arg16 : memref<5440xf32, #tpu.memory_space<vmem>>)
        tpu.yield
      }) : () -> ()
      "tpu.region"() ({
        %run_scoped3A = tpu.sem_alloc : memref<!tpu.dma_semaphore, #tpu.memory_space<semaphore_mem>>
        %dma_start3A_118 = tpu.memref_slice %arg5[%multiple_of3A_35] : memref<10880xf32, #tpu.memory_space<hbm>> -> memref<5440xf32, #tpu.memory_space<hbm>>
        %dma_start3A_119 = tpu.memref_slice %arg5[%multiple_of3A_35] : memref<10880xf32, #tpu.memory_space<hbm>> -> memref<5440xf32, #tpu.memory_space<hbm>>
        tpu.enqueue_dma source(%dma_start3A_119 : memref<5440xf32, #tpu.memory_space<hbm>>) target(%arg17 : memref<5440xf32, #tpu.memory_space<vmem>>) target_semaphore(%run_scoped3A : memref<!tpu.dma_semaphore, #tpu.memory_space<semaphore_mem>>)
        %dma_wait3A_120 = tpu.memref_slice %arg5[%multiple_of3A_35] : memref<10880xf32, #tpu.memory_space<hbm>> -> memref<5440xf32, #tpu.memory_space<hbm>>
        %dma_wait3A_121 = tpu.memref_slice %arg5[%multiple_of3A_35] : memref<10880xf32, #tpu.memory_space<hbm>> -> memref<5440xf32, #tpu.memory_space<hbm>>
        tpu.wait_dma2 semaphore(%run_scoped3A : memref<!tpu.dma_semaphore, #tpu.memory_space<semaphore_mem>>) src(%dma_wait3A_121 : memref<5440xf32, #tpu.memory_space<hbm>>) dst(%arg17 : memref<5440xf32, #tpu.memory_space<vmem>>)
        tpu.yield
      }) : () -> ()
      "tpu.region"() ({
        %run_scoped3A = tpu.sem_alloc : memref<!tpu.dma_semaphore, #tpu.memory_space<semaphore_mem>>
        %dma_start3A_118 = tpu.memref_slice %arg6[%multiple_of3A_35] : memref<10880xf32, #tpu.memory_space<hbm>> -> memref<5440xf32, #tpu.memory_space<hbm>>
        %dma_start3A_119 = tpu.memref_slice %arg6[%multiple_of3A_35] : memref<10880xf32, #tpu.memory_space<hbm>> -> memref<5440xf32, #tpu.memory_space<hbm>>
        tpu.enqueue_dma source(%dma_start3A_119 : memref<5440xf32, #tpu.memory_space<hbm>>) target(%arg18 : memref<5440xf32, #tpu.memory_space<vmem>>) target_semaphore(%run_scoped3A : memref<!tpu.dma_semaphore, #tpu.memory_space<semaphore_mem>>)
        %dma_wait3A_120 = tpu.memref_slice %arg6[%multiple_of3A_35] : memref<10880xf32, #tpu.memory_space<hbm>> -> memref<5440xf32, #tpu.memory_space<hbm>>
        %dma_wait3A_121 = tpu.memref_slice %arg6[%multiple_of3A_35] : memref<10880xf32, #tpu.memory_space<hbm>> -> memref<5440xf32, #tpu.memory_space<hbm>>
        tpu.wait_dma2 semaphore(%run_scoped3A : memref<!tpu.dma_semaphore, #tpu.memory_space<semaphore_mem>>) src(%dma_wait3A_121 : memref<5440xf32, #tpu.memory_space<hbm>>) dst(%arg18 : memref<5440xf32, #tpu.memory_space<vmem>>)
        tpu.yield
      }) : () -> ()
      %broadcast_in_dim3A_46 = arith.constant -32768 : i32
      %broadcast_in_dim3A_47 = vector.broadcast %broadcast_in_dim3A_46 : i32 to vector<16xi32>
      %broadcast_in_dim3A_48 = arith.constant 32767 : i32
      %broadcast_in_dim3A_49 = vector.broadcast %broadcast_in_dim3A_48 : i32 to vector<16xi32>
      %scan3A_50 = arith.constant 0 : i32
      %scan3A_51 = arith.constant 16 : i32
      %scan3A_52 = arith.addi %scan3A_50, %scan3A_51 : i32
      %scan3A_53 = arith.constant 1 : i32
      %scan3A_54:2 = scf.for %scan3A_118 = %scan3A_50 to %scan3A_52 step %scan3A_53 iter_args(%scan3A_119 = %broadcast_in_dim3A_47, %scan3A_120 = %broadcast_in_dim3A_49) -> (vector<16xi32>, vector<16xi32>)  : i32 {
        %add3A_121 = arith.addi %scan3A_119, %scan3A_120 : vector<16xi32>
        %add3A_122 = arith.constant 1 : i32
        %add3A_123 = vector.broadcast %add3A_122 : i32 to vector<16xi32>
        %add3A_124 = arith.addi %add3A_121, %add3A_123 : vector<16xi32>
        %shift_right_arithmetic3A_125 = arith.constant 1 : i32
        %shift_right_arithmetic3A_126 = vector.broadcast %shift_right_arithmetic3A_125 : i32 to vector<16xi32>
        %shift_right_arithmetic3A_127 = arith.shrsi %add3A_124, %shift_right_arithmetic3A_126 : vector<16xi32>
        %scan3A_128 = arith.constant 0 : i32
        %scan3A_129 = arith.constant 340 : i32
        %scan3A_130 = arith.addi %scan3A_128, %scan3A_129 : i32
        %scan3A_131 = arith.constant 1 : i32
        %scan3A_132 = scf.for %scan3A_138 = %scan3A_128 to %scan3A_130 step %scan3A_131 iter_args(%scan3A_139 = %broadcast_in_dim3A_36) -> (vector<16xi32>)  : i32 {
          %mul3A_140 = arith.constant 16 : i32
          %mul3A_141 = arith.muli %scan3A_138, %mul3A_140 : i32
          %get3A = arith.index_cast %mul3A_141 : i32 to index
          %get3A_142 = tpu.vector_load %arg14[%get3A] {strides = array<i32>} : memref<5440xi32, #tpu.memory_space<vmem>>, vector<16xi32>,
          %and3A = arith.andi %get3A_142, %broadcast_in_dim3A_40 : vector<16xi32>
          %shift_left3A_143 = arith.constant 16 : i32
          %shift_left3A_144 = vector.broadcast %shift_left3A_143 : i32 to vector<16xi32>
          %shift_left3A_145 = arith.shli %shift_right_arithmetic3A_127, %shift_left3A_144 : vector<16xi32>
          %ge3A_146 = arith.cmpi sge, %and3A, %shift_left3A_145 : vector<16xi32>
          %all_reduce_population_count3A = tpu.all_reduce %ge3A_146 {dim = 0 : i64, kind = #tpu.reduction_kind<sum>} : vector<16xi1> -> vector<16xi32>
          %add3A_147 = arith.addi %scan3A_139, %all_reduce_population_count3A : vector<16xi32>
          scf.yield %add3A_147 : vector<16xi32>
        }
        %scan3A_133 = arith.constant 340 : i32
        %ge3A = arith.cmpi sge, %scan3A_132, %broadcast_in_dim3A_38 : vector<16xi32>
        %select_n3A = arith.select %ge3A, %shift_right_arithmetic3A_127, %scan3A_119 : vector<16xi1>, vector<16xi32>
        %sub3A_134 = arith.constant 1 : i32
        %sub3A_135 = vector.broadcast %sub3A_134 : i32 to vector<16xi32>
        %sub3A_136 = arith.subi %shift_right_arithmetic3A_127, %sub3A_135 : vector<16xi32>
        %select_n3A_137 = arith.select %ge3A, %scan3A_120, %sub3A_136 : vector<16xi1>, vector<16xi32>
        scf.yield %select_n3A, %select_n3A_137 : vector<16xi32>, vector<16xi32>
      }
      %scan3A_55 = arith.constant 16 : i32
      %shift_left3A = arith.constant 16 : i32
      %shift_left3A_56 = vector.broadcast %shift_left3A : i32 to vector<16xi32>
      %shift_left3A_57 = arith.shli %scan3A_54#0, %shift_left3A_56 : vector<16xi32>
      %scan3A_58 = arith.constant 0 : i32
      %scan3A_59 = arith.constant 340 : i32
      %scan3A_60 = arith.addi %scan3A_58, %scan3A_59 : i32
      %scan3A_61 = arith.constant 1 : i32
      %scan3A_62 = scf.for %scan3A_118 = %scan3A_58 to %scan3A_60 step %scan3A_61 iter_args(%scan3A_119 = %broadcast_in_dim3A_36) -> (vector<16xi32>)  : i32 {
        %mul3A_120 = arith.constant 16 : i32
        %mul3A_121 = arith.muli %scan3A_118, %mul3A_120 : i32
        %get3A = arith.index_cast %mul3A_121 : i32 to index
        %get3A_122 = tpu.vector_load %arg14[%get3A] {strides = array<i32>} : memref<5440xi32, #tpu.memory_space<vmem>>, vector<16xi32>,
        %and3A = arith.andi %get3A_122, %broadcast_in_dim3A_40 : vector<16xi32>
        %gt3A_123 = arith.cmpi sgt, %and3A, %shift_left3A_57 : vector<16xi32>
        %all_reduce_population_count3A = tpu.all_reduce %gt3A_123 {dim = 0 : i64, kind = #tpu.reduction_kind<sum>} : vector<16xi1> -> vector<16xi32>
        %add3A_124 = arith.addi %scan3A_119, %all_reduce_population_count3A : vector<16xi32>
        scf.yield %add3A_124 : vector<16xi32>
      }
      %scan3A_63 = arith.constant 340 : i32
      %scan3A_64 = arith.constant 0 : i32
      %scan3A_65 = arith.constant 0 : i32
      %scan3A_66 = arith.constant 340 : i32
      %scan3A_67 = arith.addi %scan3A_65, %scan3A_66 : i32
      %scan3A_68 = arith.constant 1 : i32
      scf.for %scan3A_118 = %scan3A_65 to %scan3A_67 step %scan3A_68  : i32 {
        %mul3A_119 = arith.constant 16 : i32
        %mul3A_120 = arith.muli %scan3A_118, %mul3A_119 : i32
        %swap3A = arith.index_cast %mul3A_120 : i32 to index
        %swap3A_121 = tpu.vector_load %arg15[%swap3A] {strides = array<i32>} : memref<5440xi32, #tpu.memory_space<vmem>>, vector<16xi32>,
        tpu.vector_store %arg15[%swap3A], %shift_left3A_57 {strides = array<i32>} : memref<5440xi32, #tpu.memory_space<vmem>>, vector<16xi32>,
      }
      %scan3A_69 = arith.constant 340 : i32
      %scan3A_70 = arith.constant 0 : i32
      %scan3A_71 = arith.constant 340 : i32
      %scan3A_72 = arith.addi %scan3A_70, %scan3A_71 : i32
      %scan3A_73 = arith.constant 1 : i32
      %scan3A_74 = scf.for %scan3A_118 = %scan3A_70 to %scan3A_72 step %scan3A_73 iter_args(%scan3A_119 = %broadcast_in_dim3A_36) -> (vector<16xi32>)  : i32 {
        %mul3A_120 = arith.constant 16 : i32
        %mul3A_121 = arith.muli %scan3A_118, %mul3A_120 : i32
        %get3A = arith.index_cast %mul3A_121 : i32 to index
        %get3A_122 = tpu.vector_load %arg14[%get3A] {strides = array<i32>} : memref<5440xi32, #tpu.memory_space<vmem>>, vector<16xi32>,
        %and3A = arith.andi %get3A_122, %broadcast_in_dim3A_40 : vector<16xi32>
        %eq3A_123 = arith.cmpi eq, %and3A, %shift_left3A_57 : vector<16xi32>
        %jit3A = arith.constant 1 : i32
        %jit3A_124 = arith.constant 0 : i32
        %broadcast_in_dim3A_125 = vector.broadcast %jit3A : i32 to vector<16xi32>
        %broadcast_in_dim3A_126 = vector.broadcast %jit3A_124 : i32 to vector<16xi32>
        %select_n3A = arith.select %eq3A_123, %broadcast_in_dim3A_125, %broadcast_in_dim3A_126 : vector<16xi1>, vector<16xi32>
        %broadcast_in_dim3A_127 = arith.constant true
        %broadcast_in_dim3A_128 = vector.broadcast %broadcast_in_dim3A_127 : i1 to vector<16xi1>
        %masked_cumsum3A = tpu.scan <sum>, %select_n3A masked %broadcast_in_dim3A_128 : vector<16xi32>, vector<16xi1> -> vector<16xi32>
        %add3A_129 = arith.addi %scan3A_119, %masked_cumsum3A : vector<16xi32>
        %sub3A_130 = arith.constant 1 : i32
        %sub3A_131 = vector.broadcast %sub3A_130 : i32 to vector<16xi32>
        %sub3A_132 = arith.subi %add3A_129, %sub3A_131 : vector<16xi32>
        tpu.vector_store_idx %arg15[%sub3A_132], %get3A_122 masked %eq3A_123 : memref<5440xi32, #tpu.memory_space<vmem>>[vector<16xi32>], vector<16xi32>, vector<16xi1>
        %all_reduce_population_count3A = tpu.all_reduce %eq3A_123 {dim = 0 : i64, kind = #tpu.reduction_kind<sum>} : vector<16xi1> -> vector<16xi32>
        %add3A_133 = arith.addi %scan3A_119, %all_reduce_population_count3A : vector<16xi32>
        scf.yield %add3A_133 : vector<16xi32>
      }
      %scan3A_75 = arith.constant 340 : i32
      %add3A_76 = arith.constant 15 : i32
      %add3A_77 = vector.broadcast %add3A_76 : i32 to vector<16xi32>
      %add3A_78 = arith.addi %scan3A_74, %add3A_77 : vector<16xi32>
      %shift_right_arithmetic3A = arith.constant 4 : i32
      %shift_right_arithmetic3A_79 = vector.broadcast %shift_right_arithmetic3A : i32 to vector<16xi32>
      %shift_right_arithmetic3A_80 = arith.shrsi %add3A_78, %shift_right_arithmetic3A_79 : vector<16xi32>
      %reduce_max3A = arith.constant true
      %reduce_max3A_81 = vector.broadcast %reduce_max3A : i1 to vector<16xi1>
      %reduce_max3A_82 = arith.constant -2147483648 : i32
      %reduce_max3A_83 = vector.broadcast %reduce_max3A_82 : i32 to vector<16xi32>
      %reduce_max3A_84 = arith.xori %shift_right_arithmetic3A_80, %reduce_max3A_83 : vector<16xi32>
      %reduce_max3A_85 = tpu.scan <max>, %reduce_max3A_84 masked %reduce_max3A_81 : vector<16xi32>, vector<16xi1> -> vector<16xi32>
      %reduce_max3A_86 = arith.xori %reduce_max3A_85, %reduce_max3A_83 : vector<16xi32>
      %reduce_max3A_87 = vector.extract %reduce_max3A_86[15] : i32 from vector<16xi32>
      %broadcast_in_dim3A_88 = arith.constant 65535 : i32
      %broadcast_in_dim3A_89 = vector.broadcast %broadcast_in_dim3A_88 : i32 to vector<16xi32>
      %sub3A = arith.subi %broadcast_in_dim3A_38, %scan3A_62 : vector<16xi32>
      %scan3A_90 = arith.constant 0 : i32
      %scan3A_91 = arith.constant 16 : i32
      %scan3A_92 = arith.addi %scan3A_90, %scan3A_91 : i32
      %scan3A_93 = arith.constant 1 : i32
      %scan3A_94:2 = scf.for %scan3A_118 = %scan3A_90 to %scan3A_92 step %scan3A_93 iter_args(%scan3A_119 = %broadcast_in_dim3A_36, %scan3A_120 = %broadcast_in_dim3A_89) -> (vector<16xi32>, vector<16xi32>)  : i32 {
        %add3A_121 = arith.addi %scan3A_119, %scan3A_120 : vector<16xi32>
        %add3A_122 = arith.constant 1 : i32
        %add3A_123 = vector.broadcast %add3A_122 : i32 to vector<16xi32>
        %add3A_124 = arith.addi %add3A_121, %add3A_123 : vector<16xi32>
        %shift_right_arithmetic3A_125 = arith.constant 1 : i32
        %shift_right_arithmetic3A_126 = vector.broadcast %shift_right_arithmetic3A_125 : i32 to vector<16xi32>
        %shift_right_arithmetic3A_127 = arith.shrsi %add3A_124, %shift_right_arithmetic3A_126 : vector<16xi32>
        %add3A_128 = arith.addi %shift_left3A_57, %shift_right_arithmetic3A_127 : vector<16xi32>
        %while3A = arith.constant 0 : i32
        %while3A_129 = arith.subi %reduce_max3A_87, %while3A : i32
        %while3A_130 = arith.addi %while3A, %while3A_129 : i32
        %while3A_131 = arith.constant 1 : i32
        %while3A_132 = arith.divsi %while3A_129, %while3A_131 : i32
        %while3A_133 = arith.muli %while3A_132, %while3A_131 : i32
        %while3A_134 = arith.addi %while3A, %while3A_133 : i32
        %while3A_135 = arith.constant 1 : i32
        %while3A_136 = scf.for %while3A_143 = %while3A to %while3A_134 step %while3A_135 iter_args(%while3A_144 = %broadcast_in_dim3A_36) -> (vector<16xi32>)  : i32 {
          %mul3A_145 = arith.constant 16 : i32
          %mul3A_146 = arith.muli %while3A_143, %mul3A_145 : i32
          %get3A = arith.index_cast %mul3A_146 : i32 to index
          %get3A_147 = tpu.vector_load %arg15[%get3A] {strides = array<i32>} : memref<5440xi32, #tpu.memory_space<vmem>>, vector<16xi32>,
          %ge3A_148 = arith.cmpi sge, %get3A_147, %add3A_128 : vector<16xi32>
          %all_reduce_population_count3A = tpu.all_reduce %ge3A_148 {dim = 0 : i64, kind = #tpu.reduction_kind<sum>} : vector<16xi1> -> vector<16xi32>
          %add3A_149 = arith.addi %while3A_144, %all_reduce_population_count3A : vector<16xi32>
          scf.yield %add3A_149 : vector<16xi32>
        }
        %while3A_137 = arith.constant 1 : i32
        %while3A_138 = scf.for %while3A_143 = %while3A_134 to %while3A_130 step %while3A_137 iter_args(%while3A_144 = %while3A_136) -> (vector<16xi32>)  : i32 {
          %mul3A_145 = arith.constant 16 : i32
          %mul3A_146 = arith.muli %while3A_143, %mul3A_145 : i32
          %get3A = arith.index_cast %mul3A_146 : i32 to index
          %get3A_147 = tpu.vector_load %arg15[%get3A] {strides = array<i32>} : memref<5440xi32, #tpu.memory_space<vmem>>, vector<16xi32>,
          %ge3A_148 = arith.cmpi sge, %get3A_147, %add3A_128 : vector<16xi32>
          %all_reduce_population_count3A = tpu.all_reduce %ge3A_148 {dim = 0 : i64, kind = #tpu.reduction_kind<sum>} : vector<16xi1> -> vector<16xi32>
          %add3A_149 = arith.addi %while3A_144, %all_reduce_population_count3A : vector<16xi32>
          scf.yield %add3A_149 : vector<16xi32>
        }
        %ge3A = arith.cmpi sge, %while3A_138, %sub3A : vector<16xi32>
        %select_n3A = arith.select %ge3A, %shift_right_arithmetic3A_127, %scan3A_119 : vector<16xi1>, vector<16xi32>
        %sub3A_139 = arith.constant 1 : i32
        %sub3A_140 = vector.broadcast %sub3A_139 : i32 to vector<16xi32>
        %sub3A_141 = arith.subi %shift_right_arithmetic3A_127, %sub3A_140 : vector<16xi32>
        %select_n3A_142 = arith.select %ge3A, %scan3A_120, %sub3A_141 : vector<16xi1>, vector<16xi32>
        scf.yield %select_n3A, %select_n3A_142 : vector<16xi32>, vector<16xi32>
      }
      %scan3A_95 = arith.constant 16 : i32
      %add3A_96 = arith.addi %shift_left3A_57, %scan3A_94#0 : vector<16xi32>
      %scan3A_97 = arith.constant 0 : i32
      %scan3A_98 = arith.constant 0 : i32
      %scan3A_99 = arith.constant 64 : i32
      %scan3A_100 = arith.addi %scan3A_98, %scan3A_99 : i32
      %scan3A_101 = arith.constant 1 : i32
      scf.for %scan3A_118 = %scan3A_98 to %scan3A_100 step %scan3A_101  : i32 {
        %mul3A_119 = arith.constant 16 : i32
        %mul3A_120 = arith.muli %scan3A_118, %mul3A_119 : i32
        %swap3A = arith.index_cast %mul3A_120 : i32 to index
        %swap3A_121 = tpu.vector_load %arg19[%swap3A] {strides = array<i32>} : memref<1024xi32, #tpu.memory_space<vmem>>, vector<16xi32>,
        tpu.vector_store %arg19[%swap3A], %broadcast_in_dim3A_36 {strides = array<i32>} : memref<1024xi32, #tpu.memory_space<vmem>>, vector<16xi32>,
        %broadcast_in_dim3A_122 = arith.constant 10880 : i32
        %broadcast_in_dim3A_123 = vector.broadcast %broadcast_in_dim3A_122 : i32 to vector<16xi32>
        %swap3A_124 = arith.index_cast %mul3A_120 : i32 to index
        %swap3A_125 = tpu.vector_load %arg20[%swap3A_124] {strides = array<i32>} : memref<1024xi32, #tpu.memory_space<vmem>>, vector<16xi32>,
        tpu.vector_store %arg20[%swap3A_124], %broadcast_in_dim3A_123 {strides = array<i32>} : memref<1024xi32, #tpu.memory_space<vmem>>, vector<16xi32>,
        %broadcast_in_dim3A_126 = arith.constant 0.000000e+00 : f32
        %broadcast_in_dim3A_127 = vector.broadcast %broadcast_in_dim3A_126 : f32 to vector<16xf32>
        %swap3A_128 = arith.index_cast %mul3A_120 : i32 to index
        %swap3A_129 = tpu.vector_load %arg21[%swap3A_128] {strides = array<i32>} : memref<1024xf32, #tpu.memory_space<vmem>>, vector<16xf32>,
        tpu.vector_store %arg21[%swap3A_128], %broadcast_in_dim3A_127 {strides = array<i32>} : memref<1024xf32, #tpu.memory_space<vmem>>, vector<16xf32>,
        %swap3A_130 = arith.index_cast %mul3A_120 : i32 to index
        %swap3A_131 = tpu.vector_load %arg22[%swap3A_130] {strides = array<i32>} : memref<1024xf32, #tpu.memory_space<vmem>>, vector<16xf32>,
        tpu.vector_store %arg22[%swap3A_130], %broadcast_in_dim3A_127 {strides = array<i32>} : memref<1024xf32, #tpu.memory_space<vmem>>, vector<16xf32>,
        %swap3A_132 = arith.index_cast %mul3A_120 : i32 to index
        %swap3A_133 = tpu.vector_load %arg23[%swap3A_132] {strides = array<i32>} : memref<1024xf32, #tpu.memory_space<vmem>>, vector<16xf32>,
        tpu.vector_store %arg23[%swap3A_132], %broadcast_in_dim3A_127 {strides = array<i32>} : memref<1024xf32, #tpu.memory_space<vmem>>, vector<16xf32>,
      }
      %scan3A_102 = arith.constant 64 : i32
      %iota3A = tpu.iota {dimensions = array<i32: 0>} : vector<16xi32>
      %scan3A_103 = arith.constant 0 : i32
      %scan3A_104 = arith.constant 340 : i32
      %scan3A_105 = arith.addi %scan3A_103, %scan3A_104 : i32
      %scan3A_106 = arith.constant 1 : i32
      %scan3A_107 = scf.for %scan3A_118 = %scan3A_103 to %scan3A_105 step %scan3A_106 iter_args(%scan3A_119 = %broadcast_in_dim3A_36) -> (vector<16xi32>)  : i32 {
        %mul3A_120 = arith.constant 16 : i32
        %mul3A_121 = arith.muli %scan3A_118, %mul3A_120 : i32
        %get3A = arith.index_cast %mul3A_121 : i32 to index
        %get3A_122 = tpu.vector_load %arg14[%get3A] {strides = array<i32>} : memref<5440xi32, #tpu.memory_space<vmem>>, vector<16xi32>,
        %gt3A_123 = arith.cmpi sgt, %get3A_122, %add3A_96 : vector<16xi32>
        %jit3A = arith.constant 1 : i32
        %jit3A_124 = arith.constant 0 : i32
        %broadcast_in_dim3A_125 = vector.broadcast %jit3A : i32 to vector<16xi32>
        %broadcast_in_dim3A_126 = vector.broadcast %jit3A_124 : i32 to vector<16xi32>
        %select_n3A = arith.select %gt3A_123, %broadcast_in_dim3A_125, %broadcast_in_dim3A_126 : vector<16xi1>, vector<16xi32>
        %broadcast_in_dim3A_127 = arith.constant true
        %broadcast_in_dim3A_128 = vector.broadcast %broadcast_in_dim3A_127 : i1 to vector<16xi1>
        %masked_cumsum3A = tpu.scan <sum>, %select_n3A masked %broadcast_in_dim3A_128 : vector<16xi32>, vector<16xi1> -> vector<16xi32>
        %add3A_129 = arith.addi %scan3A_119, %masked_cumsum3A : vector<16xi32>
        %sub3A_130 = arith.constant 1 : i32
        %sub3A_131 = vector.broadcast %sub3A_130 : i32 to vector<16xi32>
        %sub3A_132 = arith.subi %add3A_129, %sub3A_131 : vector<16xi32>
        %mul3A_133 = arith.constant 5440 : i32
        %mul3A_134 = arith.muli %arg0, %mul3A_133 : i32
        %mul3A_135 = arith.constant 16 : i32
        %mul3A_136 = arith.muli %scan3A_118, %mul3A_135 : i32
        %add3A_137 = arith.addi %mul3A_134, %mul3A_136 : i32
        %add3A_138 = vector.broadcast %add3A_137 : i32 to vector<16xi32>
        %add3A_139 = arith.addi %add3A_138, %iota3A : vector<16xi32>
        tpu.vector_store_idx %arg19[%sub3A_132], %add3A_139 masked %gt3A_123 : memref<1024xi32, #tpu.memory_space<vmem>>[vector<16xi32>], vector<16xi32>, vector<16xi1>
        tpu.vector_store_idx %arg20[%sub3A_132], %add3A_139 masked %gt3A_123 : memref<1024xi32, #tpu.memory_space<vmem>>[vector<16xi32>], vector<16xi32>, vector<16xi1>
        %mul3A_140 = arith.constant 16 : i32
        %mul3A_141 = arith.muli %scan3A_118, %mul3A_140 : i32
        %get3A_142 = arith.index_cast %mul3A_141 : i32 to index
        %get3A_143 = tpu.vector_load %arg16[%get3A_142] {strides = array<i32>} : memref<5440xf32, #tpu.memory_space<vmem>>, vector<16xf32>,
        tpu.vector_store_idx %arg21[%sub3A_132], %get3A_143 masked %gt3A_123 : memref<1024xf32, #tpu.memory_space<vmem>>[vector<16xi32>], vector<16xf32>, vector<16xi1>
        %get3A_144 = arith.index_cast %mul3A_141 : i32 to index
        %get3A_145 = tpu.vector_load %arg17[%get3A_144] {strides = array<i32>} : memref<5440xf32, #tpu.memory_space<vmem>>, vector<16xf32>,
        tpu.vector_store_idx %arg22[%sub3A_132], %get3A_145 masked %gt3A_123 : memref<1024xf32, #tpu.memory_space<vmem>>[vector<16xi32>], vector<16xf32>, vector<16xi1>
        %get3A_146 = arith.index_cast %mul3A_141 : i32 to index
        %get3A_147 = tpu.vector_load %arg18[%get3A_146] {strides = array<i32>} : memref<5440xf32, #tpu.memory_space<vmem>>, vector<16xf32>,
        tpu.vector_store_idx %arg23[%sub3A_132], %get3A_147 masked %gt3A_123 : memref<1024xf32, #tpu.memory_space<vmem>>[vector<16xi32>], vector<16xf32>, vector<16xi1>
        %all_reduce_population_count3A = tpu.all_reduce %gt3A_123 {dim = 0 : i64, kind = #tpu.reduction_kind<sum>} : vector<16xi1> -> vector<16xi32>
        %add3A_148 = arith.addi %scan3A_119, %all_reduce_population_count3A : vector<16xi32>
        scf.yield %add3A_148 : vector<16xi32>
      }
      %scan3A_108 = arith.constant 340 : i32
      %scan3A_109 = arith.constant 0 : i32
      %scan3A_110 = arith.constant 340 : i32
      %scan3A_111 = arith.addi %scan3A_109, %scan3A_110 : i32
      %scan3A_112 = arith.constant 1 : i32
      %scan3A_113 = scf.for %scan3A_118 = %scan3A_109 to %scan3A_111 step %scan3A_112 iter_args(%scan3A_119 = %scan3A_107) -> (vector<16xi32>)  : i32 {
        %mul3A_120 = arith.constant 16 : i32
        %mul3A_121 = arith.muli %scan3A_118, %mul3A_120 : i32
        %get3A = arith.index_cast %mul3A_121 : i32 to index
        %get3A_122 = tpu.vector_load %arg14[%get3A] {strides = array<i32>} : memref<5440xi32, #tpu.memory_space<vmem>>, vector<16xi32>,
        %eq3A_123 = arith.cmpi eq, %get3A_122, %add3A_96 : vector<16xi32>
        %jit3A = arith.constant 1 : i32
        %jit3A_124 = arith.constant 0 : i32
        %broadcast_in_dim3A_125 = vector.broadcast %jit3A : i32 to vector<16xi32>
        %broadcast_in_dim3A_126 = vector.broadcast %jit3A_124 : i32 to vector<16xi32>
        %select_n3A = arith.select %eq3A_123, %broadcast_in_dim3A_125, %broadcast_in_dim3A_126 : vector<16xi1>, vector<16xi32>
        %broadcast_in_dim3A_127 = arith.constant true
        %broadcast_in_dim3A_128 = vector.broadcast %broadcast_in_dim3A_127 : i1 to vector<16xi1>
        %masked_cumsum3A = tpu.scan <sum>, %select_n3A masked %broadcast_in_dim3A_128 : vector<16xi32>, vector<16xi1> -> vector<16xi32>
        %add3A_129 = arith.addi %scan3A_119, %masked_cumsum3A : vector<16xi32>
        %sub3A_130 = arith.constant 1 : i32
        %sub3A_131 = vector.broadcast %sub3A_130 : i32 to vector<16xi32>
        %sub3A_132 = arith.subi %add3A_129, %sub3A_131 : vector<16xi32>
        %lt3A = arith.constant 1000 : i32
        %lt3A_133 = vector.broadcast %lt3A : i32 to vector<16xi32>
        %lt3A_134 = arith.cmpi slt, %sub3A_132, %lt3A_133 : vector<16xi32>
        %and3A = arith.andi %eq3A_123, %lt3A_134 : vector<16xi1>
        %mul3A_135 = arith.constant 5440 : i32
        %mul3A_136 = arith.muli %arg0, %mul3A_135 : i32
        %mul3A_137 = arith.constant 16 : i32
        %mul3A_138 = arith.muli %scan3A_118, %mul3A_137 : i32
        %add3A_139 = arith.addi %mul3A_136, %mul3A_138 : i32
        %add3A_140 = vector.broadcast %add3A_139 : i32 to vector<16xi32>
        %add3A_141 = arith.addi %add3A_140, %iota3A : vector<16xi32>
        tpu.vector_store_idx %arg19[%sub3A_132], %add3A_141 masked %and3A : memref<1024xi32, #tpu.memory_space<vmem>>[vector<16xi32>], vector<16xi32>, vector<16xi1>
        tpu.vector_store_idx %arg20[%sub3A_132], %add3A_141 masked %and3A : memref<1024xi32, #tpu.memory_space<vmem>>[vector<16xi32>], vector<16xi32>, vector<16xi1>
        %mul3A_142 = arith.constant 16 : i32
        %mul3A_143 = arith.muli %scan3A_118, %mul3A_142 : i32
        %get3A_144 = arith.index_cast %mul3A_143 : i32 to index
        %get3A_145 = tpu.vector_load %arg16[%get3A_144] {strides = array<i32>} : memref<5440xf32, #tpu.memory_space<vmem>>, vector<16xf32>,
        tpu.vector_store_idx %arg21[%sub3A_132], %get3A_145 masked %and3A : memref<1024xf32, #tpu.memory_space<vmem>>[vector<16xi32>], vector<16xf32>, vector<16xi1>
        %get3A_146 = arith.index_cast %mul3A_143 : i32 to index
        %get3A_147 = tpu.vector_load %arg17[%get3A_146] {strides = array<i32>} : memref<5440xf32, #tpu.memory_space<vmem>>, vector<16xf32>,
        tpu.vector_store_idx %arg22[%sub3A_132], %get3A_147 masked %and3A : memref<1024xf32, #tpu.memory_space<vmem>>[vector<16xi32>], vector<16xf32>, vector<16xi1>
        %get3A_148 = arith.index_cast %mul3A_143 : i32 to index
        %get3A_149 = tpu.vector_load %arg18[%get3A_148] {strides = array<i32>} : memref<5440xf32, #tpu.memory_space<vmem>>, vector<16xf32>,
        tpu.vector_store_idx %arg23[%sub3A_132], %get3A_149 masked %and3A : memref<1024xf32, #tpu.memory_space<vmem>>[vector<16xi32>], vector<16xf32>, vector<16xi1>
        %all_reduce_population_count3A = tpu.all_reduce %eq3A_123 {dim = 0 : i64, kind = #tpu.reduction_kind<sum>} : vector<16xi1> -> vector<16xi32>
        %add3A_150 = arith.addi %scan3A_119, %all_reduce_population_count3A : vector<16xi32>
        scf.yield %add3A_150 : vector<16xi32>
      }
      %scan3A_114 = arith.constant 340 : i32
      %mul3A_115 = arith.constant 1024 : i32
      %mul3A_116 = arith.muli %arg0, %mul3A_115 : i32
      %multiple_of3A_117 = tpu.assume_multiple %mul3A_116, 8 : i32
      "tpu.region"() ({
        %run_scoped3A = tpu.sem_alloc : memref<!tpu.dma_semaphore, #tpu.memory_space<semaphore_mem>>
        %dma_start3A_118 = tpu.memref_slice %arg10[%multiple_of3A_117] : memref<2048xi32, #tpu.memory_space<hbm>> -> memref<1024xi32, #tpu.memory_space<hbm>>
        %dma_start3A_119 = tpu.memref_slice %arg10[%multiple_of3A_117] : memref<2048xi32, #tpu.memory_space<hbm>> -> memref<1024xi32, #tpu.memory_space<hbm>>
        tpu.enqueue_dma source(%arg20 : memref<1024xi32, #tpu.memory_space<vmem>>) target(%dma_start3A_119 : memref<1024xi32, #tpu.memory_space<hbm>>) target_semaphore(%run_scoped3A : memref<!tpu.dma_semaphore, #tpu.memory_space<semaphore_mem>>)
        %dma_wait3A_120 = tpu.memref_slice %arg10[%multiple_of3A_117] : memref<2048xi32, #tpu.memory_space<hbm>> -> memref<1024xi32, #tpu.memory_space<hbm>>
        %dma_wait3A_121 = tpu.memref_slice %arg10[%multiple_of3A_117] : memref<2048xi32, #tpu.memory_space<hbm>> -> memref<1024xi32, #tpu.memory_space<hbm>>
        tpu.wait_dma2 semaphore(%run_scoped3A : memref<!tpu.dma_semaphore, #tpu.memory_space<semaphore_mem>>) src(%arg20 : memref<1024xi32, #tpu.memory_space<vmem>>) dst(%dma_wait3A_121 : memref<1024xi32, #tpu.memory_space<hbm>>)
        tpu.yield
      }) : () -> ()
      "tpu.region"() ({
        %run_scoped3A = tpu.sem_alloc : memref<!tpu.dma_semaphore, #tpu.memory_space<semaphore_mem>>
        %dma_start3A_118 = tpu.memref_slice %arg11[%multiple_of3A_117] : memref<2048xf32, #tpu.memory_space<hbm>> -> memref<1024xf32, #tpu.memory_space<hbm>>
        %dma_start3A_119 = tpu.memref_slice %arg11[%multiple_of3A_117] : memref<2048xf32, #tpu.memory_space<hbm>> -> memref<1024xf32, #tpu.memory_space<hbm>>
        tpu.enqueue_dma source(%arg21 : memref<1024xf32, #tpu.memory_space<vmem>>) target(%dma_start3A_119 : memref<1024xf32, #tpu.memory_space<hbm>>) target_semaphore(%run_scoped3A : memref<!tpu.dma_semaphore, #tpu.memory_space<semaphore_mem>>)
        %dma_wait3A_120 = tpu.memref_slice %arg11[%multiple_of3A_117] : memref<2048xf32, #tpu.memory_space<hbm>> -> memref<1024xf32, #tpu.memory_space<hbm>>
        %dma_wait3A_121 = tpu.memref_slice %arg11[%multiple_of3A_117] : memref<2048xf32, #tpu.memory_space<hbm>> -> memref<1024xf32, #tpu.memory_space<hbm>>
        tpu.wait_dma2 semaphore(%run_scoped3A : memref<!tpu.dma_semaphore, #tpu.memory_space<semaphore_mem>>) src(%arg21 : memref<1024xf32, #tpu.memory_space<vmem>>) dst(%dma_wait3A_121 : memref<1024xf32, #tpu.memory_space<hbm>>)
        tpu.yield
      }) : () -> ()
      "tpu.region"() ({
        %run_scoped3A = tpu.sem_alloc : memref<!tpu.dma_semaphore, #tpu.memory_space<semaphore_mem>>
        %dma_start3A_118 = tpu.memref_slice %arg12[%multiple_of3A_117] : memref<2048xf32, #tpu.memory_space<hbm>> -> memref<1024xf32, #tpu.memory_space<hbm>>
        %dma_start3A_119 = tpu.memref_slice %arg12[%multiple_of3A_117] : memref<2048xf32, #tpu.memory_space<hbm>> -> memref<1024xf32, #tpu.memory_space<hbm>>
        tpu.enqueue_dma source(%arg22 : memref<1024xf32, #tpu.memory_space<vmem>>) target(%dma_start3A_119 : memref<1024xf32, #tpu.memory_space<hbm>>) target_semaphore(%run_scoped3A : memref<!tpu.dma_semaphore, #tpu.memory_space<semaphore_mem>>)
        %dma_wait3A_120 = tpu.memref_slice %arg12[%multiple_of3A_117] : memref<2048xf32, #tpu.memory_space<hbm>> -> memref<1024xf32, #tpu.memory_space<hbm>>
        %dma_wait3A_121 = tpu.memref_slice %arg12[%multiple_of3A_117] : memref<2048xf32, #tpu.memory_space<hbm>> -> memref<1024xf32, #tpu.memory_space<hbm>>
        tpu.wait_dma2 semaphore(%run_scoped3A : memref<!tpu.dma_semaphore, #tpu.memory_space<semaphore_mem>>) src(%arg22 : memref<1024xf32, #tpu.memory_space<vmem>>) dst(%dma_wait3A_121 : memref<1024xf32, #tpu.memory_space<hbm>>)
        tpu.yield
      }) : () -> ()
      "tpu.region"() ({
        %run_scoped3A = tpu.sem_alloc : memref<!tpu.dma_semaphore, #tpu.memory_space<semaphore_mem>>
        %dma_start3A_118 = tpu.memref_slice %arg13[%multiple_of3A_117] : memref<2048xf32, #tpu.memory_space<hbm>> -> memref<1024xf32, #tpu.memory_space<hbm>>
        %dma_start3A_119 = tpu.memref_slice %arg13[%multiple_of3A_117] : memref<2048xf32, #tpu.memory_space<hbm>> -> memref<1024xf32, #tpu.memory_space<hbm>>
        tpu.enqueue_dma source(%arg23 : memref<1024xf32, #tpu.memory_space<vmem>>) target(%dma_start3A_119 : memref<1024xf32, #tpu.memory_space<hbm>>) target_semaphore(%run_scoped3A : memref<!tpu.dma_semaphore, #tpu.memory_space<semaphore_mem>>)
        %dma_wait3A_120 = tpu.memref_slice %arg13[%multiple_of3A_117] : memref<2048xf32, #tpu.memory_space<hbm>> -> memref<1024xf32, #tpu.memory_space<hbm>>
        %dma_wait3A_121 = tpu.memref_slice %arg13[%multiple_of3A_117] : memref<2048xf32, #tpu.memory_space<hbm>> -> memref<1024xf32, #tpu.memory_space<hbm>>
        tpu.wait_dma2 semaphore(%run_scoped3A : memref<!tpu.dma_semaphore, #tpu.memory_space<semaphore_mem>>) src(%arg23 : memref<1024xf32, #tpu.memory_space<vmem>>) dst(%dma_wait3A_121 : memref<1024xf32, #tpu.memory_space<hbm>>)
        tpu.yield
      }) : () -> ()
      "tpu.region"() ({
        %run_scoped3A = tpu.sem_alloc : memref<!tpu.dma_semaphore, #tpu.memory_space<semaphore_mem>>
        tpu.enqueue_dma source(%arg19 : memref<1024xi32, #tpu.memory_space<vmem>>) target(%arg27 : memref<1024xi32, #tpu.memory_space<vmem_shared>>) target_semaphore(%run_scoped3A : memref<!tpu.dma_semaphore, #tpu.memory_space<semaphore_mem>>)
        tpu.wait_dma2 semaphore(%run_scoped3A : memref<!tpu.dma_semaphore, #tpu.memory_space<semaphore_mem>>) src(%arg19 : memref<1024xi32, #tpu.memory_space<vmem>>) dst(%arg27 : memref<1024xi32, #tpu.memory_space<vmem_shared>>)
        tpu.yield
      }) : () -> ()
    } else {
    }
    %gt3A = arith.constant 0 : i32
    %gt3A_2 = arith.cmpi sgt, %arg1, %gt3A : i32
    %convert_element_type3A_3 = arith.extui %gt3A_2 : i1 to i32
    %cond3A_4 = arith.constant 0 : i32
    %cond3A_5 = arith.cmpi ne, %convert_element_type3A_3, %cond3A_4 : i32
    scf.if %cond3A_5 {
      %mul3A_33 = arith.constant 5440 : i32
      %mul3A_34 = arith.muli %arg0, %mul3A_33 : i32
      %scan3A = arith.constant 0 : i32
      %scan3A_35 = arith.constant 0 : i32
      %scan3A_36 = arith.constant 10 : i32
      %scan3A_37 = arith.addi %scan3A_35, %scan3A_36 : i32
      %scan3A_38 = arith.constant 1 : i32
      scf.for %scan3A_40 = %scan3A_35 to %scan3A_37 step %scan3A_38  : i32 {
        %mul3A_41 = arith.constant 15 : i32
        %mul3A_42 = arith.muli %scan3A_40, %mul3A_41 : i32
        %sub3A = arith.constant 1 : i32
        %sub3A_43 = arith.subi %arg1, %sub3A : i32
        %add3A_44 = arith.addi %mul3A_42, %sub3A_43 : i32
        %lt3A = arith.constant 136 : i32
        %lt3A_45 = arith.cmpi slt, %add3A_44, %lt3A : i32
        %convert_element_type3A_46 = arith.extui %lt3A_45 : i1 to i32
        %cond3A_47 = arith.constant 0 : i32
        %cond3A_48 = arith.cmpi ne, %convert_element_type3A_46, %cond3A_47 : i32
        scf.if %cond3A_48 {
          %mul3A_49 = arith.constant 40 : i32
          %mul3A_50 = arith.muli %add3A_44, %mul3A_49 : i32
          %add3A_51 = arith.addi %mul3A_34, %mul3A_50 : i32
          %multiple_of3A_52 = tpu.assume_multiple %add3A_51, 8 : i32
          "tpu.region"() ({
            %run_scoped3A = tpu.sem_alloc : memref<!tpu.dma_semaphore, #tpu.memory_space<semaphore_mem>>
            %dma_start3A_53 = arith.constant 0 : i32
            %dma_start3A_54 = tpu.memref_slice %arg7[%multiple_of3A_52, %dma_start3A_53] : memref<10880x1024xf32, #tpu.memory_space<hbm>> -> memref<40x1024xf32, #tpu.memory_space<hbm>>
            %dma_start3A_55 = arith.constant 0 : i32
            %dma_start3A_56 = tpu.memref_slice %arg7[%multiple_of3A_52, %dma_start3A_55] : memref<10880x1024xf32, #tpu.memory_space<hbm>> -> memref<40x1024xf32, #tpu.memory_space<hbm>>
            tpu.enqueue_dma source(%dma_start3A_56 : memref<40x1024xf32, #tpu.memory_space<hbm>>) target(%arg24 : memref<40x1024xf32, #tpu.memory_space<vmem>>) target_semaphore(%run_scoped3A : memref<!tpu.dma_semaphore, #tpu.memory_space<semaphore_mem>>)
            %dma_wait3A_57 = arith.constant 0 : i32
            %dma_wait3A_58 = tpu.memref_slice %arg7[%multiple_of3A_52, %dma_wait3A_57] : memref<10880x1024xf32, #tpu.memory_space<hbm>> -> memref<40x1024xf32, #tpu.memory_space<hbm>>
            %dma_wait3A_59 = arith.constant 0 : i32
            %dma_wait3A_60 = tpu.memref_slice %arg7[%multiple_of3A_52, %dma_wait3A_59] : memref<10880x1024xf32, #tpu.memory_space<hbm>> -> memref<40x1024xf32, #tpu.memory_space<hbm>>
            tpu.wait_dma2 semaphore(%run_scoped3A : memref<!tpu.dma_semaphore, #tpu.memory_space<semaphore_mem>>) src(%dma_wait3A_60 : memref<40x1024xf32, #tpu.memory_space<hbm>>) dst(%arg24 : memref<40x1024xf32, #tpu.memory_space<vmem>>)
            tpu.yield
          }) : () -> ()
          "tpu.region"() ({
            %run_scoped3A = tpu.sem_alloc : memref<!tpu.dma_semaphore, #tpu.memory_space<semaphore_mem>>
            %dma_start3A_53 = arith.constant 0 : i32
            %dma_start3A_54 = tpu.memref_slice %arg8[%multiple_of3A_52, %dma_start3A_53] : memref<10888x1024xf32, #tpu.memory_space<hbm>> -> memref<40x1024xf32, #tpu.memory_space<hbm>>
            %dma_start3A_55 = arith.constant 0 : i32
            %dma_start3A_56 = tpu.memref_slice %arg8[%multiple_of3A_52, %dma_start3A_55] : memref<10888x1024xf32, #tpu.memory_space<hbm>> -> memref<40x1024xf32, #tpu.memory_space<hbm>>
            tpu.enqueue_dma source(%arg24 : memref<40x1024xf32, #tpu.memory_space<vmem>>) target(%dma_start3A_56 : memref<40x1024xf32, #tpu.memory_space<hbm>>) target_semaphore(%run_scoped3A : memref<!tpu.dma_semaphore, #tpu.memory_space<semaphore_mem>>)
            %dma_wait3A_57 = arith.constant 0 : i32
            %dma_wait3A_58 = tpu.memref_slice %arg8[%multiple_of3A_52, %dma_wait3A_57] : memref<10888x1024xf32, #tpu.memory_space<hbm>> -> memref<40x1024xf32, #tpu.memory_space<hbm>>
            %dma_wait3A_59 = arith.constant 0 : i32
            %dma_wait3A_60 = tpu.memref_slice %arg8[%multiple_of3A_52, %dma_wait3A_59] : memref<10888x1024xf32, #tpu.memory_space<hbm>> -> memref<40x1024xf32, #tpu.memory_space<hbm>>
            tpu.wait_dma2 semaphore(%run_scoped3A : memref<!tpu.dma_semaphore, #tpu.memory_space<semaphore_mem>>) src(%arg24 : memref<40x1024xf32, #tpu.memory_space<vmem>>) dst(%dma_wait3A_60 : memref<40x1024xf32, #tpu.memory_space<hbm>>)
            tpu.yield
          }) : () -> ()
        } else {
        }
      }
      %scan3A_39 = arith.constant 10 : i32
    } else {
    }
    %barrier3A = arith.constant 0 : index
    tpu.barrier barrier_id(%barrier3A)
    %mul3A = arith.constant 1024 : i32
    %mul3A_6 = arith.muli %arg0, %mul3A : i32
    %mul3A_7 = arith.constant 64 : i32
    %mul3A_8 = arith.muli %arg1, %mul3A_7 : i32
    %add3A = arith.addi %mul3A_6, %mul3A_8 : i32
    %multiple_of3A = tpu.assume_multiple %add3A, 8 : i32
    %mul3A_9 = arith.constant 64 : i32
    %mul3A_10 = arith.muli %arg1, %mul3A_9 : i32
    "tpu.region"() ({
      %run_scoped3A = tpu.sem_alloc : memref<!tpu.dma_semaphore, #tpu.memory_space<semaphore_mem>>
      %dma_start3A_33 = tpu.memref_slice %arg27[%mul3A_10] : memref<1024xi32, #tpu.memory_space<vmem_shared>> -> memref<64xi32, #tpu.memory_space<vmem_shared>>
      %dma_start3A_34 = tpu.memref_slice %arg27[%mul3A_10] : memref<1024xi32, #tpu.memory_space<vmem_shared>> -> memref<64xi32, #tpu.memory_space<vmem_shared>>
      tpu.enqueue_dma source(%dma_start3A_34 : memref<64xi32, #tpu.memory_space<vmem_shared>>) target(%arg26 : memref<64xi32, #tpu.memory_space<vmem>>) target_semaphore(%run_scoped3A : memref<!tpu.dma_semaphore, #tpu.memory_space<semaphore_mem>>)
      %dma_wait3A_35 = tpu.memref_slice %arg27[%mul3A_10] : memref<1024xi32, #tpu.memory_space<vmem_shared>> -> memref<64xi32, #tpu.memory_space<vmem_shared>>
      %dma_wait3A_36 = tpu.memref_slice %arg27[%mul3A_10] : memref<1024xi32, #tpu.memory_space<vmem_shared>> -> memref<64xi32, #tpu.memory_space<vmem_shared>>
      tpu.wait_dma2 semaphore(%run_scoped3A : memref<!tpu.dma_semaphore, #tpu.memory_space<semaphore_mem>>) src(%dma_wait3A_36 : memref<64xi32, #tpu.memory_space<vmem_shared>>) dst(%arg26 : memref<64xi32, #tpu.memory_space<vmem>>)
      tpu.yield
    }) : () -> ()
    %dma_start3A = arith.constant 0 : i32
    %dma_start3A_11 = tpu.memref_slice %arg26[%dma_start3A] : memref<64xi32, #tpu.memory_space<vmem>> -> memref<32xi32, #tpu.memory_space<vmem>>
    %dma_start3A_12 = arith.constant 0 : i32
    %dma_start3A_13 = arith.constant 0 : i32
    %dma_start3A_14 = tpu.memref_slice %arg7[%dma_start3A_12, %dma_start3A_13] : memref<10880x1024xf32, #tpu.memory_space<hbm>> -> memref<10880x1024xf32, #tpu.memory_space<hbm>>
    tpu.enqueue_indirect_dma source(%dma_start3A_14 : memref<10880x1024xf32, #tpu.memory_space<hbm>>) target(%arg25 : memref<32x1024xf32, #tpu.memory_space<vmem>>) offsets(%dma_start3A_11 : memref<32xi32, #tpu.memory_space<vmem>>) semaphore(%arg28 : memref<!tpu.dma_semaphore, #tpu.memory_space<semaphore_mem>>)
    %dma_wait3A = arith.constant 0 : i32
    %dma_wait3A_15 = tpu.memref_slice %arg26[%dma_wait3A] : memref<64xi32, #tpu.memory_space<vmem>> -> memref<32xi32, #tpu.memory_space<vmem>>
    %dma_wait3A_16 = arith.constant 0 : i32
    %dma_wait3A_17 = arith.constant 0 : i32
    %dma_wait3A_18 = tpu.memref_slice %arg7[%dma_wait3A_16, %dma_wait3A_17] : memref<10880x1024xf32, #tpu.memory_space<hbm>> -> memref<10880x1024xf32, #tpu.memory_space<hbm>>
    tpu.wait_indirect_dma semaphore(%arg28 : memref<!tpu.dma_semaphore, #tpu.memory_space<semaphore_mem>>) src(%dma_wait3A_18 : memref<10880x1024xf32, #tpu.memory_space<hbm>>) dst(%arg25 : memref<32x1024xf32, #tpu.memory_space<vmem>>)
    %add3A_19 = arith.constant 0 : i32
    %add3A_20 = arith.addi %multiple_of3A, %add3A_19 : i32
    "tpu.region"() ({
      %run_scoped3A = tpu.sem_alloc : memref<!tpu.dma_semaphore, #tpu.memory_space<semaphore_mem>>
      %dma_start3A_33 = arith.constant 0 : i32
      %dma_start3A_34 = tpu.memref_slice %arg9[%add3A_20, %dma_start3A_33] : memref<2048x1024xf32, #tpu.memory_space<hbm>> -> memref<32x1024xf32, #tpu.memory_space<hbm>>
      %dma_start3A_35 = arith.constant 0 : i32
      %dma_start3A_36 = tpu.memref_slice %arg9[%add3A_20, %dma_start3A_35] : memref<2048x1024xf32, #tpu.memory_space<hbm>> -> memref<32x1024xf32, #tpu.memory_space<hbm>>
      tpu.enqueue_dma source(%arg25 : memref<32x1024xf32, #tpu.memory_space<vmem>>) target(%dma_start3A_36 : memref<32x1024xf32, #tpu.memory_space<hbm>>) target_semaphore(%run_scoped3A : memref<!tpu.dma_semaphore, #tpu.memory_space<semaphore_mem>>)
      %dma_wait3A_37 = arith.constant 0 : i32
      %dma_wait3A_38 = tpu.memref_slice %arg9[%add3A_20, %dma_wait3A_37] : memref<2048x1024xf32, #tpu.memory_space<hbm>> -> memref<32x1024xf32, #tpu.memory_space<hbm>>
      %dma_wait3A_39 = arith.constant 0 : i32
      %dma_wait3A_40 = tpu.memref_slice %arg9[%add3A_20, %dma_wait3A_39] : memref<2048x1024xf32, #tpu.memory_space<hbm>> -> memref<32x1024xf32, #tpu.memory_space<hbm>>
      tpu.wait_dma2 semaphore(%run_scoped3A : memref<!tpu.dma_semaphore, #tpu.memory_space<semaphore_mem>>) src(%arg25 : memref<32x1024xf32, #tpu.memory_space<vmem>>) dst(%dma_wait3A_40 : memref<32x1024xf32, #tpu.memory_space<hbm>>)
      tpu.yield
    }) : () -> ()
    %dma_start3A_21 = arith.constant 32 : i32
    %dma_start3A_22 = tpu.memref_slice %arg26[%dma_start3A_21] : memref<64xi32, #tpu.memory_space<vmem>> -> memref<32xi32, #tpu.memory_space<vmem>>
    %dma_start3A_23 = arith.constant 0 : i32
    %dma_start3A_24 = arith.constant 0 : i32
    %dma_start3A_25 = tpu.memref_slice %arg7[%dma_start3A_23, %dma_start3A_24] : memref<10880x1024xf32, #tpu.memory_space<hbm>> -> memref<10880x1024xf32, #tpu.memory_space<hbm>>
    tpu.enqueue_indirect_dma source(%dma_start3A_25 : memref<10880x1024xf32, #tpu.memory_space<hbm>>) target(%arg25 : memref<32x1024xf32, #tpu.memory_space<vmem>>) offsets(%dma_start3A_22 : memref<32xi32, #tpu.memory_space<vmem>>) semaphore(%arg28 : memref<!tpu.dma_semaphore, #tpu.memory_space<semaphore_mem>>)
    %dma_wait3A_26 = arith.constant 32 : i32
    %dma_wait3A_27 = tpu.memref_slice %arg26[%dma_wait3A_26] : memref<64xi32, #tpu.memory_space<vmem>> -> memref<32xi32, #tpu.memory_space<vmem>>
    %dma_wait3A_28 = arith.constant 0 : i32
    %dma_wait3A_29 = arith.constant 0 : i32
    %dma_wait3A_30 = tpu.memref_slice %arg7[%dma_wait3A_28, %dma_wait3A_29] : memref<10880x1024xf32, #tpu.memory_space<hbm>> -> memref<10880x1024xf32, #tpu.memory_space<hbm>>
    tpu.wait_indirect_dma semaphore(%arg28 : memref<!tpu.dma_semaphore, #tpu.memory_space<semaphore_mem>>) src(%dma_wait3A_30 : memref<10880x1024xf32, #tpu.memory_space<hbm>>) dst(%arg25 : memref<32x1024xf32, #tpu.memory_space<vmem>>)
    %add3A_31 = arith.constant 32 : i32
    %add3A_32 = arith.addi %multiple_of3A, %add3A_31 : i32
    "tpu.region"() ({
      %run_scoped3A = tpu.sem_alloc : memref<!tpu.dma_semaphore, #tpu.memory_space<semaphore_mem>>
      %dma_start3A_33 = arith.constant 0 : i32
      %dma_start3A_34 = tpu.memref_slice %arg9[%add3A_32, %dma_start3A_33] : memref<2048x1024xf32, #tpu.memory_space<hbm>> -> memref<32x1024xf32, #tpu.memory_space<hbm>>
      %dma_start3A_35 = arith.constant 0 : i32
      %dma_start3A_36 = tpu.memref_slice %arg9[%add3A_32, %dma_start3A_35] : memref<2048x1024xf32, #tpu.memory_space<hbm>> -> memref<32x1024xf32, #tpu.memory_space<hbm>>
      tpu.enqueue_dma source(%arg25 : memref<32x1024xf32, #tpu.memory_space<vmem>>) target(%dma_start3A_36 : memref<32x1024xf32, #tpu.memory_space<hbm>>) target_semaphore(%run_scoped3A : memref<!tpu.dma_semaphore, #tpu.memory_space<semaphore_mem>>)
      %dma_wait3A_37 = arith.constant 0 : i32
      %dma_wait3A_38 = tpu.memref_slice %arg9[%add3A_32, %dma_wait3A_37] : memref<2048x1024xf32, #tpu.memory_space<hbm>> -> memref<32x1024xf32, #tpu.memory_space<hbm>>
      %dma_wait3A_39 = arith.constant 0 : i32
      %dma_wait3A_40 = tpu.memref_slice %arg9[%add3A_32, %dma_wait3A_39] : memref<2048x1024xf32, #tpu.memory_space<hbm>> -> memref<32x1024xf32, #tpu.memory_space<hbm>>
      tpu.wait_dma2 semaphore(%run_scoped3A : memref<!tpu.dma_semaphore, #tpu.memory_space<semaphore_mem>>) src(%arg25 : memref<32x1024xf32, #tpu.memory_space<vmem>>) dst(%dma_wait3A_40 : memref<32x1024xf32, #tpu.memory_space<hbm>>)
      tpu.yield
    }) : () -> ()
    return
  }
}

module attributes {stable_mosaic.version = 14 : i64} {
  func.func @_qkv_body(%arg0: i32, %arg1: memref<512x1024xf32, #tpu.memory_space<vmem>>, %arg2: memref<512x1xf32, #tpu.memory_space<vmem>>, %arg3: memref<512x1xf32, #tpu.memory_space<vmem>>, %arg4: memref<512x1xf32, #tpu.memory_space<vmem>>, %arg5: memref<8x64xf32, #tpu.memory_space<vmem>>, %arg6: memref<1x1024xf32, #tpu.memory_space<vmem>>, %arg7: memref<1x1024xf32, #tpu.memory_space<vmem>>, %arg8: memref<1024x5120xbf16, #tpu.memory_space<vmem>>, %arg9: memref<512x1024xbf16, #tpu.memory_space<vmem>>, %arg10: memref<512x1024xbf16, #tpu.memory_space<vmem>>, %arg11: memref<512x1024xbf16, #tpu.memory_space<vmem>>) attributes {dimension_semantics = [#tpu.dimension_semantics<arbitrary>], iteration_bounds = array<i64: 4>, scalar_prefetch = 0 : i64, scratch_operands = 0 : i64, tpu.core_type = #tpu.core_type<tc>, window_params = [{transform_indices = @transform_0, window_bounds = array<i64: 512, 1024>}, {transform_indices = @transform_1, window_bounds = array<i64: 512, 1>}, {transform_indices = @transform_2, window_bounds = array<i64: 512, 1>}, {transform_indices = @transform_3, window_bounds = array<i64: 512, 1>}, {pipeline_mode = #tpu.pipeline_mode<synchronous>, transform_indices = @transform_4, window_bounds = array<i64: 8, 64>}, {pipeline_mode = #tpu.pipeline_mode<synchronous>, transform_indices = @transform_5, window_bounds = array<i64: 1, 1024>}, {pipeline_mode = #tpu.pipeline_mode<synchronous>, transform_indices = @transform_6, window_bounds = array<i64: 1, 1024>}, {pipeline_mode = #tpu.pipeline_mode<synchronous>, transform_indices = @transform_7, window_bounds = array<i64: 1024, 5120>}, {transform_indices = @transform_8, window_bounds = array<i64: 512, 1024>}, {transform_indices = @transform_9, window_bounds = array<i64: 512, 1024>}, {transform_indices = @transform_10, window_bounds = array<i64: 512, 1024>}]} {
    %get3A = arith.constant 0 : index
    %get3A_0 = arith.constant 0 : index
    %get3A_1 = vector.load %arg1[%get3A, %get3A_0] : memref<512x1024xf32, #tpu.memory_space<vmem>>, vector<512x1024xf32>
    %reduce_sum3A = arith.constant dense<0.000000e+00> : vector<512xf32>
    %reduce_sum3A_2 = vector.multi_reduction <add>, %get3A_1, %reduce_sum3A [1] : vector<512x1024xf32> to vector<512xf32>
    %broadcast_in_dim3A = vector.shape_cast %reduce_sum3A_2 : vector<512xf32> to vector<512x1xf32>
    %div3A = arith.constant 1.024000e+03 : f32
    %div3A_3 = vector.broadcast %div3A : f32 to vector<512x1xf32>
    %div3A_4 = arith.divf %broadcast_in_dim3A, %div3A_3 : vector<512x1xf32>
    %sub3A = vector.broadcast %div3A_4 : vector<512x1xf32> to vector<512x1024xf32>
    %sub3A_5 = arith.subf %get3A_1, %sub3A : vector<512x1024xf32>
    %mul3A = arith.mulf %sub3A_5, %sub3A_5 : vector<512x1024xf32>
    %reduce_sum3A_6 = arith.constant dense<0.000000e+00> : vector<512xf32>
    %reduce_sum3A_7 = vector.multi_reduction <add>, %mul3A, %reduce_sum3A_6 [1] : vector<512x1024xf32> to vector<512xf32>
    %broadcast_in_dim3A_8 = vector.shape_cast %reduce_sum3A_7 : vector<512xf32> to vector<512x1xf32>
    %div3A_9 = arith.constant 1.024000e+03 : f32
    %div3A_10 = vector.broadcast %div3A_9 : f32 to vector<512x1xf32>
    %div3A_11 = arith.divf %broadcast_in_dim3A_8, %div3A_10 : vector<512x1xf32>
    %add3A = arith.constant 9.99999974E-6 : f32
    %add3A_12 = vector.broadcast %add3A : f32 to vector<512x1xf32>
    %add3A_13 = arith.addf %div3A_11, %add3A_12 : vector<512x1xf32>
    %rsqrt3A = math.rsqrt %add3A_13 : vector<512x1xf32>
    %mul3A_14 = vector.broadcast %rsqrt3A : vector<512x1xf32> to vector<512x1024xf32>
    %mul3A_15 = arith.mulf %sub3A_5, %mul3A_14 : vector<512x1024xf32>
    %get3A_16 = arith.constant 0 : index
    %get3A_17 = arith.constant 0 : index
    %get3A_18 = vector.load %arg6[%get3A_16, %get3A_17] : memref<1x1024xf32, #tpu.memory_space<vmem>>, vector<1x1024xf32>
    %mul3A_19 = vector.broadcast %get3A_18 : vector<1x1024xf32> to vector<512x1024xf32>
    %mul3A_20 = arith.mulf %mul3A_15, %mul3A_19 : vector<512x1024xf32>
    %get3A_21 = arith.constant 0 : index
    %get3A_22 = arith.constant 0 : index
    %get3A_23 = vector.load %arg7[%get3A_21, %get3A_22] : memref<1x1024xf32, #tpu.memory_space<vmem>>, vector<1x1024xf32>
    %add3A_24 = vector.broadcast %get3A_23 : vector<1x1024xf32> to vector<512x1024xf32>
    %add3A_25 = arith.addf %mul3A_20, %add3A_24 : vector<512x1024xf32>
    %convert_element_type3A = arith.truncf %add3A_25 : vector<512x1024xf32> to vector<512x1024xbf16>
    %get3A_26 = arith.constant 0 : index
    %get3A_27 = arith.constant 0 : index
    %get3A_28 = vector.load %arg8[%get3A_26, %get3A_27] : memref<1024x5120xbf16, #tpu.memory_space<vmem>>, vector<1024x5120xbf16>
    %dot_general3A = arith.constant dense<0.000000e+00> : vector<512x5120xf32>
    %dot_general3A_29 = tpu.matmul %convert_element_type3A, %get3A_28, %dot_general3A {dimension_numbers = #tpu.dot_dimension_numbers<[1], [0], [0], [1], [0, 0, 1, 1], [], []>, transpose_lhs_hint = false} : vector<512x1024xbf16>, vector<1024x5120xbf16>, vector<512x5120xf32> -> vector<512x5120xf32>
    %get3A_30 = arith.constant 0 : index
    %get3A_31 = arith.constant 0 : index
    %get3A_32 = vector.load %arg2[%get3A_30, %get3A_31] : memref<512x1xf32, #tpu.memory_space<vmem>>, vector<512x1xf32>
    %get3A_33 = arith.constant 0 : index
    %get3A_34 = arith.constant 0 : index
    %get3A_35 = vector.load %arg5[%get3A_33, %get3A_34] : memref<8x64xf32, #tpu.memory_space<vmem>>, vector<1x64xf32>
    %mul3A_36 = vector.broadcast %get3A_32 : vector<512x1xf32> to vector<512x64xf32>
    %mul3A_37 = vector.broadcast %get3A_35 : vector<1x64xf32> to vector<512x64xf32>
    %mul3A_38 = arith.mulf %mul3A_36, %mul3A_37 : vector<512x64xf32>
    %get3A_39 = arith.constant 0 : index
    %get3A_40 = arith.constant 0 : index
    %get3A_41 = vector.load %arg3[%get3A_39, %get3A_40] : memref<512x1xf32, #tpu.memory_space<vmem>>, vector<512x1xf32>
    %get3A_42 = arith.constant 1 : index
    %get3A_43 = arith.constant 0 : index
    %get3A_44 = vector.load %arg5[%get3A_42, %get3A_43] : memref<8x64xf32, #tpu.memory_space<vmem>>, vector<1x64xf32>
    %mul3A_45 = vector.broadcast %get3A_41 : vector<512x1xf32> to vector<512x64xf32>
    %mul3A_46 = vector.broadcast %get3A_44 : vector<1x64xf32> to vector<512x64xf32>
    %mul3A_47 = arith.mulf %mul3A_45, %mul3A_46 : vector<512x64xf32>
    %add3A_48 = arith.addf %mul3A_38, %mul3A_47 : vector<512x64xf32>
    %get3A_49 = arith.constant 0 : index
    %get3A_50 = arith.constant 0 : index
    %get3A_51 = vector.load %arg4[%get3A_49, %get3A_50] : memref<512x1xf32, #tpu.memory_space<vmem>>, vector<512x1xf32>
    %get3A_52 = arith.constant 2 : index
    %get3A_53 = arith.constant 0 : index
    %get3A_54 = vector.load %arg5[%get3A_52, %get3A_53] : memref<8x64xf32, #tpu.memory_space<vmem>>, vector<1x64xf32>
    %mul3A_55 = vector.broadcast %get3A_51 : vector<512x1xf32> to vector<512x64xf32>
    %mul3A_56 = vector.broadcast %get3A_54 : vector<1x64xf32> to vector<512x64xf32>
    %mul3A_57 = arith.mulf %mul3A_55, %mul3A_56 : vector<512x64xf32>
    %add3A_58 = arith.addf %add3A_48, %mul3A_57 : vector<512x64xf32>
    %cos3A = math.cos %add3A_58 : vector<512x64xf32>
    %concatenate3A = tpu.concatenate %cos3A, %cos3A, %cos3A, %cos3A, %cos3A, %cos3A, %cos3A, %cos3A, %cos3A, %cos3A, %cos3A, %cos3A, %cos3A, %cos3A, %cos3A, %cos3A in 1 : vector<512x64xf32>, vector<512x64xf32>, vector<512x64xf32>, vector<512x64xf32>, vector<512x64xf32>, vector<512x64xf32>, vector<512x64xf32>, vector<512x64xf32>, vector<512x64xf32>, vector<512x64xf32>, vector<512x64xf32>, vector<512x64xf32>, vector<512x64xf32>, vector<512x64xf32>, vector<512x64xf32>, vector<512x64xf32> -> vector<512x1024xf32>
    %sin3A = math.sin %add3A_58 : vector<512x64xf32>
    %concatenate3A_59 = tpu.concatenate %sin3A, %sin3A, %sin3A, %sin3A, %sin3A, %sin3A, %sin3A, %sin3A, %sin3A, %sin3A, %sin3A, %sin3A, %sin3A, %sin3A, %sin3A, %sin3A in 1 : vector<512x64xf32>, vector<512x64xf32>, vector<512x64xf32>, vector<512x64xf32>, vector<512x64xf32>, vector<512x64xf32>, vector<512x64xf32>, vector<512x64xf32>, vector<512x64xf32>, vector<512x64xf32>, vector<512x64xf32>, vector<512x64xf32>, vector<512x64xf32>, vector<512x64xf32>, vector<512x64xf32>, vector<512x64xf32> -> vector<512x1024xf32>
    %slice3A = vector.extract_strided_slice %dot_general3A_29 {offsets = [0, 0], sizes = [512, 1024], strides = [1, 1]} : vector<512x5120xf32> to vector<512x1024xf32>
    %mul3A_60 = arith.mulf %slice3A, %concatenate3A : vector<512x1024xf32>
    %slice3A_61 = vector.extract_strided_slice %dot_general3A_29 {offsets = [0, 1024], sizes = [512, 1024], strides = [1, 1]} : vector<512x5120xf32> to vector<512x1024xf32>
    %mul3A_62 = arith.mulf %slice3A_61, %concatenate3A_59 : vector<512x1024xf32>
    %add3A_63 = arith.addf %mul3A_60, %mul3A_62 : vector<512x1024xf32>
    %convert_element_type3A_64 = arith.truncf %add3A_63 : vector<512x1024xf32> to vector<512x1024xbf16>
    %swap3A = arith.constant 0 : index
    %swap3A_65 = arith.constant 0 : index
    %swap3A_66 = vector.load %arg9[%swap3A, %swap3A_65] : memref<512x1024xbf16, #tpu.memory_space<vmem>>, vector<512x1024xbf16>
    tpu.vector_store %arg9[%swap3A, %swap3A_65], %convert_element_type3A_64 {strides = array<i32>} : memref<512x1024xbf16, #tpu.memory_space<vmem>>, vector<512x1024xbf16>,
    %slice3A_67 = vector.extract_strided_slice %dot_general3A_29 {offsets = [0, 2048], sizes = [512, 1024], strides = [1, 1]} : vector<512x5120xf32> to vector<512x1024xf32>
    %mul3A_68 = arith.mulf %slice3A_67, %concatenate3A : vector<512x1024xf32>
    %slice3A_69 = vector.extract_strided_slice %dot_general3A_29 {offsets = [0, 3072], sizes = [512, 1024], strides = [1, 1]} : vector<512x5120xf32> to vector<512x1024xf32>
    %mul3A_70 = arith.mulf %slice3A_69, %concatenate3A_59 : vector<512x1024xf32>
    %add3A_71 = arith.addf %mul3A_68, %mul3A_70 : vector<512x1024xf32>
    %convert_element_type3A_72 = arith.truncf %add3A_71 : vector<512x1024xf32> to vector<512x1024xbf16>
    %swap3A_73 = arith.constant 0 : index
    %swap3A_74 = arith.constant 0 : index
    %swap3A_75 = vector.load %arg10[%swap3A_73, %swap3A_74] : memref<512x1024xbf16, #tpu.memory_space<vmem>>, vector<512x1024xbf16>
    tpu.vector_store %arg10[%swap3A_73, %swap3A_74], %convert_element_type3A_72 {strides = array<i32>} : memref<512x1024xbf16, #tpu.memory_space<vmem>>, vector<512x1024xbf16>,
    %slice3A_76 = vector.extract_strided_slice %dot_general3A_29 {offsets = [0, 4096], sizes = [512, 1024], strides = [1, 1]} : vector<512x5120xf32> to vector<512x1024xf32>
    %convert_element_type3A_77 = arith.truncf %slice3A_76 : vector<512x1024xf32> to vector<512x1024xbf16>
    %swap3A_78 = arith.constant 0 : index
    %swap3A_79 = arith.constant 0 : index
    %swap3A_80 = vector.load %arg11[%swap3A_78, %swap3A_79] : memref<512x1024xbf16, #tpu.memory_space<vmem>>, vector<512x1024xbf16>
    tpu.vector_store %arg11[%swap3A_78, %swap3A_79], %convert_element_type3A_77 {strides = array<i32>} : memref<512x1024xbf16, #tpu.memory_space<vmem>>, vector<512x1024xbf16>,
    return
  }
  func.func @transform_0(%arg0: i32) -> (i32, i32) {
    %c0_i32 = arith.constant 0 : i32
    %c0_i32_0 = arith.constant 0 : i32
    return %arg0, %c0_i32 : i32, i32
  }
  func.func @transform_1(%arg0: i32) -> (i32, i32) {
    %c0_i32 = arith.constant 0 : i32
    %c0_i32_0 = arith.constant 0 : i32
    return %arg0, %c0_i32 : i32, i32
  }
  func.func @transform_2(%arg0: i32) -> (i32, i32) {
    %c0_i32 = arith.constant 0 : i32
    %c0_i32_0 = arith.constant 0 : i32
    return %arg0, %c0_i32 : i32, i32
  }
  func.func @transform_3(%arg0: i32) -> (i32, i32) {
    %c0_i32 = arith.constant 0 : i32
    %c0_i32_0 = arith.constant 0 : i32
    return %arg0, %c0_i32 : i32, i32
  }
  func.func @transform_4(%arg0: i32) -> (i32, i32) {
    %c0_i32 = arith.constant 0 : i32
    %c0_i32_0 = arith.constant 0 : i32
    %c0_i32_1 = arith.constant 0 : i32
    return %c0_i32, %c0_i32_0 : i32, i32
  }
  func.func @transform_5(%arg0: i32) -> (i32, i32) {
    %c0_i32 = arith.constant 0 : i32
    %c0_i32_0 = arith.constant 0 : i32
    %c0_i32_1 = arith.constant 0 : i32
    return %c0_i32, %c0_i32_0 : i32, i32
  }
  func.func @transform_6(%arg0: i32) -> (i32, i32) {
    %c0_i32 = arith.constant 0 : i32
    %c0_i32_0 = arith.constant 0 : i32
    %c0_i32_1 = arith.constant 0 : i32
    return %c0_i32, %c0_i32_0 : i32, i32
  }
  func.func @transform_7(%arg0: i32) -> (i32, i32) {
    %c0_i32 = arith.constant 0 : i32
    %c0_i32_0 = arith.constant 0 : i32
    %c0_i32_1 = arith.constant 0 : i32
    return %c0_i32, %c0_i32_0 : i32, i32
  }
  func.func @transform_8(%arg0: i32) -> (i32, i32) {
    %c0_i32 = arith.constant 0 : i32
    %c0_i32_0 = arith.constant 0 : i32
    return %arg0, %c0_i32 : i32, i32
  }
  func.func @transform_9(%arg0: i32) -> (i32, i32) {
    %c0_i32 = arith.constant 0 : i32
    %c0_i32_0 = arith.constant 0 : i32
    return %arg0, %c0_i32 : i32, i32
  }
  func.func @transform_10(%arg0: i32) -> (i32, i32) {
    %c0_i32 = arith.constant 0 : i32
    %c0_i32_0 = arith.constant 0 : i32
    return %arg0, %c0_i32 : i32, i32
  }
}

module attributes {stable_mosaic.version = 14 : i64} {
  func.func @_attn_body(%arg0: i32, %arg1: i32, %arg2: memref<8x1024x64xbf16, #tpu.memory_space<vmem>>, %arg3: memref<8x1024x64xbf16, #tpu.memory_space<vmem>>, %arg4: memref<8x1024x64xbf16, #tpu.memory_space<vmem>>, %arg5: memref<8x64x1024xbf16, #tpu.memory_space<vmem>>, %arg6: memref<1024x1024xf32, #tpu.memory_space<vmem>>, %arg7: memref<1x1024xf32, #tpu.memory_space<vmem>>, %arg8: memref<1024x1024xf32, #tpu.memory_space<vmem>>) attributes {dimension_semantics = [#tpu.dimension_semantics<arbitrary>, #tpu.dimension_semantics<arbitrary>], iteration_bounds = array<i64: 2, 2>, scalar_prefetch = 0 : i64, scratch_operands = 0 : i64, tpu.core_type = #tpu.core_type<tc>, window_params = [{transform_indices = @transform_0, window_bounds = array<i64: 8, 1024, 64>}, {transform_indices = @transform_1, window_bounds = array<i64: 8, 1024, 64>}, {transform_indices = @transform_2, window_bounds = array<i64: 8, 1024, 64>}, {transform_indices = @transform_3, window_bounds = array<i64: 8, 64, 1024>}, {transform_indices = @transform_4, window_bounds = array<i64: 1024, 1024>}, {pipeline_mode = #tpu.pipeline_mode<synchronous>, transform_indices = @transform_5, window_bounds = array<i64: 1, 1024>}, {transform_indices = @transform_6, window_bounds = array<i64: 1024, 1024>}]} {
    %get3A = arith.constant 0 : index
    %get3A_0 = arith.constant 0 : index
    %get3A_1 = arith.constant 0 : index
    %get3A_2 = vector.load %arg2[%get3A, %get3A_0, %get3A_1] : memref<8x1024x64xbf16, #tpu.memory_space<vmem>>, vector<1x1024x64xbf16>
    %get3A_3 = vector.shape_cast %get3A_2 : vector<1x1024x64xbf16> to vector<1024x64xbf16>
    %get3A_4 = arith.constant 0 : index
    %get3A_5 = arith.constant 0 : index
    %get3A_6 = arith.constant 0 : index
    %get3A_7 = vector.load %arg3[%get3A_4, %get3A_5, %get3A_6] : memref<8x1024x64xbf16, #tpu.memory_space<vmem>>, vector<1x1024x64xbf16>
    %get3A_8 = vector.shape_cast %get3A_7 : vector<1x1024x64xbf16> to vector<1024x64xbf16>
    %dot_general3A = arith.constant dense<0.000000e+00> : vector<1024x1024xf32>
    %dot_general3A_9 = tpu.matmul %get3A_3, %get3A_8, %dot_general3A {dimension_numbers = #tpu.dot_dimension_numbers<[1], [1], [0], [0], [0, 0, 1, 0], [], []>, transpose_lhs_hint = false} : vector<1024x64xbf16>, vector<1024x64xbf16>, vector<1024x1024xf32> -> vector<1024x1024xf32>
    %mul3A = arith.constant 1.250000e-01 : f32
    %mul3A_10 = vector.broadcast %mul3A : f32 to vector<1024x1024xf32>
    %mul3A_11 = arith.mulf %dot_general3A_9, %mul3A_10 : vector<1024x1024xf32>
    %get3A_12 = arith.constant 0 : index
    %get3A_13 = arith.constant 0 : index
    %get3A_14 = vector.load %arg7[%get3A_12, %get3A_13] : memref<1x1024xf32, #tpu.memory_space<vmem>>, vector<1x1024xf32>
    %add3A = vector.broadcast %get3A_14 : vector<1x1024xf32> to vector<1024x1024xf32>
    %add3A_15 = arith.addf %mul3A_11, %add3A : vector<1024x1024xf32>
    %exp3A = math.exp %add3A_15 : vector<1024x1024xf32>
    %reduce_sum3A = arith.constant dense<0.000000e+00> : vector<1024xf32>
    %reduce_sum3A_16 = vector.multi_reduction <add>, %exp3A, %reduce_sum3A [1] : vector<1024x1024xf32> to vector<1024xf32>
    %broadcast_in_dim3A = vector.shape_cast %reduce_sum3A_16 : vector<1024xf32> to vector<1024x1xf32>
    %convert_element_type3A = arith.truncf %exp3A : vector<1024x1024xf32> to vector<1024x1024xbf16>
    %get3A_17 = arith.constant 0 : index
    %get3A_18 = arith.constant 0 : index
    %get3A_19 = arith.constant 0 : index
    %get3A_20 = vector.load %arg4[%get3A_17, %get3A_18, %get3A_19] : memref<8x1024x64xbf16, #tpu.memory_space<vmem>>, vector<1x1024x64xbf16>
    %get3A_21 = vector.shape_cast %get3A_20 : vector<1x1024x64xbf16> to vector<1024x64xbf16>
    %dot_general3A_22 = arith.constant dense<0.000000e+00> : vector<1024x64xf32>
    %dot_general3A_23 = tpu.matmul %convert_element_type3A, %get3A_21, %dot_general3A_22 {dimension_numbers = #tpu.dot_dimension_numbers<[1], [0], [0], [1], [0, 0, 1, 1], [], []>, transpose_lhs_hint = false} : vector<1024x1024xbf16>, vector<1024x64xbf16>, vector<1024x64xf32> -> vector<1024x64xf32>
    %div3A = vector.broadcast %broadcast_in_dim3A : vector<1024x1xf32> to vector<1024x64xf32>
    %div3A_24 = arith.divf %dot_general3A_23, %div3A : vector<1024x64xf32>
    %convert_element_type3A_25 = arith.truncf %div3A_24 : vector<1024x64xf32> to vector<1024x64xbf16>
    %get3A_26 = arith.constant 0 : index
    %get3A_27 = arith.constant 0 : index
    %get3A_28 = arith.constant 0 : index
    %get3A_29 = vector.load %arg5[%get3A_26, %get3A_27, %get3A_28] : memref<8x64x1024xbf16, #tpu.memory_space<vmem>>, vector<1x64x1024xbf16>
    %get3A_30 = vector.shape_cast %get3A_29 : vector<1x64x1024xbf16> to vector<64x1024xbf16>
    %dot_general3A_31 = arith.constant dense<0.000000e+00> : vector<1024x1024xf32>
    %dot_general3A_32 = tpu.matmul %convert_element_type3A_25, %get3A_30, %dot_general3A_31 {dimension_numbers = #tpu.dot_dimension_numbers<[1], [0], [0], [1], [0, 0, 1, 1], [], []>, transpose_lhs_hint = false} : vector<1024x64xbf16>, vector<64x1024xbf16>, vector<1024x1024xf32> -> vector<1024x1024xf32>
    %get3A_33 = arith.constant 1 : index
    %get3A_34 = arith.constant 0 : index
    %get3A_35 = arith.constant 0 : index
    %get3A_36 = vector.load %arg2[%get3A_33, %get3A_34, %get3A_35] : memref<8x1024x64xbf16, #tpu.memory_space<vmem>>, vector<1x1024x64xbf16>
    %get3A_37 = vector.shape_cast %get3A_36 : vector<1x1024x64xbf16> to vector<1024x64xbf16>
    %get3A_38 = arith.constant 1 : index
    %get3A_39 = arith.constant 0 : index
    %get3A_40 = arith.constant 0 : index
    %get3A_41 = vector.load %arg3[%get3A_38, %get3A_39, %get3A_40] : memref<8x1024x64xbf16, #tpu.memory_space<vmem>>, vector<1x1024x64xbf16>
    %get3A_42 = vector.shape_cast %get3A_41 : vector<1x1024x64xbf16> to vector<1024x64xbf16>
    %dot_general3A_43 = arith.constant dense<0.000000e+00> : vector<1024x1024xf32>
    %dot_general3A_44 = tpu.matmul %get3A_37, %get3A_42, %dot_general3A_43 {dimension_numbers = #tpu.dot_dimension_numbers<[1], [1], [0], [0], [0, 0, 1, 0], [], []>, transpose_lhs_hint = false} : vector<1024x64xbf16>, vector<1024x64xbf16>, vector<1024x1024xf32> -> vector<1024x1024xf32>
    %mul3A_45 = arith.constant 1.250000e-01 : f32
    %mul3A_46 = vector.broadcast %mul3A_45 : f32 to vector<1024x1024xf32>
    %mul3A_47 = arith.mulf %dot_general3A_44, %mul3A_46 : vector<1024x1024xf32>
    %get3A_48 = arith.constant 0 : index
    %get3A_49 = arith.constant 0 : index
    %get3A_50 = vector.load %arg7[%get3A_48, %get3A_49] : memref<1x1024xf32, #tpu.memory_space<vmem>>, vector<1x1024xf32>
    %add3A_51 = vector.broadcast %get3A_50 : vector<1x1024xf32> to vector<1024x1024xf32>
    %add3A_52 = arith.addf %mul3A_47, %add3A_51 : vector<1024x1024xf32>
    %exp3A_53 = math.exp %add3A_52 : vector<1024x1024xf32>
    %reduce_sum3A_54 = arith.constant dense<0.000000e+00> : vector<1024xf32>
    %reduce_sum3A_55 = vector.multi_reduction <add>, %exp3A_53, %reduce_sum3A_54 [1] : vector<1024x1024xf32> to vector<1024xf32>
    %broadcast_in_dim3A_56 = vector.shape_cast %reduce_sum3A_55 : vector<1024xf32> to vector<1024x1xf32>
    %convert_element_type3A_57 = arith.truncf %exp3A_53 : vector<1024x1024xf32> to vector<1024x1024xbf16>
    %get3A_58 = arith.constant 1 : index
    %get3A_59 = arith.constant 0 : index
    %get3A_60 = arith.constant 0 : index
    %get3A_61 = vector.load %arg4[%get3A_58, %get3A_59, %get3A_60] : memref<8x1024x64xbf16, #tpu.memory_space<vmem>>, vector<1x1024x64xbf16>
    %get3A_62 = vector.shape_cast %get3A_61 : vector<1x1024x64xbf16> to vector<1024x64xbf16>
    %dot_general3A_63 = arith.constant dense<0.000000e+00> : vector<1024x64xf32>
    %dot_general3A_64 = tpu.matmul %convert_element_type3A_57, %get3A_62, %dot_general3A_63 {dimension_numbers = #tpu.dot_dimension_numbers<[1], [0], [0], [1], [0, 0, 1, 1], [], []>, transpose_lhs_hint = false} : vector<1024x1024xbf16>, vector<1024x64xbf16>, vector<1024x64xf32> -> vector<1024x64xf32>
    %div3A_65 = vector.broadcast %broadcast_in_dim3A_56 : vector<1024x1xf32> to vector<1024x64xf32>
    %div3A_66 = arith.divf %dot_general3A_64, %div3A_65 : vector<1024x64xf32>
    %convert_element_type3A_67 = arith.truncf %div3A_66 : vector<1024x64xf32> to vector<1024x64xbf16>
    %get3A_68 = arith.constant 1 : index
    %get3A_69 = arith.constant 0 : index
    %get3A_70 = arith.constant 0 : index
    %get3A_71 = vector.load %arg5[%get3A_68, %get3A_69, %get3A_70] : memref<8x64x1024xbf16, #tpu.memory_space<vmem>>, vector<1x64x1024xbf16>
    %get3A_72 = vector.shape_cast %get3A_71 : vector<1x64x1024xbf16> to vector<64x1024xbf16>
    %dot_general3A_73 = arith.constant dense<0.000000e+00> : vector<1024x1024xf32>
    %dot_general3A_74 = tpu.matmul %convert_element_type3A_67, %get3A_72, %dot_general3A_73 {dimension_numbers = #tpu.dot_dimension_numbers<[1], [0], [0], [1], [0, 0, 1, 1], [], []>, transpose_lhs_hint = false} : vector<1024x64xbf16>, vector<64x1024xbf16>, vector<1024x1024xf32> -> vector<1024x1024xf32>
    %add3A_75 = arith.addf %dot_general3A_32, %dot_general3A_74 : vector<1024x1024xf32>
    %get3A_76 = arith.constant 2 : index
    %get3A_77 = arith.constant 0 : index
    %get3A_78 = arith.constant 0 : index
    %get3A_79 = vector.load %arg2[%get3A_76, %get3A_77, %get3A_78] : memref<8x1024x64xbf16, #tpu.memory_space<vmem>>, vector<1x1024x64xbf16>
    %get3A_80 = vector.shape_cast %get3A_79 : vector<1x1024x64xbf16> to vector<1024x64xbf16>
    %get3A_81 = arith.constant 2 : index
    %get3A_82 = arith.constant 0 : index
    %get3A_83 = arith.constant 0 : index
    %get3A_84 = vector.load %arg3[%get3A_81, %get3A_82, %get3A_83] : memref<8x1024x64xbf16, #tpu.memory_space<vmem>>, vector<1x1024x64xbf16>
    %get3A_85 = vector.shape_cast %get3A_84 : vector<1x1024x64xbf16> to vector<1024x64xbf16>
    %dot_general3A_86 = arith.constant dense<0.000000e+00> : vector<1024x1024xf32>
    %dot_general3A_87 = tpu.matmul %get3A_80, %get3A_85, %dot_general3A_86 {dimension_numbers = #tpu.dot_dimension_numbers<[1], [1], [0], [0], [0, 0, 1, 0], [], []>, transpose_lhs_hint = false} : vector<1024x64xbf16>, vector<1024x64xbf16>, vector<1024x1024xf32> -> vector<1024x1024xf32>
    %mul3A_88 = arith.constant 1.250000e-01 : f32
    %mul3A_89 = vector.broadcast %mul3A_88 : f32 to vector<1024x1024xf32>
    %mul3A_90 = arith.mulf %dot_general3A_87, %mul3A_89 : vector<1024x1024xf32>
    %get3A_91 = arith.constant 0 : index
    %get3A_92 = arith.constant 0 : index
    %get3A_93 = vector.load %arg7[%get3A_91, %get3A_92] : memref<1x1024xf32, #tpu.memory_space<vmem>>, vector<1x1024xf32>
    %add3A_94 = vector.broadcast %get3A_93 : vector<1x1024xf32> to vector<1024x1024xf32>
    %add3A_95 = arith.addf %mul3A_90, %add3A_94 : vector<1024x1024xf32>
    %exp3A_96 = math.exp %add3A_95 : vector<1024x1024xf32>
    %reduce_sum3A_97 = arith.constant dense<0.000000e+00> : vector<1024xf32>
    %reduce_sum3A_98 = vector.multi_reduction <add>, %exp3A_96, %reduce_sum3A_97 [1] : vector<1024x1024xf32> to vector<1024xf32>
    %broadcast_in_dim3A_99 = vector.shape_cast %reduce_sum3A_98 : vector<1024xf32> to vector<1024x1xf32>
    %convert_element_type3A_100 = arith.truncf %exp3A_96 : vector<1024x1024xf32> to vector<1024x1024xbf16>
    %get3A_101 = arith.constant 2 : index
    %get3A_102 = arith.constant 0 : index
    %get3A_103 = arith.constant 0 : index
    %get3A_104 = vector.load %arg4[%get3A_101, %get3A_102, %get3A_103] : memref<8x1024x64xbf16, #tpu.memory_space<vmem>>, vector<1x1024x64xbf16>
    %get3A_105 = vector.shape_cast %get3A_104 : vector<1x1024x64xbf16> to vector<1024x64xbf16>
    %dot_general3A_106 = arith.constant dense<0.000000e+00> : vector<1024x64xf32>
    %dot_general3A_107 = tpu.matmul %convert_element_type3A_100, %get3A_105, %dot_general3A_106 {dimension_numbers = #tpu.dot_dimension_numbers<[1], [0], [0], [1], [0, 0, 1, 1], [], []>, transpose_lhs_hint = false} : vector<1024x1024xbf16>, vector<1024x64xbf16>, vector<1024x64xf32> -> vector<1024x64xf32>
    %div3A_108 = vector.broadcast %broadcast_in_dim3A_99 : vector<1024x1xf32> to vector<1024x64xf32>
    %div3A_109 = arith.divf %dot_general3A_107, %div3A_108 : vector<1024x64xf32>
    %convert_element_type3A_110 = arith.truncf %div3A_109 : vector<1024x64xf32> to vector<1024x64xbf16>
    %get3A_111 = arith.constant 2 : index
    %get3A_112 = arith.constant 0 : index
    %get3A_113 = arith.constant 0 : index
    %get3A_114 = vector.load %arg5[%get3A_111, %get3A_112, %get3A_113] : memref<8x64x1024xbf16, #tpu.memory_space<vmem>>, vector<1x64x1024xbf16>
    %get3A_115 = vector.shape_cast %get3A_114 : vector<1x64x1024xbf16> to vector<64x1024xbf16>
    %dot_general3A_116 = arith.constant dense<0.000000e+00> : vector<1024x1024xf32>
    %dot_general3A_117 = tpu.matmul %convert_element_type3A_110, %get3A_115, %dot_general3A_116 {dimension_numbers = #tpu.dot_dimension_numbers<[1], [0], [0], [1], [0, 0, 1, 1], [], []>, transpose_lhs_hint = false} : vector<1024x64xbf16>, vector<64x1024xbf16>, vector<1024x1024xf32> -> vector<1024x1024xf32>
    %add3A_118 = arith.addf %add3A_75, %dot_general3A_117 : vector<1024x1024xf32>
    %get3A_119 = arith.constant 3 : index
    %get3A_120 = arith.constant 0 : index
    %get3A_121 = arith.constant 0 : index
    %get3A_122 = vector.load %arg2[%get3A_119, %get3A_120, %get3A_121] : memref<8x1024x64xbf16, #tpu.memory_space<vmem>>, vector<1x1024x64xbf16>
    %get3A_123 = vector.shape_cast %get3A_122 : vector<1x1024x64xbf16> to vector<1024x64xbf16>
    %get3A_124 = arith.constant 3 : index
    %get3A_125 = arith.constant 0 : index
    %get3A_126 = arith.constant 0 : index
    %get3A_127 = vector.load %arg3[%get3A_124, %get3A_125, %get3A_126] : memref<8x1024x64xbf16, #tpu.memory_space<vmem>>, vector<1x1024x64xbf16>
    %get3A_128 = vector.shape_cast %get3A_127 : vector<1x1024x64xbf16> to vector<1024x64xbf16>
    %dot_general3A_129 = arith.constant dense<0.000000e+00> : vector<1024x1024xf32>
    %dot_general3A_130 = tpu.matmul %get3A_123, %get3A_128, %dot_general3A_129 {dimension_numbers = #tpu.dot_dimension_numbers<[1], [1], [0], [0], [0, 0, 1, 0], [], []>, transpose_lhs_hint = false} : vector<1024x64xbf16>, vector<1024x64xbf16>, vector<1024x1024xf32> -> vector<1024x1024xf32>
    %mul3A_131 = arith.constant 1.250000e-01 : f32
    %mul3A_132 = vector.broadcast %mul3A_131 : f32 to vector<1024x1024xf32>
    %mul3A_133 = arith.mulf %dot_general3A_130, %mul3A_132 : vector<1024x1024xf32>
    %get3A_134 = arith.constant 0 : index
    %get3A_135 = arith.constant 0 : index
    %get3A_136 = vector.load %arg7[%get3A_134, %get3A_135] : memref<1x1024xf32, #tpu.memory_space<vmem>>, vector<1x1024xf32>
    %add3A_137 = vector.broadcast %get3A_136 : vector<1x1024xf32> to vector<1024x1024xf32>
    %add3A_138 = arith.addf %mul3A_133, %add3A_137 : vector<1024x1024xf32>
    %exp3A_139 = math.exp %add3A_138 : vector<1024x1024xf32>
    %reduce_sum3A_140 = arith.constant dense<0.000000e+00> : vector<1024xf32>
    %reduce_sum3A_141 = vector.multi_reduction <add>, %exp3A_139, %reduce_sum3A_140 [1] : vector<1024x1024xf32> to vector<1024xf32>
    %broadcast_in_dim3A_142 = vector.shape_cast %reduce_sum3A_141 : vector<1024xf32> to vector<1024x1xf32>
    %convert_element_type3A_143 = arith.truncf %exp3A_139 : vector<1024x1024xf32> to vector<1024x1024xbf16>
    %get3A_144 = arith.constant 3 : index
    %get3A_145 = arith.constant 0 : index
    %get3A_146 = arith.constant 0 : index
    %get3A_147 = vector.load %arg4[%get3A_144, %get3A_145, %get3A_146] : memref<8x1024x64xbf16, #tpu.memory_space<vmem>>, vector<1x1024x64xbf16>
    %get3A_148 = vector.shape_cast %get3A_147 : vector<1x1024x64xbf16> to vector<1024x64xbf16>
    %dot_general3A_149 = arith.constant dense<0.000000e+00> : vector<1024x64xf32>
    %dot_general3A_150 = tpu.matmul %convert_element_type3A_143, %get3A_148, %dot_general3A_149 {dimension_numbers = #tpu.dot_dimension_numbers<[1], [0], [0], [1], [0, 0, 1, 1], [], []>, transpose_lhs_hint = false} : vector<1024x1024xbf16>, vector<1024x64xbf16>, vector<1024x64xf32> -> vector<1024x64xf32>
    %div3A_151 = vector.broadcast %broadcast_in_dim3A_142 : vector<1024x1xf32> to vector<1024x64xf32>
    %div3A_152 = arith.divf %dot_general3A_150, %div3A_151 : vector<1024x64xf32>
    %convert_element_type3A_153 = arith.truncf %div3A_152 : vector<1024x64xf32> to vector<1024x64xbf16>
    %get3A_154 = arith.constant 3 : index
    %get3A_155 = arith.constant 0 : index
    %get3A_156 = arith.constant 0 : index
    %get3A_157 = vector.load %arg5[%get3A_154, %get3A_155, %get3A_156] : memref<8x64x1024xbf16, #tpu.memory_space<vmem>>, vector<1x64x1024xbf16>
    %get3A_158 = vector.shape_cast %get3A_157 : vector<1x64x1024xbf16> to vector<64x1024xbf16>
    %dot_general3A_159 = arith.constant dense<0.000000e+00> : vector<1024x1024xf32>
    %dot_general3A_160 = tpu.matmul %convert_element_type3A_153, %get3A_158, %dot_general3A_159 {dimension_numbers = #tpu.dot_dimension_numbers<[1], [0], [0], [1], [0, 0, 1, 1], [], []>, transpose_lhs_hint = false} : vector<1024x64xbf16>, vector<64x1024xbf16>, vector<1024x1024xf32> -> vector<1024x1024xf32>
    %add3A_161 = arith.addf %add3A_118, %dot_general3A_160 : vector<1024x1024xf32>
    %get3A_162 = arith.constant 4 : index
    %get3A_163 = arith.constant 0 : index
    %get3A_164 = arith.constant 0 : index
    %get3A_165 = vector.load %arg2[%get3A_162, %get3A_163, %get3A_164] : memref<8x1024x64xbf16, #tpu.memory_space<vmem>>, vector<1x1024x64xbf16>
    %get3A_166 = vector.shape_cast %get3A_165 : vector<1x1024x64xbf16> to vector<1024x64xbf16>
    %get3A_167 = arith.constant 4 : index
    %get3A_168 = arith.constant 0 : index
    %get3A_169 = arith.constant 0 : index
    %get3A_170 = vector.load %arg3[%get3A_167, %get3A_168, %get3A_169] : memref<8x1024x64xbf16, #tpu.memory_space<vmem>>, vector<1x1024x64xbf16>
    %get3A_171 = vector.shape_cast %get3A_170 : vector<1x1024x64xbf16> to vector<1024x64xbf16>
    %dot_general3A_172 = arith.constant dense<0.000000e+00> : vector<1024x1024xf32>
    %dot_general3A_173 = tpu.matmul %get3A_166, %get3A_171, %dot_general3A_172 {dimension_numbers = #tpu.dot_dimension_numbers<[1], [1], [0], [0], [0, 0, 1, 0], [], []>, transpose_lhs_hint = false} : vector<1024x64xbf16>, vector<1024x64xbf16>, vector<1024x1024xf32> -> vector<1024x1024xf32>
    %mul3A_174 = arith.constant 1.250000e-01 : f32
    %mul3A_175 = vector.broadcast %mul3A_174 : f32 to vector<1024x1024xf32>
    %mul3A_176 = arith.mulf %dot_general3A_173, %mul3A_175 : vector<1024x1024xf32>
    %get3A_177 = arith.constant 0 : index
    %get3A_178 = arith.constant 0 : index
    %get3A_179 = vector.load %arg7[%get3A_177, %get3A_178] : memref<1x1024xf32, #tpu.memory_space<vmem>>, vector<1x1024xf32>
    %add3A_180 = vector.broadcast %get3A_179 : vector<1x1024xf32> to vector<1024x1024xf32>
    %add3A_181 = arith.addf %mul3A_176, %add3A_180 : vector<1024x1024xf32>
    %exp3A_182 = math.exp %add3A_181 : vector<1024x1024xf32>
    %reduce_sum3A_183 = arith.constant dense<0.000000e+00> : vector<1024xf32>
    %reduce_sum3A_184 = vector.multi_reduction <add>, %exp3A_182, %reduce_sum3A_183 [1] : vector<1024x1024xf32> to vector<1024xf32>
    %broadcast_in_dim3A_185 = vector.shape_cast %reduce_sum3A_184 : vector<1024xf32> to vector<1024x1xf32>
    %convert_element_type3A_186 = arith.truncf %exp3A_182 : vector<1024x1024xf32> to vector<1024x1024xbf16>
    %get3A_187 = arith.constant 4 : index
    %get3A_188 = arith.constant 0 : index
    %get3A_189 = arith.constant 0 : index
    %get3A_190 = vector.load %arg4[%get3A_187, %get3A_188, %get3A_189] : memref<8x1024x64xbf16, #tpu.memory_space<vmem>>, vector<1x1024x64xbf16>
    %get3A_191 = vector.shape_cast %get3A_190 : vector<1x1024x64xbf16> to vector<1024x64xbf16>
    %dot_general3A_192 = arith.constant dense<0.000000e+00> : vector<1024x64xf32>
    %dot_general3A_193 = tpu.matmul %convert_element_type3A_186, %get3A_191, %dot_general3A_192 {dimension_numbers = #tpu.dot_dimension_numbers<[1], [0], [0], [1], [0, 0, 1, 1], [], []>, transpose_lhs_hint = false} : vector<1024x1024xbf16>, vector<1024x64xbf16>, vector<1024x64xf32> -> vector<1024x64xf32>
    %div3A_194 = vector.broadcast %broadcast_in_dim3A_185 : vector<1024x1xf32> to vector<1024x64xf32>
    %div3A_195 = arith.divf %dot_general3A_193, %div3A_194 : vector<1024x64xf32>
    %convert_element_type3A_196 = arith.truncf %div3A_195 : vector<1024x64xf32> to vector<1024x64xbf16>
    %get3A_197 = arith.constant 4 : index
    %get3A_198 = arith.constant 0 : index
    %get3A_199 = arith.constant 0 : index
    %get3A_200 = vector.load %arg5[%get3A_197, %get3A_198, %get3A_199] : memref<8x64x1024xbf16, #tpu.memory_space<vmem>>, vector<1x64x1024xbf16>
    %get3A_201 = vector.shape_cast %get3A_200 : vector<1x64x1024xbf16> to vector<64x1024xbf16>
    %dot_general3A_202 = arith.constant dense<0.000000e+00> : vector<1024x1024xf32>
    %dot_general3A_203 = tpu.matmul %convert_element_type3A_196, %get3A_201, %dot_general3A_202 {dimension_numbers = #tpu.dot_dimension_numbers<[1], [0], [0], [1], [0, 0, 1, 1], [], []>, transpose_lhs_hint = false} : vector<1024x64xbf16>, vector<64x1024xbf16>, vector<1024x1024xf32> -> vector<1024x1024xf32>
    %add3A_204 = arith.addf %add3A_161, %dot_general3A_203 : vector<1024x1024xf32>
    %get3A_205 = arith.constant 5 : index
    %get3A_206 = arith.constant 0 : index
    %get3A_207 = arith.constant 0 : index
    %get3A_208 = vector.load %arg2[%get3A_205, %get3A_206, %get3A_207] : memref<8x1024x64xbf16, #tpu.memory_space<vmem>>, vector<1x1024x64xbf16>
    %get3A_209 = vector.shape_cast %get3A_208 : vector<1x1024x64xbf16> to vector<1024x64xbf16>
    %get3A_210 = arith.constant 5 : index
    %get3A_211 = arith.constant 0 : index
    %get3A_212 = arith.constant 0 : index
    %get3A_213 = vector.load %arg3[%get3A_210, %get3A_211, %get3A_212] : memref<8x1024x64xbf16, #tpu.memory_space<vmem>>, vector<1x1024x64xbf16>
    %get3A_214 = vector.shape_cast %get3A_213 : vector<1x1024x64xbf16> to vector<1024x64xbf16>
    %dot_general3A_215 = arith.constant dense<0.000000e+00> : vector<1024x1024xf32>
    %dot_general3A_216 = tpu.matmul %get3A_209, %get3A_214, %dot_general3A_215 {dimension_numbers = #tpu.dot_dimension_numbers<[1], [1], [0], [0], [0, 0, 1, 0], [], []>, transpose_lhs_hint = false} : vector<1024x64xbf16>, vector<1024x64xbf16>, vector<1024x1024xf32> -> vector<1024x1024xf32>
    %mul3A_217 = arith.constant 1.250000e-01 : f32
    %mul3A_218 = vector.broadcast %mul3A_217 : f32 to vector<1024x1024xf32>
    %mul3A_219 = arith.mulf %dot_general3A_216, %mul3A_218 : vector<1024x1024xf32>
    %get3A_220 = arith.constant 0 : index
    %get3A_221 = arith.constant 0 : index
    %get3A_222 = vector.load %arg7[%get3A_220, %get3A_221] : memref<1x1024xf32, #tpu.memory_space<vmem>>, vector<1x1024xf32>
    %add3A_223 = vector.broadcast %get3A_222 : vector<1x1024xf32> to vector<1024x1024xf32>
    %add3A_224 = arith.addf %mul3A_219, %add3A_223 : vector<1024x1024xf32>
    %exp3A_225 = math.exp %add3A_224 : vector<1024x1024xf32>
    %reduce_sum3A_226 = arith.constant dense<0.000000e+00> : vector<1024xf32>
    %reduce_sum3A_227 = vector.multi_reduction <add>, %exp3A_225, %reduce_sum3A_226 [1] : vector<1024x1024xf32> to vector<1024xf32>
    %broadcast_in_dim3A_228 = vector.shape_cast %reduce_sum3A_227 : vector<1024xf32> to vector<1024x1xf32>
    %convert_element_type3A_229 = arith.truncf %exp3A_225 : vector<1024x1024xf32> to vector<1024x1024xbf16>
    %get3A_230 = arith.constant 5 : index
    %get3A_231 = arith.constant 0 : index
    %get3A_232 = arith.constant 0 : index
    %get3A_233 = vector.load %arg4[%get3A_230, %get3A_231, %get3A_232] : memref<8x1024x64xbf16, #tpu.memory_space<vmem>>, vector<1x1024x64xbf16>
    %get3A_234 = vector.shape_cast %get3A_233 : vector<1x1024x64xbf16> to vector<1024x64xbf16>
    %dot_general3A_235 = arith.constant dense<0.000000e+00> : vector<1024x64xf32>
    %dot_general3A_236 = tpu.matmul %convert_element_type3A_229, %get3A_234, %dot_general3A_235 {dimension_numbers = #tpu.dot_dimension_numbers<[1], [0], [0], [1], [0, 0, 1, 1], [], []>, transpose_lhs_hint = false} : vector<1024x1024xbf16>, vector<1024x64xbf16>, vector<1024x64xf32> -> vector<1024x64xf32>
    %div3A_237 = vector.broadcast %broadcast_in_dim3A_228 : vector<1024x1xf32> to vector<1024x64xf32>
    %div3A_238 = arith.divf %dot_general3A_236, %div3A_237 : vector<1024x64xf32>
    %convert_element_type3A_239 = arith.truncf %div3A_238 : vector<1024x64xf32> to vector<1024x64xbf16>
    %get3A_240 = arith.constant 5 : index
    %get3A_241 = arith.constant 0 : index
    %get3A_242 = arith.constant 0 : index
    %get3A_243 = vector.load %arg5[%get3A_240, %get3A_241, %get3A_242] : memref<8x64x1024xbf16, #tpu.memory_space<vmem>>, vector<1x64x1024xbf16>
    %get3A_244 = vector.shape_cast %get3A_243 : vector<1x64x1024xbf16> to vector<64x1024xbf16>
    %dot_general3A_245 = arith.constant dense<0.000000e+00> : vector<1024x1024xf32>
    %dot_general3A_246 = tpu.matmul %convert_element_type3A_239, %get3A_244, %dot_general3A_245 {dimension_numbers = #tpu.dot_dimension_numbers<[1], [0], [0], [1], [0, 0, 1, 1], [], []>, transpose_lhs_hint = false} : vector<1024x64xbf16>, vector<64x1024xbf16>, vector<1024x1024xf32> -> vector<1024x1024xf32>
    %add3A_247 = arith.addf %add3A_204, %dot_general3A_246 : vector<1024x1024xf32>
    %get3A_248 = arith.constant 6 : index
    %get3A_249 = arith.constant 0 : index
    %get3A_250 = arith.constant 0 : index
    %get3A_251 = vector.load %arg2[%get3A_248, %get3A_249, %get3A_250] : memref<8x1024x64xbf16, #tpu.memory_space<vmem>>, vector<1x1024x64xbf16>
    %get3A_252 = vector.shape_cast %get3A_251 : vector<1x1024x64xbf16> to vector<1024x64xbf16>
    %get3A_253 = arith.constant 6 : index
    %get3A_254 = arith.constant 0 : index
    %get3A_255 = arith.constant 0 : index
    %get3A_256 = vector.load %arg3[%get3A_253, %get3A_254, %get3A_255] : memref<8x1024x64xbf16, #tpu.memory_space<vmem>>, vector<1x1024x64xbf16>
    %get3A_257 = vector.shape_cast %get3A_256 : vector<1x1024x64xbf16> to vector<1024x64xbf16>
    %dot_general3A_258 = arith.constant dense<0.000000e+00> : vector<1024x1024xf32>
    %dot_general3A_259 = tpu.matmul %get3A_252, %get3A_257, %dot_general3A_258 {dimension_numbers = #tpu.dot_dimension_numbers<[1], [1], [0], [0], [0, 0, 1, 0], [], []>, transpose_lhs_hint = false} : vector<1024x64xbf16>, vector<1024x64xbf16>, vector<1024x1024xf32> -> vector<1024x1024xf32>
    %mul3A_260 = arith.constant 1.250000e-01 : f32
    %mul3A_261 = vector.broadcast %mul3A_260 : f32 to vector<1024x1024xf32>
    %mul3A_262 = arith.mulf %dot_general3A_259, %mul3A_261 : vector<1024x1024xf32>
    %get3A_263 = arith.constant 0 : index
    %get3A_264 = arith.constant 0 : index
    %get3A_265 = vector.load %arg7[%get3A_263, %get3A_264] : memref<1x1024xf32, #tpu.memory_space<vmem>>, vector<1x1024xf32>
    %add3A_266 = vector.broadcast %get3A_265 : vector<1x1024xf32> to vector<1024x1024xf32>
    %add3A_267 = arith.addf %mul3A_262, %add3A_266 : vector<1024x1024xf32>
    %exp3A_268 = math.exp %add3A_267 : vector<1024x1024xf32>
    %reduce_sum3A_269 = arith.constant dense<0.000000e+00> : vector<1024xf32>
    %reduce_sum3A_270 = vector.multi_reduction <add>, %exp3A_268, %reduce_sum3A_269 [1] : vector<1024x1024xf32> to vector<1024xf32>
    %broadcast_in_dim3A_271 = vector.shape_cast %reduce_sum3A_270 : vector<1024xf32> to vector<1024x1xf32>
    %convert_element_type3A_272 = arith.truncf %exp3A_268 : vector<1024x1024xf32> to vector<1024x1024xbf16>
    %get3A_273 = arith.constant 6 : index
    %get3A_274 = arith.constant 0 : index
    %get3A_275 = arith.constant 0 : index
    %get3A_276 = vector.load %arg4[%get3A_273, %get3A_274, %get3A_275] : memref<8x1024x64xbf16, #tpu.memory_space<vmem>>, vector<1x1024x64xbf16>
    %get3A_277 = vector.shape_cast %get3A_276 : vector<1x1024x64xbf16> to vector<1024x64xbf16>
    %dot_general3A_278 = arith.constant dense<0.000000e+00> : vector<1024x64xf32>
    %dot_general3A_279 = tpu.matmul %convert_element_type3A_272, %get3A_277, %dot_general3A_278 {dimension_numbers = #tpu.dot_dimension_numbers<[1], [0], [0], [1], [0, 0, 1, 1], [], []>, transpose_lhs_hint = false} : vector<1024x1024xbf16>, vector<1024x64xbf16>, vector<1024x64xf32> -> vector<1024x64xf32>
    %div3A_280 = vector.broadcast %broadcast_in_dim3A_271 : vector<1024x1xf32> to vector<1024x64xf32>
    %div3A_281 = arith.divf %dot_general3A_279, %div3A_280 : vector<1024x64xf32>
    %convert_element_type3A_282 = arith.truncf %div3A_281 : vector<1024x64xf32> to vector<1024x64xbf16>
    %get3A_283 = arith.constant 6 : index
    %get3A_284 = arith.constant 0 : index
    %get3A_285 = arith.constant 0 : index
    %get3A_286 = vector.load %arg5[%get3A_283, %get3A_284, %get3A_285] : memref<8x64x1024xbf16, #tpu.memory_space<vmem>>, vector<1x64x1024xbf16>
    %get3A_287 = vector.shape_cast %get3A_286 : vector<1x64x1024xbf16> to vector<64x1024xbf16>
    %dot_general3A_288 = arith.constant dense<0.000000e+00> : vector<1024x1024xf32>
    %dot_general3A_289 = tpu.matmul %convert_element_type3A_282, %get3A_287, %dot_general3A_288 {dimension_numbers = #tpu.dot_dimension_numbers<[1], [0], [0], [1], [0, 0, 1, 1], [], []>, transpose_lhs_hint = false} : vector<1024x64xbf16>, vector<64x1024xbf16>, vector<1024x1024xf32> -> vector<1024x1024xf32>
    %add3A_290 = arith.addf %add3A_247, %dot_general3A_289 : vector<1024x1024xf32>
    %get3A_291 = arith.constant 7 : index
    %get3A_292 = arith.constant 0 : index
    %get3A_293 = arith.constant 0 : index
    %get3A_294 = vector.load %arg2[%get3A_291, %get3A_292, %get3A_293] : memref<8x1024x64xbf16, #tpu.memory_space<vmem>>, vector<1x1024x64xbf16>
    %get3A_295 = vector.shape_cast %get3A_294 : vector<1x1024x64xbf16> to vector<1024x64xbf16>
    %get3A_296 = arith.constant 7 : index
    %get3A_297 = arith.constant 0 : index
    %get3A_298 = arith.constant 0 : index
    %get3A_299 = vector.load %arg3[%get3A_296, %get3A_297, %get3A_298] : memref<8x1024x64xbf16, #tpu.memory_space<vmem>>, vector<1x1024x64xbf16>
    %get3A_300 = vector.shape_cast %get3A_299 : vector<1x1024x64xbf16> to vector<1024x64xbf16>
    %dot_general3A_301 = arith.constant dense<0.000000e+00> : vector<1024x1024xf32>
    %dot_general3A_302 = tpu.matmul %get3A_295, %get3A_300, %dot_general3A_301 {dimension_numbers = #tpu.dot_dimension_numbers<[1], [1], [0], [0], [0, 0, 1, 0], [], []>, transpose_lhs_hint = false} : vector<1024x64xbf16>, vector<1024x64xbf16>, vector<1024x1024xf32> -> vector<1024x1024xf32>
    %mul3A_303 = arith.constant 1.250000e-01 : f32
    %mul3A_304 = vector.broadcast %mul3A_303 : f32 to vector<1024x1024xf32>
    %mul3A_305 = arith.mulf %dot_general3A_302, %mul3A_304 : vector<1024x1024xf32>
    %get3A_306 = arith.constant 0 : index
    %get3A_307 = arith.constant 0 : index
    %get3A_308 = vector.load %arg7[%get3A_306, %get3A_307] : memref<1x1024xf32, #tpu.memory_space<vmem>>, vector<1x1024xf32>
    %add3A_309 = vector.broadcast %get3A_308 : vector<1x1024xf32> to vector<1024x1024xf32>
    %add3A_310 = arith.addf %mul3A_305, %add3A_309 : vector<1024x1024xf32>
    %exp3A_311 = math.exp %add3A_310 : vector<1024x1024xf32>
    %reduce_sum3A_312 = arith.constant dense<0.000000e+00> : vector<1024xf32>
    %reduce_sum3A_313 = vector.multi_reduction <add>, %exp3A_311, %reduce_sum3A_312 [1] : vector<1024x1024xf32> to vector<1024xf32>
    %broadcast_in_dim3A_314 = vector.shape_cast %reduce_sum3A_313 : vector<1024xf32> to vector<1024x1xf32>
    %convert_element_type3A_315 = arith.truncf %exp3A_311 : vector<1024x1024xf32> to vector<1024x1024xbf16>
    %get3A_316 = arith.constant 7 : index
    %get3A_317 = arith.constant 0 : index
    %get3A_318 = arith.constant 0 : index
    %get3A_319 = vector.load %arg4[%get3A_316, %get3A_317, %get3A_318] : memref<8x1024x64xbf16, #tpu.memory_space<vmem>>, vector<1x1024x64xbf16>
    %get3A_320 = vector.shape_cast %get3A_319 : vector<1x1024x64xbf16> to vector<1024x64xbf16>
    %dot_general3A_321 = arith.constant dense<0.000000e+00> : vector<1024x64xf32>
    %dot_general3A_322 = tpu.matmul %convert_element_type3A_315, %get3A_320, %dot_general3A_321 {dimension_numbers = #tpu.dot_dimension_numbers<[1], [0], [0], [1], [0, 0, 1, 1], [], []>, transpose_lhs_hint = false} : vector<1024x1024xbf16>, vector<1024x64xbf16>, vector<1024x64xf32> -> vector<1024x64xf32>
    %div3A_323 = vector.broadcast %broadcast_in_dim3A_314 : vector<1024x1xf32> to vector<1024x64xf32>
    %div3A_324 = arith.divf %dot_general3A_322, %div3A_323 : vector<1024x64xf32>
    %convert_element_type3A_325 = arith.truncf %div3A_324 : vector<1024x64xf32> to vector<1024x64xbf16>
    %get3A_326 = arith.constant 7 : index
    %get3A_327 = arith.constant 0 : index
    %get3A_328 = arith.constant 0 : index
    %get3A_329 = vector.load %arg5[%get3A_326, %get3A_327, %get3A_328] : memref<8x64x1024xbf16, #tpu.memory_space<vmem>>, vector<1x64x1024xbf16>
    %get3A_330 = vector.shape_cast %get3A_329 : vector<1x64x1024xbf16> to vector<64x1024xbf16>
    %dot_general3A_331 = arith.constant dense<0.000000e+00> : vector<1024x1024xf32>
    %dot_general3A_332 = tpu.matmul %convert_element_type3A_325, %get3A_330, %dot_general3A_331 {dimension_numbers = #tpu.dot_dimension_numbers<[1], [0], [0], [1], [0, 0, 1, 1], [], []>, transpose_lhs_hint = false} : vector<1024x64xbf16>, vector<64x1024xbf16>, vector<1024x1024xf32> -> vector<1024x1024xf32>
    %add3A_333 = arith.addf %add3A_290, %dot_general3A_332 : vector<1024x1024xf32>
    %eq3A = arith.constant 0 : i32
    %eq3A_334 = arith.cmpi eq, %arg1, %eq3A : i32
    %convert_element_type3A_335 = arith.extui %eq3A_334 : i1 to i32
    %cond3A = arith.constant 0 : i32
    %cond3A_336 = arith.cmpi ne, %convert_element_type3A_335, %cond3A : i32
    scf.if %cond3A_336 {
      %get3A_343 = arith.constant 0 : index
      %get3A_344 = arith.constant 0 : index
      %get3A_345 = vector.load %arg6[%get3A_343, %get3A_344] : memref<1024x1024xf32, #tpu.memory_space<vmem>>, vector<1024x1024xf32>
      %swap3A_346 = arith.constant 0 : index
      %swap3A_347 = arith.constant 0 : index
      %swap3A_348 = vector.load %arg8[%swap3A_346, %swap3A_347] : memref<1024x1024xf32, #tpu.memory_space<vmem>>, vector<1024x1024xf32>
      tpu.vector_store %arg8[%swap3A_346, %swap3A_347], %get3A_345 {strides = array<i32>} : memref<1024x1024xf32, #tpu.memory_space<vmem>>, vector<1024x1024xf32>,
    } else {
    }
    %get3A_337 = arith.constant 0 : index
    %get3A_338 = arith.constant 0 : index
    %get3A_339 = vector.load %arg8[%get3A_337, %get3A_338] : memref<1024x1024xf32, #tpu.memory_space<vmem>>, vector<1024x1024xf32>
    %add3A_340 = arith.addf %get3A_339, %add3A_333 : vector<1024x1024xf32>
    %swap3A = arith.constant 0 : index
    %swap3A_341 = arith.constant 0 : index
    %swap3A_342 = vector.load %arg8[%swap3A, %swap3A_341] : memref<1024x1024xf32, #tpu.memory_space<vmem>>, vector<1024x1024xf32>
    tpu.vector_store %arg8[%swap3A, %swap3A_341], %add3A_340 {strides = array<i32>} : memref<1024x1024xf32, #tpu.memory_space<vmem>>, vector<1024x1024xf32>,
    return
  }
  func.func @transform_0(%arg0: i32, %arg1: i32) -> (i32, i32, i32) {
    %mul3A = arith.constant 2 : i32
    %mul3A_0 = arith.muli %arg0, %mul3A : i32
    %add3A = arith.addi %mul3A_0, %arg1 : i32
    %c0_i32 = arith.constant 0 : i32
    %c0_i32_1 = arith.constant 0 : i32
    %c0_i32_2 = arith.constant 0 : i32
    return %add3A, %c0_i32, %c0_i32_1 : i32, i32, i32
  }
  func.func @transform_1(%arg0: i32, %arg1: i32) -> (i32, i32, i32) {
    %mul3A = arith.constant 2 : i32
    %mul3A_0 = arith.muli %arg0, %mul3A : i32
    %add3A = arith.addi %mul3A_0, %arg1 : i32
    %c0_i32 = arith.constant 0 : i32
    %c0_i32_1 = arith.constant 0 : i32
    %c0_i32_2 = arith.constant 0 : i32
    return %add3A, %c0_i32, %c0_i32_1 : i32, i32, i32
  }
  func.func @transform_2(%arg0: i32, %arg1: i32) -> (i32, i32, i32) {
    %mul3A = arith.constant 2 : i32
    %mul3A_0 = arith.muli %arg0, %mul3A : i32
    %add3A = arith.addi %mul3A_0, %arg1 : i32
    %c0_i32 = arith.constant 0 : i32
    %c0_i32_1 = arith.constant 0 : i32
    %c0_i32_2 = arith.constant 0 : i32
    return %add3A, %c0_i32, %c0_i32_1 : i32, i32, i32
  }
  func.func @transform_3(%arg0: i32, %arg1: i32) -> (i32, i32, i32) {
    %c0_i32 = arith.constant 0 : i32
    %c0_i32_0 = arith.constant 0 : i32
    %c0_i32_1 = arith.constant 0 : i32
    return %arg1, %c0_i32, %c0_i32_0 : i32, i32, i32
  }
  func.func @transform_4(%arg0: i32, %arg1: i32) -> (i32, i32) {
    %c0_i32 = arith.constant 0 : i32
    %c0_i32_0 = arith.constant 0 : i32
    return %arg0, %c0_i32 : i32, i32
  }
  func.func @transform_5(%arg0: i32, %arg1: i32) -> (i32, i32) {
    %c0_i32 = arith.constant 0 : i32
    %c0_i32_0 = arith.constant 0 : i32
    %c0_i32_1 = arith.constant 0 : i32
    return %c0_i32, %c0_i32_0 : i32, i32
  }
  func.func @transform_6(%arg0: i32, %arg1: i32) -> (i32, i32) {
    %c0_i32 = arith.constant 0 : i32
    %c0_i32_0 = arith.constant 0 : i32
    return %arg0, %c0_i32 : i32, i32
  }
}

module attributes {stable_mosaic.version = 14 : i64} {
  func.func @_ffn_body(%arg0: i32, %arg1: memref<640x1024xf32, #tpu.memory_space<vmem>>, %arg2: memref<1x1024xf32, #tpu.memory_space<vmem>>, %arg3: memref<1x1024xf32, #tpu.memory_space<vmem>>, %arg4: memref<1024x4096xbf16, #tpu.memory_space<vmem>>, %arg5: memref<1x4096xf32, #tpu.memory_space<vmem>>, %arg6: memref<4096x1024xbf16, #tpu.memory_space<vmem>>, %arg7: memref<1x1024xf32, #tpu.memory_space<vmem>>, %arg8: memref<640x1024xf32, #tpu.memory_space<vmem>>) attributes {dimension_semantics = [#tpu.dimension_semantics<arbitrary>], iteration_bounds = array<i64: 17>, scalar_prefetch = 0 : i64, scratch_operands = 0 : i64, tpu.core_type = #tpu.core_type<tc>, window_params = [{transform_indices = @transform_0, window_bounds = array<i64: 640, 1024>}, {pipeline_mode = #tpu.pipeline_mode<synchronous>, transform_indices = @transform_1, window_bounds = array<i64: 1, 1024>}, {pipeline_mode = #tpu.pipeline_mode<synchronous>, transform_indices = @transform_2, window_bounds = array<i64: 1, 1024>}, {pipeline_mode = #tpu.pipeline_mode<synchronous>, transform_indices = @transform_3, window_bounds = array<i64: 1024, 4096>}, {pipeline_mode = #tpu.pipeline_mode<synchronous>, transform_indices = @transform_4, window_bounds = array<i64: 1, 4096>}, {pipeline_mode = #tpu.pipeline_mode<synchronous>, transform_indices = @transform_5, window_bounds = array<i64: 4096, 1024>}, {pipeline_mode = #tpu.pipeline_mode<synchronous>, transform_indices = @transform_6, window_bounds = array<i64: 1, 1024>}, {transform_indices = @transform_7, window_bounds = array<i64: 640, 1024>}]} {
    %get3A = arith.constant 0 : index
    %get3A_0 = arith.constant 0 : index
    %get3A_1 = vector.load %arg1[%get3A, %get3A_0] : memref<640x1024xf32, #tpu.memory_space<vmem>>, vector<640x1024xf32>
    %reduce_sum3A = arith.constant dense<0.000000e+00> : vector<640xf32>
    %reduce_sum3A_2 = vector.multi_reduction <add>, %get3A_1, %reduce_sum3A [1] : vector<640x1024xf32> to vector<640xf32>
    %broadcast_in_dim3A = vector.shape_cast %reduce_sum3A_2 : vector<640xf32> to vector<640x1xf32>
    %div3A = arith.constant 1.024000e+03 : f32
    %div3A_3 = vector.broadcast %div3A : f32 to vector<640x1xf32>
    %div3A_4 = arith.divf %broadcast_in_dim3A, %div3A_3 : vector<640x1xf32>
    %sub3A = vector.broadcast %div3A_4 : vector<640x1xf32> to vector<640x1024xf32>
    %sub3A_5 = arith.subf %get3A_1, %sub3A : vector<640x1024xf32>
    %mul3A = arith.mulf %sub3A_5, %sub3A_5 : vector<640x1024xf32>
    %reduce_sum3A_6 = arith.constant dense<0.000000e+00> : vector<640xf32>
    %reduce_sum3A_7 = vector.multi_reduction <add>, %mul3A, %reduce_sum3A_6 [1] : vector<640x1024xf32> to vector<640xf32>
    %broadcast_in_dim3A_8 = vector.shape_cast %reduce_sum3A_7 : vector<640xf32> to vector<640x1xf32>
    %div3A_9 = arith.constant 1.024000e+03 : f32
    %div3A_10 = vector.broadcast %div3A_9 : f32 to vector<640x1xf32>
    %div3A_11 = arith.divf %broadcast_in_dim3A_8, %div3A_10 : vector<640x1xf32>
    %add3A = arith.constant 9.99999974E-6 : f32
    %add3A_12 = vector.broadcast %add3A : f32 to vector<640x1xf32>
    %add3A_13 = arith.addf %div3A_11, %add3A_12 : vector<640x1xf32>
    %rsqrt3A = math.rsqrt %add3A_13 : vector<640x1xf32>
    %mul3A_14 = vector.broadcast %rsqrt3A : vector<640x1xf32> to vector<640x1024xf32>
    %mul3A_15 = arith.mulf %sub3A_5, %mul3A_14 : vector<640x1024xf32>
    %get3A_16 = arith.constant 0 : index
    %get3A_17 = arith.constant 0 : index
    %get3A_18 = vector.load %arg2[%get3A_16, %get3A_17] : memref<1x1024xf32, #tpu.memory_space<vmem>>, vector<1x1024xf32>
    %mul3A_19 = vector.broadcast %get3A_18 : vector<1x1024xf32> to vector<640x1024xf32>
    %mul3A_20 = arith.mulf %mul3A_15, %mul3A_19 : vector<640x1024xf32>
    %get3A_21 = arith.constant 0 : index
    %get3A_22 = arith.constant 0 : index
    %get3A_23 = vector.load %arg3[%get3A_21, %get3A_22] : memref<1x1024xf32, #tpu.memory_space<vmem>>, vector<1x1024xf32>
    %add3A_24 = vector.broadcast %get3A_23 : vector<1x1024xf32> to vector<640x1024xf32>
    %add3A_25 = arith.addf %mul3A_20, %add3A_24 : vector<640x1024xf32>
    %convert_element_type3A = arith.truncf %add3A_25 : vector<640x1024xf32> to vector<640x1024xbf16>
    %broadcast_in_dim3A_26 = arith.constant 0.000000e+00 : f32
    %broadcast_in_dim3A_27 = vector.broadcast %broadcast_in_dim3A_26 : f32 to vector<640x1024xf32>
    %get3A_28 = arith.constant 0 : index
    %get3A_29 = arith.constant 0 : index
    %get3A_30 = vector.load %arg4[%get3A_28, %get3A_29] : memref<1024x4096xbf16, #tpu.memory_space<vmem>>, vector<1024x1024xbf16>
    %dot_general3A = arith.constant dense<0.000000e+00> : vector<640x1024xf32>
    %dot_general3A_31 = tpu.matmul %convert_element_type3A, %get3A_30, %dot_general3A {dimension_numbers = #tpu.dot_dimension_numbers<[1], [0], [0], [1], [0, 0, 1, 1], [], []>, transpose_lhs_hint = false} : vector<640x1024xbf16>, vector<1024x1024xbf16>, vector<640x1024xf32> -> vector<640x1024xf32>
    %get3A_32 = arith.constant 0 : index
    %get3A_33 = arith.constant 0 : index
    %get3A_34 = vector.load %arg5[%get3A_32, %get3A_33] : memref<1x4096xf32, #tpu.memory_space<vmem>>, vector<1x1024xf32>
    %add3A_35 = vector.broadcast %get3A_34 : vector<1x1024xf32> to vector<640x1024xf32>
    %add3A_36 = arith.addf %dot_general3A_31, %add3A_35 : vector<640x1024xf32>
    %mul3A_37 = arith.constant 5.000000e-01 : f32
    %mul3A_38 = vector.broadcast %mul3A_37 : f32 to vector<640x1024xf32>
    %mul3A_39 = arith.mulf %mul3A_38, %add3A_36 : vector<640x1024xf32>
    %mul3A_40 = arith.constant 0.707106769 : f32
    %mul3A_41 = vector.broadcast %mul3A_40 : f32 to vector<640x1024xf32>
    %mul3A_42 = arith.mulf %add3A_36, %mul3A_41 : vector<640x1024xf32>
    %erf3A = math.erf %mul3A_42 : vector<640x1024xf32>
    %add3A_43 = arith.constant 1.000000e+00 : f32
    %add3A_44 = vector.broadcast %add3A_43 : f32 to vector<640x1024xf32>
    %add3A_45 = arith.addf %add3A_44, %erf3A : vector<640x1024xf32>
    %mul3A_46 = arith.mulf %mul3A_39, %add3A_45 : vector<640x1024xf32>
    %convert_element_type3A_47 = arith.truncf %mul3A_46 : vector<640x1024xf32> to vector<640x1024xbf16>
    %get3A_48 = arith.constant 0 : index
    %get3A_49 = arith.constant 0 : index
    %get3A_50 = vector.load %arg6[%get3A_48, %get3A_49] : memref<4096x1024xbf16, #tpu.memory_space<vmem>>, vector<1024x1024xbf16>
    %dot_general3A_51 = arith.constant dense<0.000000e+00> : vector<640x1024xf32>
    %dot_general3A_52 = tpu.matmul %convert_element_type3A_47, %get3A_50, %dot_general3A_51 {dimension_numbers = #tpu.dot_dimension_numbers<[1], [0], [0], [1], [0, 0, 1, 1], [], []>, transpose_lhs_hint = false} : vector<640x1024xbf16>, vector<1024x1024xbf16>, vector<640x1024xf32> -> vector<640x1024xf32>
    %add3A_53 = arith.addf %broadcast_in_dim3A_27, %dot_general3A_52 : vector<640x1024xf32>
    %get3A_54 = arith.constant 0 : index
    %get3A_55 = arith.constant 1024 : index
    %get3A_56 = vector.load %arg4[%get3A_54, %get3A_55] : memref<1024x4096xbf16, #tpu.memory_space<vmem>>, vector<1024x1024xbf16>
    %dot_general3A_57 = arith.constant dense<0.000000e+00> : vector<640x1024xf32>
    %dot_general3A_58 = tpu.matmul %convert_element_type3A, %get3A_56, %dot_general3A_57 {dimension_numbers = #tpu.dot_dimension_numbers<[1], [0], [0], [1], [0, 0, 1, 1], [], []>, transpose_lhs_hint = false} : vector<640x1024xbf16>, vector<1024x1024xbf16>, vector<640x1024xf32> -> vector<640x1024xf32>
    %get3A_59 = arith.constant 0 : index
    %get3A_60 = arith.constant 1024 : index
    %get3A_61 = vector.load %arg5[%get3A_59, %get3A_60] : memref<1x4096xf32, #tpu.memory_space<vmem>>, vector<1x1024xf32>
    %add3A_62 = vector.broadcast %get3A_61 : vector<1x1024xf32> to vector<640x1024xf32>
    %add3A_63 = arith.addf %dot_general3A_58, %add3A_62 : vector<640x1024xf32>
    %mul3A_64 = arith.constant 5.000000e-01 : f32
    %mul3A_65 = vector.broadcast %mul3A_64 : f32 to vector<640x1024xf32>
    %mul3A_66 = arith.mulf %mul3A_65, %add3A_63 : vector<640x1024xf32>
    %mul3A_67 = arith.constant 0.707106769 : f32
    %mul3A_68 = vector.broadcast %mul3A_67 : f32 to vector<640x1024xf32>
    %mul3A_69 = arith.mulf %add3A_63, %mul3A_68 : vector<640x1024xf32>
    %erf3A_70 = math.erf %mul3A_69 : vector<640x1024xf32>
    %add3A_71 = arith.constant 1.000000e+00 : f32
    %add3A_72 = vector.broadcast %add3A_71 : f32 to vector<640x1024xf32>
    %add3A_73 = arith.addf %add3A_72, %erf3A_70 : vector<640x1024xf32>
    %mul3A_74 = arith.mulf %mul3A_66, %add3A_73 : vector<640x1024xf32>
    %convert_element_type3A_75 = arith.truncf %mul3A_74 : vector<640x1024xf32> to vector<640x1024xbf16>
    %get3A_76 = arith.constant 1024 : index
    %get3A_77 = arith.constant 0 : index
    %get3A_78 = vector.load %arg6[%get3A_76, %get3A_77] : memref<4096x1024xbf16, #tpu.memory_space<vmem>>, vector<1024x1024xbf16>
    %dot_general3A_79 = arith.constant dense<0.000000e+00> : vector<640x1024xf32>
    %dot_general3A_80 = tpu.matmul %convert_element_type3A_75, %get3A_78, %dot_general3A_79 {dimension_numbers = #tpu.dot_dimension_numbers<[1], [0], [0], [1], [0, 0, 1, 1], [], []>, transpose_lhs_hint = false} : vector<640x1024xbf16>, vector<1024x1024xbf16>, vector<640x1024xf32> -> vector<640x1024xf32>
    %add3A_81 = arith.addf %add3A_53, %dot_general3A_80 : vector<640x1024xf32>
    %get3A_82 = arith.constant 0 : index
    %get3A_83 = arith.constant 2048 : index
    %get3A_84 = vector.load %arg4[%get3A_82, %get3A_83] : memref<1024x4096xbf16, #tpu.memory_space<vmem>>, vector<1024x1024xbf16>
    %dot_general3A_85 = arith.constant dense<0.000000e+00> : vector<640x1024xf32>
    %dot_general3A_86 = tpu.matmul %convert_element_type3A, %get3A_84, %dot_general3A_85 {dimension_numbers = #tpu.dot_dimension_numbers<[1], [0], [0], [1], [0, 0, 1, 1], [], []>, transpose_lhs_hint = false} : vector<640x1024xbf16>, vector<1024x1024xbf16>, vector<640x1024xf32> -> vector<640x1024xf32>
    %get3A_87 = arith.constant 0 : index
    %get3A_88 = arith.constant 2048 : index
    %get3A_89 = vector.load %arg5[%get3A_87, %get3A_88] : memref<1x4096xf32, #tpu.memory_space<vmem>>, vector<1x1024xf32>
    %add3A_90 = vector.broadcast %get3A_89 : vector<1x1024xf32> to vector<640x1024xf32>
    %add3A_91 = arith.addf %dot_general3A_86, %add3A_90 : vector<640x1024xf32>
    %mul3A_92 = arith.constant 5.000000e-01 : f32
    %mul3A_93 = vector.broadcast %mul3A_92 : f32 to vector<640x1024xf32>
    %mul3A_94 = arith.mulf %mul3A_93, %add3A_91 : vector<640x1024xf32>
    %mul3A_95 = arith.constant 0.707106769 : f32
    %mul3A_96 = vector.broadcast %mul3A_95 : f32 to vector<640x1024xf32>
    %mul3A_97 = arith.mulf %add3A_91, %mul3A_96 : vector<640x1024xf32>
    %erf3A_98 = math.erf %mul3A_97 : vector<640x1024xf32>
    %add3A_99 = arith.constant 1.000000e+00 : f32
    %add3A_100 = vector.broadcast %add3A_99 : f32 to vector<640x1024xf32>
    %add3A_101 = arith.addf %add3A_100, %erf3A_98 : vector<640x1024xf32>
    %mul3A_102 = arith.mulf %mul3A_94, %add3A_101 : vector<640x1024xf32>
    %convert_element_type3A_103 = arith.truncf %mul3A_102 : vector<640x1024xf32> to vector<640x1024xbf16>
    %get3A_104 = arith.constant 2048 : index
    %get3A_105 = arith.constant 0 : index
    %get3A_106 = vector.load %arg6[%get3A_104, %get3A_105] : memref<4096x1024xbf16, #tpu.memory_space<vmem>>, vector<1024x1024xbf16>
    %dot_general3A_107 = arith.constant dense<0.000000e+00> : vector<640x1024xf32>
    %dot_general3A_108 = tpu.matmul %convert_element_type3A_103, %get3A_106, %dot_general3A_107 {dimension_numbers = #tpu.dot_dimension_numbers<[1], [0], [0], [1], [0, 0, 1, 1], [], []>, transpose_lhs_hint = false} : vector<640x1024xbf16>, vector<1024x1024xbf16>, vector<640x1024xf32> -> vector<640x1024xf32>
    %add3A_109 = arith.addf %add3A_81, %dot_general3A_108 : vector<640x1024xf32>
    %get3A_110 = arith.constant 0 : index
    %get3A_111 = arith.constant 3072 : index
    %get3A_112 = vector.load %arg4[%get3A_110, %get3A_111] : memref<1024x4096xbf16, #tpu.memory_space<vmem>>, vector<1024x1024xbf16>
    %dot_general3A_113 = arith.constant dense<0.000000e+00> : vector<640x1024xf32>
    %dot_general3A_114 = tpu.matmul %convert_element_type3A, %get3A_112, %dot_general3A_113 {dimension_numbers = #tpu.dot_dimension_numbers<[1], [0], [0], [1], [0, 0, 1, 1], [], []>, transpose_lhs_hint = false} : vector<640x1024xbf16>, vector<1024x1024xbf16>, vector<640x1024xf32> -> vector<640x1024xf32>
    %get3A_115 = arith.constant 0 : index
    %get3A_116 = arith.constant 3072 : index
    %get3A_117 = vector.load %arg5[%get3A_115, %get3A_116] : memref<1x4096xf32, #tpu.memory_space<vmem>>, vector<1x1024xf32>
    %add3A_118 = vector.broadcast %get3A_117 : vector<1x1024xf32> to vector<640x1024xf32>
    %add3A_119 = arith.addf %dot_general3A_114, %add3A_118 : vector<640x1024xf32>
    %mul3A_120 = arith.constant 5.000000e-01 : f32
    %mul3A_121 = vector.broadcast %mul3A_120 : f32 to vector<640x1024xf32>
    %mul3A_122 = arith.mulf %mul3A_121, %add3A_119 : vector<640x1024xf32>
    %mul3A_123 = arith.constant 0.707106769 : f32
    %mul3A_124 = vector.broadcast %mul3A_123 : f32 to vector<640x1024xf32>
    %mul3A_125 = arith.mulf %add3A_119, %mul3A_124 : vector<640x1024xf32>
    %erf3A_126 = math.erf %mul3A_125 : vector<640x1024xf32>
    %add3A_127 = arith.constant 1.000000e+00 : f32
    %add3A_128 = vector.broadcast %add3A_127 : f32 to vector<640x1024xf32>
    %add3A_129 = arith.addf %add3A_128, %erf3A_126 : vector<640x1024xf32>
    %mul3A_130 = arith.mulf %mul3A_122, %add3A_129 : vector<640x1024xf32>
    %convert_element_type3A_131 = arith.truncf %mul3A_130 : vector<640x1024xf32> to vector<640x1024xbf16>
    %get3A_132 = arith.constant 3072 : index
    %get3A_133 = arith.constant 0 : index
    %get3A_134 = vector.load %arg6[%get3A_132, %get3A_133] : memref<4096x1024xbf16, #tpu.memory_space<vmem>>, vector<1024x1024xbf16>
    %dot_general3A_135 = arith.constant dense<0.000000e+00> : vector<640x1024xf32>
    %dot_general3A_136 = tpu.matmul %convert_element_type3A_131, %get3A_134, %dot_general3A_135 {dimension_numbers = #tpu.dot_dimension_numbers<[1], [0], [0], [1], [0, 0, 1, 1], [], []>, transpose_lhs_hint = false} : vector<640x1024xbf16>, vector<1024x1024xbf16>, vector<640x1024xf32> -> vector<640x1024xf32>
    %add3A_137 = arith.addf %add3A_109, %dot_general3A_136 : vector<640x1024xf32>
    %add3A_138 = arith.addf %get3A_1, %add3A_137 : vector<640x1024xf32>
    %get3A_139 = arith.constant 0 : index
    %get3A_140 = arith.constant 0 : index
    %get3A_141 = vector.load %arg7[%get3A_139, %get3A_140] : memref<1x1024xf32, #tpu.memory_space<vmem>>, vector<1x1024xf32>
    %add3A_142 = vector.broadcast %get3A_141 : vector<1x1024xf32> to vector<640x1024xf32>
    %add3A_143 = arith.addf %add3A_138, %add3A_142 : vector<640x1024xf32>
    %swap3A = arith.constant 0 : index
    %swap3A_144 = arith.constant 0 : index
    %swap3A_145 = vector.load %arg8[%swap3A, %swap3A_144] : memref<640x1024xf32, #tpu.memory_space<vmem>>, vector<640x1024xf32>
    tpu.vector_store %arg8[%swap3A, %swap3A_144], %add3A_143 {strides = array<i32>} : memref<640x1024xf32, #tpu.memory_space<vmem>>, vector<640x1024xf32>,
    return
  }
  func.func @transform_0(%arg0: i32) -> (i32, i32) {
    %c0_i32 = arith.constant 0 : i32
    %c0_i32_0 = arith.constant 0 : i32
    return %arg0, %c0_i32 : i32, i32
  }
  func.func @transform_1(%arg0: i32) -> (i32, i32) {
    %c0_i32 = arith.constant 0 : i32
    %c0_i32_0 = arith.constant 0 : i32
    %c0_i32_1 = arith.constant 0 : i32
    return %c0_i32, %c0_i32_0 : i32, i32
  }
  func.func @transform_2(%arg0: i32) -> (i32, i32) {
    %c0_i32 = arith.constant 0 : i32
    %c0_i32_0 = arith.constant 0 : i32
    %c0_i32_1 = arith.constant 0 : i32
    return %c0_i32, %c0_i32_0 : i32, i32
  }
  func.func @transform_3(%arg0: i32) -> (i32, i32) {
    %c0_i32 = arith.constant 0 : i32
    %c0_i32_0 = arith.constant 0 : i32
    %c0_i32_1 = arith.constant 0 : i32
    return %c0_i32, %c0_i32_0 : i32, i32
  }
  func.func @transform_4(%arg0: i32) -> (i32, i32) {
    %c0_i32 = arith.constant 0 : i32
    %c0_i32_0 = arith.constant 0 : i32
    %c0_i32_1 = arith.constant 0 : i32
    return %c0_i32, %c0_i32_0 : i32, i32
  }
  func.func @transform_5(%arg0: i32) -> (i32, i32) {
    %c0_i32 = arith.constant 0 : i32
    %c0_i32_0 = arith.constant 0 : i32
    %c0_i32_1 = arith.constant 0 : i32
    return %c0_i32, %c0_i32_0 : i32, i32
  }
  func.func @transform_6(%arg0: i32) -> (i32, i32) {
    %c0_i32 = arith.constant 0 : i32
    %c0_i32_0 = arith.constant 0 : i32
    %c0_i32_1 = arith.constant 0 : i32
    return %c0_i32, %c0_i32_0 : i32, i32
  }
  func.func @transform_7(%arg0: i32) -> (i32, i32) {
    %c0_i32 = arith.constant 0 : i32
    %c0_i32_0 = arith.constant 0 : i32
    return %arg0, %c0_i32 : i32, i32
  }
}

</mosaic_0001>

<sc_bundles>
// kernel: kernel.10.cloned.1.call-start
scs
__scs_entry_jumppad:
0x0: {  	(pc) =	sbr.rel $0x88, $3  }
0x1: {  	(tag) =	ssettag $0x0;
	lr =	simm.s32 $0x1  }
0x2: {  	[smem:$0x3F93] =	sst lr;
	_ =	strace $0xD0000000  }
0x3: {  	_ = 	snop  }
0x4: {  	_ = 	snop  }
0x5: {  	_ = 	snop  }
0x6: {  	_ = 	snop  }
0x7: {  	_ = 	snop  }
__scs_overlays_trampoline_lowered:
0x8: {  	[smem:$0x3FA2] =	sst s0  }
0x9: {  	[smem:$0x3FA3] =	sst s1  }
0xa: {  	[smem:$0x3FA4] =	sst s2  }
0xb: {  	[smem:$0x3FA5] =	sst s3  }
0xc: {  	[smem:$0x3FA6] =	sst s4  }
0xd: {  	[smem:$0x3FA7] =	sst s5  }
0xe: {  	[smem:$0x3FA8] =	sst s6  }
0xf: {  	[smem:$0x3FA9] =	sst s7  }
0x10: {  	[smem:$0x3FAA] =	sst s8  }
0x11: {  	[smem:$0x3FAB] =	sst s9;
	s0 =	simm.s32 @!p0 $0x0  }
0x12: {  	s1 =	sld [smem:$0x3F91];
	s0 =	simm.s32 @p0 $0x1  }
0x13: {  	[smem:$0x3FAC] =	sst s0;
	s0 =	simm.s32 @!p1 $0x0  }
0x14: {  	s2 =	sld [smem:$0x3F90];
	s0 =	simm.s32 @p1 $0x1  }
0x15: {  	[smem:$0x3FAD] =	sst s0;
	s0 =	simm.s32 @!p2 $0x0  }
0x16: {  	s3 =	sld [smem:$0x3FDB];
	s0 =	simm.s32 @p2 $0x1  }
0x17: {  	s4 =	simm.s32 $0x1BF5;
	[smem:$0x3FAF] =	sst s0  }
0x18: {  	s0 =	sld [smem:$0x3F92];
	_ =	swait.ge [sflag:s4], $0x0  }
0x19: {  	s7 =	sld [smem:$0x3F93]  }
0x1a: {  	s8 =	sadd.s32 $0xFFFFE003, lr  }
0x1b: {  	s9 =	sadd.s32 $0xFFFFFEF7, lr;
	s5 =	simm.s32 $0xFFFFFFFF;
	p2 =	slt.u32 s8, $0xFFFFF086  }
0x1c: {  	p1 =	slt.u32 s9, $0xF7A;
	s5 =	simm.s32 @!p2 $0x0  }
0x1d: {  	s5 =	simm.s32 @p1 $0x1;
	p0 =	seq.s32 s7, s2  }
0x1e: {  	s7 =	smul.u32 @!p0 $0xF7A, s2;
	p2 =	seq.s32 @!p0 s5, $0x0  }
0x1f: {  	s9 =	smul.u32 $0xF7A, s1;
	s8 =	simm.s32 @!p0 $0x1BF5;
	p2 =	por !p2, p0  }
0x20: {  	[sflag:s8] =	ssyncset.s32 @!p0 $0xFFFFF086;
	s6 =	sadd.s32 @!p0 s3, s7;
	s7 =	simm.s32 @!p0 $0x108  }
0x21: {  	s3 =	sadd.s32 s3, s9;
	s6 =	sadd.s32 @!p0 $0x88, s6;
	s7 =	simm.s32 @p2 $0x1082  }
0x22: {  	[simem:s7], [sflag:s8] =	dma.local @!p0 [hbm:s6], $0xF7A  }
0x23: {  	s9 =	sor.u32 $0xD0000000, s2;
	s6 =	simm.s32 $0x108;
	_ =	swait.ge @!p0 [sflag:s8], $0x0  }
0x24: {  	s3 =	sadd.s32 $0x88, s3;
	s6 =	simm.s32 @!p1 $0x1082;
	[sflag:s4] =	ssyncset.s32 $0xFFFFF086  }
0x25: {  	[simem:s6], [sflag:s4] =	dma.local [hbm:s3], $0xF7A  }
0x26: {  	[smem:$0x3F93] =	sst s1;
	(tag) =	ssettag s2;
	_ =	strace s9  }
0x27: {  	s1 =	sld [smem:$0x3FA3]  }
0x28: {  	s2 =	sld [smem:$0x3FA4]  }
0x29: {  	s4 =	sld [smem:$0x3FA6]  }
0x2a: {  	p0 =	seq.s32 s5, $0x0;
	s5 =	sld [smem:$0x3FA7]  }
0x2b: {  	s6 =	sld [smem:$0x3FA8]  }
0x2c: {  	s7 =	sld [smem:$0x3FA9]  }
0x2d: {  	s3 =	simm.s32 $0x108;
	s8 =	sld [smem:$0x3FAA]  }
0x2e: {  	s3 =	simm.s32 @!p0 $0x1082;
	s9 =	sld [smem:$0x3FAB]  }
0x2f: {  	lr =	sadd.s32 s0, s3;
	s0 =	sld [smem:$0x3FA2]  }
0x30: {  	s3 =	sld [smem:$0x3FA5]  }
0x31: {  	[smem:$0x3FAE] =	sst s10  }
0x32: {  	s10 =	sld [smem:$0x3FAC];
	_ =	sdelay $0x3  }
0x33: {  	p0 =	seq.s32 s10, $0x1;
	s10 =	sld [smem:$0x3FAE];
	_ =	sdelay $0x3  }
0x34: {  	[smem:$0x3FAE] =	sst s10  }
0x35: {  	s10 =	sld [smem:$0x3FAD];
	_ =	sdelay $0x3  }
0x36: {  	p1 =	seq.s32 s10, $0x1;
	s10 =	sld [smem:$0x3FAE];
	_ =	sdelay $0x3  }
0x37: {  	[smem:$0x3FAE] =	sst s10  }
0x38: {  	s10 =	sld [smem:$0x3FAF]  }
0x39: {  	_ = 	snop;
	(pc) =	sbr.ind lr, $3  }
0x3a: {  	_ = 	snop  }
0x3b: {  	_ = 	snop  }
0x3c: {  	p2 =	seq.s32 s10, $0x1;
	s10 =	sld [smem:$0x3FAE]  }
0x3d: {  	_ =	shalt  }
0x3e: {  	_ =	shalt  }
0x3f: {  	_ =	shalt  }
0x40: {  	_ =	shalt  }
0x41: {  	_ =	shalt  }
0x42: {  	_ =	shalt  }
0x43: {  	_ =	shalt  }
0x44: {  	_ =	shalt  }
0x45: {  	_ =	shalt  }
0x46: {  	_ =	shalt  }
0x47: {  	_ =	shalt  }
0x48: {  	_ =	shalt  }
0x49: {  	_ =	shalt  }
0x4a: {  	_ =	shalt  }
0x4b: {  	_ =	shalt  }
0x4c: {  	_ =	shalt  }
0x4d: {  	_ =	shalt  }
0x4e: {  	_ =	shalt  }
0x4f: {  	_ =	shalt  }
0x50: {  	_ =	shalt  }
0x51: {  	_ =	shalt  }
0x52: {  	_ =	shalt  }
0x53: {  	_ =	shalt  }
0x54: {  	_ =	shalt  }
0x55: {  	_ =	shalt  }
0x56: {  	_ =	shalt  }
0x57: {  	_ =	shalt  }
0x58: {  	_ =	shalt  }
0x59: {  	_ =	shalt  }
0x5a: {  	_ =	shalt  }
0x5b: {  	_ =	shalt  }
0x5c: {  	_ =	shalt  }
0x5d: {  	_ =	shalt  }
0x5e: {  	_ =	shalt  }
0x5f: {  	_ =	shalt  }
0x60: {  	_ =	shalt  }
0x61: {  	_ =	shalt  }
0x62: {  	_ =	shalt  }
0x63: {  	_ =	shalt  }
0x64: {  	_ =	shalt  }
0x65: {  	_ =	shalt  }
0x66: {  	_ =	shalt  }
0x67: {  	_ =	shalt  }
0x68: {  	_ =	shalt  }
0x69: {  	_ =	shalt  }
0x6a: {  	_ =	shalt  }
0x6b: {  	_ =	shalt  }
0x6c: {  	_ =	shalt  }
0x6d: {  	_ =	shalt  }
0x6e: {  	_ =	shalt  }
0x6f: {  	_ =	shalt  }
0x70: {  	_ =	shalt  }
0x71: {  	_ =	shalt  }
0x72: {  	_ =	shalt  }
0x73: {  	_ =	shalt  }
0x74: {  	_ =	shalt  }
0x75: {  	_ =	shalt  }
0x76: {  	_ =	shalt  }
0x77: {  	_ =	shalt  }
0x78: {  	_ =	shalt  }
0x79: {  	_ =	shalt  }
0x7a: {  	_ =	shalt  }
0x7b: {  	_ =	shalt  }
0x7c: {  	_ =	shalt  }
0x7d: {  	_ =	shalt  }
0x7e: {  	_ =	shalt  }
0x7f: {  	_ =	shalt  }
0x80: {  	_ =	shalt  }
0x81: {  	_ =	shalt  }
0x82: {  	_ =	shalt  }
0x83: {  	_ =	shalt  }
0x84: {  	_ =	shalt  }
0x85: {  	_ =	shalt  }
0x86: {  	_ =	shalt  }
0x87: {  	_ =	shalt  }
.Lfunc_end0:
.L_simem_size_0:
called_computation.1_lowered:
.L_overlay_start_0:
0x88: {  	s2 =	sld [smem:$0x3FD9]  }
0x89: {  	s3 =	sld [smem:$0x3FFE];
	_ =	sdelay $0x1  }
0x8a: {  	s1 =	srdreg.scid  }
0x8b: {  	s0 =	sand.u32 $0x1, s1  }
0x8c: {  	s17 =	sshll.u32 s0, $0xA;
	s2 =	sadd.s32 s3, s2  }
0x8d: {  	s2 =	sadd.s32 s2, s17  }
0x8e: {  	[smem:$0x3FBA] =	sst s2  }
0x8f: {  	_ = 	snop  }
0x90: {  	s2 =	sld [smem:$0x3FD0];
	(tm) =	ssettm $0x1  }
0x91: {  	s18 =	sld [smem:$0x3FFB];
	_ =	sdelay $0x3  }
0x92: {  	_ =	strace s18  }
0x93: {  	s3 =	sld [smem:$0x3FFC];
	_ =	sdelay $0x3  }
0x94: {  	_ =	strace s3  }
0x95: {  	s3 =	sld [smem:$0x3FFD];
	_ =	sdelay $0x3  }
0x96: {  	_ =	strace s3  }
0x97: {  	_ =	strace $0x8FFFFFFF  }
0x98: {  	s19 =	sld [smem:$0x3FDB];
	_ =	sdelay $0x1  }
0x99: {  	s4 =	simm.s32 $_scs_section_size  }
0x9a: {  	s5 =	simm.s32 $_size__tile_overlayer_lowered;
	s6 =	simm.s32 $_tile_overlayer_lowered  }
0x9b: {  	s22 =	simm.s32 $0x1BFF;
	s21 =	sshll.u32 s6, $0x1;
	s3 =	sadd.s32 s4, s19  }
0x9c: {  	s7 =	simm.s32 $0x0;
	s20 =	sshll.u32 s5, $0x1;
	s5 =	sadd.s32 s21, s3  }
0x9d: {  	[timem:s7], [sflag:s22] =	dma.local [hbm:s5], s20  }
0x9e: {  	_ =	swait.ge [sflag:s22], s20  }
0x9f: {  	s4 =	ssub.s32 $0x0, s20;
	[sflag:s22] =	ssyncset.done $0x0  }
0xa0: {  	[sflag:s22] =	ssyncadd.s32 s4;
	_ =	sdelay $0x1  }
0xa1: {  	s23 =	simm.s32 $0x1B8B  }
0xa2: {  	_ =	swait.ge [sflag:s23], $0x1  }
0xa3: {  	[sflag:s23] =	ssyncset.done $0x0  }
0xa4: {  	s25 =	simm.s32 $0x1B8E;
	s24 =	sld [smem:$0x3FFE];
	[sflag:s23] =	ssyncadd.s32 $0xFFFFFFFF  }
0xa5: {  	s26 =	simm.s32 $execute0_lowered;
	[smem:$0x3FD2] =	sst s25  }
0xa6: {  	s5 =	sshll.u32 s26, $0x1;
	_ =	strace $0x80000049;
	[dreg:$0x1] =	wrdreg $0xFFFFFFFF  }
0xa7: {  	s28 =	simm.s32 $_size_execute0_lowered;
	s3 =	sadd.s32 s3, s5;
	[dreg:$0x0] =	wrdreg $0x0  }
0xa8: {  	s5 =	sshll.u32 s28, $0x1;
	[dreg:$0x2] =	wrdreg s3  }
0xa9: {  	[dreg:$0x3] =	wrdreg s5  }
0xaa: {  	[dreg:$0x4] =	wrdreg $0xC0  }
0xab: {  	_ =	task [dreg:s7], $0x5FFFF  }
0xac: {  	[dreg:$0x1] =	wrdreg $0xFFFFFFFF  }
0xad: {  	[dreg:$0x0] =	wrdreg $0x60  }
0xae: {  	[dreg:$0x2] =	wrdreg s24  }
0xaf: {  	[dreg:$0x3] =	wrdreg s2  }
0xb0: {  	[dreg:$0x4] =	wrdreg $0x9  }
0xb1: {  	_ =	task.clear_ibuf [dreg:s7], $0x5FFFF;
	_ =	strace $0x90000049  }
0xb2: {  	s29 =	simm.s32 $0x9;
	_ =	strace $0x8000004B  }
0xb3: {  	_ =	swait.ge [sflag:s29], $0x1  }
0xb4: {  	[sflag:s29] =	ssyncadd.s32 $0xFFFFFFFF  }
0xb5: {  	_ =	strace $0x9000004B  }
0xb6: {  	_ =	sfence  }
0xb7: {  	s30 =	sld [smem:$0x0];
	_ =	sdelay $0x2  }
0xb8: {  	s31 =	sshll.u32 s1, $0xD;
	s1 =	sshrl.u32 s1, $0x2  }
0xb9: {  	s3 =	sand.u32 $0x4000, s31;
	s1 =	sadd.s32 s1, s30  }
0xba: {  	s0 =	sor.u32 s3, s0;
	s1 =	sshll.u32 s1, $0x11  }
0xbb: {  	s0 =	sor.u32 s1, s0  }
0xbc: {  	s0 =	sadd.s32 $0x8F2B, s0  }
0xbd: {  	[sflag:s0] =	ssyncadd.remote.s32 $0x1  }
0xbe: {  	_ =	sfence.sel $0xFFFF  }
0xbf: {  	[dreg:$0x0] =	wrdreg $0xFFFFFFFF;
	(pc) =	sbr.abs _section_cstart, $3  }
0xc0: {  	[dreg:$0x1] =	wrdreg $0xFFFFFFFF  }
0xc1: {  	_ =	task.clear_ibuf [dreg:s7], $0x2FFFF;
	_ =	strace $0x9FFFFFFF  }
0xc2: {  	(tm) =	ssettm $0x7FFFFFFF  }
0xc3: {  	_ =	shalt  }
tec
execute0_lowered:
.L_overlay_start_1:
0x0: {  	(tag) =	ssettag $0x1  }
0x1: {  	s1 =	srdreg.scid  }
0x2: {  	s0 =	stileid.u32;
	s6 =	rddreg [dreg:$0x0]  }
0x3: {  	s4 =	rddreg [dreg:$0x1];
	s18 =	simm.s32 $0x880;
	s19 =	simm.s32 $0x1080  }
0x4: {  	s20 =	simm.s32 $0x1880;
	s22 =	simm.s32 $0x2080;
	s23 =	simm.s32 $0x2880  }
0x5: {  	s7 =	simm.s32 $0x3080;
	s24 =	simm.s32 $0x3880;
	s8 =	simm.s32 $0x4080  }
0x6: {  	s25 =	simm.s32 $0x4880;
	s26 =	simm.s32 $0x5080;
	s1 =	sand.u32 $0x1, s1  }
0x7: {  	s9 =	simm.s32 $0x80;
	s2 =	sshll.u32 s0, $0x7;
	s3 =	sshll.u32 s1, $0x6  }
0x8: {  	s11 =	simm.s32 $0x6080;
	s3 =	sor.u32 s3, s2;
	s2 =	simm.s32 $0x0  }
0x9: {  	s12 =	simm.s32 $0x6880;
	s13 =	simm.s32 $0x7080;
	[smem:$0x7FF] =	sst s2  }
0xa: {  	s14 =	simm.s32 $0x7880;
	_ =	strace $0x8000004A;
	[dreg:$0x5] =	wrdreg s18  }
0xb: {  	s15 =	simm.s32 $0x8080;
	s16 =	simm.s32 $0x8880;
	[dreg:$0x6] =	wrdreg s19  }
0xc: {  	s17 =	simm.s32 $0x9080;
	s28 =	simm.s32 $0xE080;
	[dreg:$0x7] =	wrdreg s20  }
0xd: {  	s29 =	simm.s32 $0xE880;
	s30 =	simm.s32 $0xF080;
	[dreg:$0x8] =	wrdreg s22  }
0xe: {  	s31 =	simm.s32 $0xF880;
	s1 =	ssub.s32 $0x2, s1;
	[dreg:$0x9] =	wrdreg s23  }
0xf: {  	s21 =	sshrl.u32 s1, $0x1;
	s5 =	sshrl.u32 s3, $0x3;
	[dreg:$0xa] =	wrdreg s7  }
0x10: {  	s3 =	sshll.u32 s3, $0x7;
	s1 =	ssub.s32 s1, s21;
	[dreg:$0xb] =	wrdreg s24  }
0x11: {  	s21 =	simm.s32 $0xB080;
	s5 =	sadd.s32 s5, s6;
	[dreg:$0xc] =	wrdreg s8  }
0x12: {  	s3 =	sadd.s32 s4, s3;
	s4 =	sadd.s32 $0x44300, s6;
	[dreg:$0xd] =	wrdreg s25  }
0x13: {  	s7 =	smax.u32 s1, $0x1;
	s8 =	simm.s32 $0x2;
	[dreg:$0xe] =	wrdreg s26  }
0x14: {  	s18 =	simm.s32 $0x9880;
	s19 =	simm.s32 $0xA080;
	s20 =	simm.s32 $0xA880  }
0x15: {  	s22 =	simm.s32 $0xB880;
	s23 =	simm.s32 $0xC080;
	s24 =	simm.s32 $0xC880  }
0x16: {  	v2 =	vlaneseq.u32;
	s25 =	simm.s32 $0xD080;
	s26 =	simm.s32 $0xD880;
	s1 =	simm.s32 $0x1  }
0x17: {  	vm0 =	vmmov $0xffff;
	v1 =	vshrl.u32 v2, $0x3;
	s5 =	sadd.s32 $0x198600, s5;
	[dreg:$0x4] =	wrdreg s3;
	s3 =	sadd.s32 $0x44200, s6  }
0x18: {  	v0 =	vand.u32 $0x7, v2;
	v2 =	vor.u32 $0x8, v2;
	v1 =	vmul.u32 $0x8, v1;
	[dreg:$0x3] =	wrdreg s5;
	s5 =	sadd.s32 $0x44400, s6;
	s6 =	sadd.s32 $0x44500, s6  }
.LBB2_1:
0x19: {  	s0 =	rddreg [dreg:$0x3]  }
0x1a: {  	[tilespmem:s2], [sflag:$0x2] =	stream.linear.gather [hbm4b:s0+s2], $0x40, $0x38;
	[tilespmem:$0x10080] =	vst v63  }
0x1b: {  	_ =	swait.ge [sflag:s8], $0x40  }
0x1c: {  	[sflag:s8] =	ssyncset.done $0x0  }
0x1d: {  	s10 =	rddreg [dreg:$0x4];
	[sflag:s8] =	ssyncadd.s32 $0xFFFFFFC0  }
0x1e: {  	[tilespmem:s9], [sflag:$0x2] =	stream.linear.gather [hbm4b:s10+s2], $0x10000, $0x38;
	[tilespmem:$0x10080] =	vst v63  }
0x1f: {  	_ =	swait.ge [sflag:s8], $0x10000  }
0x20: {  	[sflag:s8] =	ssyncset.done $0x0  }
0x21: {  	[sflag:s8] =	ssyncadd.s32 $0xFFFF0000  }
0x22: {  	v3 =	vld [tilespmem:$0x0];
	_ =	sdelay $0x4  }
0x23: {  	v4 =	vshll.u32 v3, $0x3  }
0x24: {  	v3 =	vand.u32 $0x7, v3;
	v4 =	vand.u32 $0xFFFFFFC0, v4  }
0x25: {  	v3 =	vor.u32 v3, v4  }
0x26: {  	v4 =	vperm.xlane v3, v0;
	_ =	sdelay $0x1  }
0x27: {  	v4 =	vadd.s32 v1, v4;
	_ =	sdelay $0x4  }
0x28: {  	[hbm4b:s3+s2] =	stream.indirect_vreg.scatter [tilespmem:s9], [sflag:$0x1], $0x80, v4, vm0, $0xb8;
	[tilespmem:$0x10080] =	vst v63  }
0x29: {  	s0 =	rddreg [dreg:$0x5];
	v3 =	vperm.xlane v3, v2  }
0x2a: {  	[hbm4b:s4+s2] =	stream.indirect_vreg.scatter [tilespmem:s0], [sflag:$0x1], $0x80, v4, vm0, $0xb8;
	[tilespmem:$0x10080] =	vst v63  }
0x2b: {  	s10 =	rddreg [dreg:$0x6];
	v3 =	vadd.s32 v1, v3  }
0x2c: {  	[hbm4b:s5+s2] =	stream.indirect_vreg.scatter [tilespmem:s10], [sflag:$0x1], $0x80, v4, vm0, $0xb8;
	[tilespmem:$0x10080] =	vst v63  }
0x2d: {  	s0 =	rddreg [dreg:$0x7]  }
0x2e: {  	[hbm4b:s6+s2] =	stream.indirect_vreg.scatter [tilespmem:s0], [sflag:$0x1], $0x80, v4, vm0, $0xb8;
	[tilespmem:$0x10080] =	vst v63  }
0x2f: {  	s10 =	rddreg [dreg:$0x8]  }
0x30: {  	[hbm4b:s3+s2] =	stream.indirect_vreg.scatter [tilespmem:s10], [sflag:$0x1], $0x80, v3, vm0, $0xb8;
	[tilespmem:$0x10080] =	vst v63  }
0x31: {  	s0 =	rddreg [dreg:$0x9]  }
0x32: {  	[hbm4b:s4+s2] =	stream.indirect_vreg.scatter [tilespmem:s0], [sflag:$0x1], $0x80, v3, vm0, $0xb8;
	[tilespmem:$0x10080] =	vst v63  }
0x33: {  	s10 =	rddreg [dreg:$0xa]  }
0x34: {  	[hbm4b:s5+s2] =	stream.indirect_vreg.scatter [tilespmem:s10], [sflag:$0x1], $0x80, v3, vm0, $0xb8;
	[tilespmem:$0x10080] =	vst v63  }
0x35: {  	s0 =	rddreg [dreg:$0xb]  }
0x36: {  	[hbm4b:s6+s2] =	stream.indirect_vreg.scatter [tilespmem:s0], [sflag:$0x1], $0x80, v3, vm0, $0xb8;
	[tilespmem:$0x10080] =	vst v63  }
0x37: {  	v3 =	vld [tilespmem:$0x10];
	_ =	sdelay $0x4  }
0x38: {  	v61 =	vshll.u32 v3, $0x3  }
0x39: {  	v3 =	vand.u32 $0x7, v3;
	v4 =	vand.u32 $0xFFFFFFC0, v61  }
0x3a: {  	v3 =	vor.u32 v3, v4  }
0x3b: {  	v4 =	vperm.xlane v3, v0;
	_ =	sdelay $0x1  }
0x3c: {  	v4 =	vadd.s32 v1, v4;
	_ =	sdelay $0x3  }
0x3d: {  	s0 =	rddreg [dreg:$0xc]  }
0x3e: {  	[hbm4b:s3+s2] =	stream.indirect_vreg.scatter [tilespmem:s0], [sflag:$0x1], $0x80, v4, vm0, $0xb8;
	[tilespmem:$0x10080] =	vst v63  }
0x3f: {  	s10 =	rddreg [dreg:$0xd];
	v3 =	vperm.xlane v3, v2  }
0x40: {  	[hbm4b:s4+s2] =	stream.indirect_vreg.scatter [tilespmem:s10], [sflag:$0x1], $0x80, v4, vm0, $0xb8;
	[tilespmem:$0x10080] =	vst v63  }
0x41: {  	v3 =	vadd.s32 v1, v3;
	s0 =	rddreg [dreg:$0xe]  }
0x42: {  	[hbm4b:s5+s2] =	stream.indirect_vreg.scatter [tilespmem:s0], [sflag:$0x1], $0x80, v4, vm0, $0xb8;
	[tilespmem:$0x10080] =	vst v63  }
0x43: {  	s10 =	simm.s32 $0x5880  }
0x44: {  	[hbm4b:s6+s2] =	stream.indirect_vreg.scatter [tilespmem:s10], [sflag:$0x1], $0x80, v4, vm0, $0xb8;
	[tilespmem:$0x10080] =	vst v63  }
0x45: {  	_ = 	snop  }
0x46: {  	[hbm4b:s3+s2] =	stream.indirect_vreg.scatter [tilespmem:s11], [sflag:$0x1], $0x80, v3, vm0, $0xb8;
	[tilespmem:$0x10080] =	vst v63  }
0x47: {  	_ = 	snop  }
0x48: {  	[hbm4b:s4+s2] =	stream.indirect_vreg.scatter [tilespmem:s12], [sflag:$0x1], $0x80, v3, vm0, $0xb8;
	[tilespmem:$0x10080] =	vst v63  }
0x49: {  	_ = 	snop  }
0x4a: {  	[hbm4b:s5+s2] =	stream.indirect_vreg.scatter [tilespmem:s13], [sflag:$0x1], $0x80, v3, vm0, $0xb8;
	[tilespmem:$0x10080] =	vst v63  }
0x4b: {  	_ = 	snop  }
0x4c: {  	[hbm4b:s6+s2] =	stream.indirect_vreg.scatter [tilespmem:s14], [sflag:$0x1], $0x80, v3, vm0, $0xb8;
	[tilespmem:$0x10080] =	vst v63  }
0x4d: {  	v3 =	vld [tilespmem:$0x20];
	_ =	sdelay $0x4  }
0x4e: {  	v62 =	vshll.u32 v3, $0x3  }
0x4f: {  	v3 =	vand.u32 $0x7, v3;
	v4 =	vand.u32 $0xFFFFFFC0, v62  }
0x50: {  	v3 =	vor.u32 v3, v4  }
0x51: {  	v4 =	vperm.xlane v3, v0;
	_ =	sdelay $0x1  }
0x52: {  	v4 =	vadd.s32 v1, v4;
	_ =	sdelay $0x4  }
0x53: {  	[hbm4b:s3+s2] =	stream.indirect_vreg.scatter [tilespmem:s15], [sflag:$0x1], $0x80, v4, vm0, $0xb8;
	[tilespmem:$0x10080] =	vst v63  }
0x54: {  	v3 =	vperm.xlane v3, v2  }
0x55: {  	[hbm4b:s4+s2] =	stream.indirect_vreg.scatter [tilespmem:s16], [sflag:$0x1], $0x80, v4, vm0, $0xb8;
	[tilespmem:$0x10080] =	vst v63  }
0x56: {  	v3 =	vadd.s32 v1, v3  }
0x57: {  	[hbm4b:s5+s2] =	stream.indirect_vreg.scatter [tilespmem:s17], [sflag:$0x1], $0x80, v4, vm0, $0xb8;
	[tilespmem:$0x10080] =	vst v63  }
0x58: {  	_ = 	snop  }
0x59: {  	[hbm4b:s6+s2] =	stream.indirect_vreg.scatter [tilespmem:s18], [sflag:$0x1], $0x80, v4, vm0, $0xb8;
	[tilespmem:$0x10080] =	vst v63  }
0x5a: {  	_ = 	snop  }
0x5b: {  	[hbm4b:s3+s2] =	stream.indirect_vreg.scatter [tilespmem:s19], [sflag:$0x1], $0x80, v3, vm0, $0xb8;
	[tilespmem:$0x10080] =	vst v63  }
0x5c: {  	_ = 	snop  }
0x5d: {  	[hbm4b:s4+s2] =	stream.indirect_vreg.scatter [tilespmem:s20], [sflag:$0x1], $0x80, v3, vm0, $0xb8;
	[tilespmem:$0x10080] =	vst v63  }
0x5e: {  	_ = 	snop  }
0x5f: {  	[hbm4b:s5+s2] =	stream.indirect_vreg.scatter [tilespmem:s21], [sflag:$0x1], $0x80, v3, vm0, $0xb8;
	[tilespmem:$0x10080] =	vst v63  }
0x60: {  	_ = 	snop  }
0x61: {  	[hbm4b:s6+s2] =	stream.indirect_vreg.scatter [tilespmem:s22], [sflag:$0x1], $0x80, v3, vm0, $0xb8;
	[tilespmem:$0x10080] =	vst v63  }
0x62: {  	v3 =	vld [tilespmem:$0x30];
	_ =	sdelay $0x4  }
0x63: {  	v63 =	vshll.u32 v3, $0x3  }
0x64: {  	v3 =	vand.u32 $0x7, v3;
	v4 =	vand.u32 $0xFFFFFFC0, v63  }
0x65: {  	v3 =	vor.u32 v3, v4  }
0x66: {  	v4 =	vperm.xlane v3, v0;
	_ =	sdelay $0x1  }
0x67: {  	v4 =	vadd.s32 v1, v4;
	_ =	sdelay $0x4  }
0x68: {  	[hbm4b:s3+s2] =	stream.indirect_vreg.scatter [tilespmem:s23], [sflag:$0x1], $0x80, v4, vm0, $0xb8;
	[tilespmem:$0x10080] =	vst v63  }
0x69: {  	v3 =	vperm.xlane v3, v2  }
0x6a: {  	[hbm4b:s4+s2] =	stream.indirect_vreg.scatter [tilespmem:s24], [sflag:$0x1], $0x80, v4, vm0, $0xb8;
	[tilespmem:$0x10080] =	vst v63  }
0x6b: {  	v3 =	vadd.s32 v1, v3  }
0x6c: {  	[hbm4b:s5+s2] =	stream.indirect_vreg.scatter [tilespmem:s25], [sflag:$0x1], $0x80, v4, vm0, $0xb8;
	[tilespmem:$0x10080] =	vst v63  }
0x6d: {  	_ = 	snop  }
0x6e: {  	[hbm4b:s6+s2] =	stream.indirect_vreg.scatter [tilespmem:s26], [sflag:$0x1], $0x80, v4, vm0, $0xb8;
	[tilespmem:$0x10080] =	vst v63  }
0x6f: {  	_ = 	snop  }
0x70: {  	[hbm4b:s3+s2] =	stream.indirect_vreg.scatter [tilespmem:s28], [sflag:$0x1], $0x80, v3, vm0, $0xb8;
	[tilespmem:$0x10080] =	vst v63  }
0x71: {  	_ = 	snop  }
0x72: {  	[hbm4b:s4+s2] =	stream.indirect_vreg.scatter [tilespmem:s29], [sflag:$0x1], $0x80, v3, vm0, $0xb8;
	[tilespmem:$0x10080] =	vst v63  }
0x73: {  	p0 =	sne.s32 s7, $0x1  }
0x74: {  	[hbm4b:s5+s2] =	stream.indirect_vreg.scatter [tilespmem:s30], [sflag:$0x1], $0x80, v3, vm0, $0xb8;
	[tilespmem:$0x10080] =	vst v63  }
.Ltmp0:
0x75: {  	_ = 	snop;
	(pc) =	sbr.rel @p0 .LBB2_1-.Ltmp0, $4  }
0x76: {  	[hbm4b:s6+s2] =	stream.indirect_vreg.scatter [tilespmem:s31], [sflag:$0x1], $0x80, v3, vm0, $0xb8;
	[tilespmem:$0x10080] =	vst v63  }
0x77: {  	_ =	swait.ge [sflag:s1], $0x10000  }
0x78: {  	[sflag:s1] =	ssyncset.done $0x0  }
0x79: {  	s7 =	sadd.s32 $0xFFFFFFFF, s7;
	[sflag:s1] =	ssyncadd.s32 $0xFFFF0000  }
0x7a: {  	_ =	sfence.sel $0x180000  }
0x7b: {  	[bflag:$0x0] =	sbarrier.arrive $0xFFFF  }
0x7c: {  	_ =	strace $0x9000004A  }
0x7d: {  	s0 =	stileid.u32;
	[bflag:$0x2] =	sbarrier.arrive $0xFFFF  }
0x7e: {  	p0 =	sne.s32 s0, $0x0;
	s0 =	rddreg [dreg:$0x2]  }
0x7f: {  	s0 =	sadd.s32 @!p0 $0x100000, s0  }
0x80: {  	[sflag:s0] =	ssyncadd.tile.s32 @!p0 $0x1;
	_ =	shalt  }
.Lfunc_end2:
_tile_overlayer_lowered:
.L_overlay_start_2:
0x81: {  	(tag) =	ssettag $0x2  }
0x82: {  	s0 =	rddreg [dreg:$0x0];
	s2 =	stileid.u32  }
0x83: {  	s1 =	rddreg [dreg:$0x1];
	p0 =	sne.s32 s2, $0x0  }
0x84: {  	s3 =	rddreg [dreg:$0x2];
	[bflag:$0x3] =	sbarrier.arrive $0xFFFF;
	s2 =	simm.s32 @!p0 $0x1C02  }
0x85: {  	[timem:s3], [sflag:s2] =	dma.local @!p0 [hbm:s0], s1  }
0x86: {  	s0 =	simm.s32 @!p0 $0x2  }
0x87: {  	_ =	swait.ge @!p0 [sflag:s0], s1  }
0x88: {  	s1 =	ssub.s32 @!p0 $0x0, s1;
	[sflag:s0] =	ssyncset.done @!p0 $0x0  }
0x89: {  	[sflag:s0] =	ssyncadd.s32 @!p0 s1  }
0x8a: {  	[bflag:$0x3] =	sbarrier.arrive $0xFFFF  }
0x8b: {  	_ =	shalt  }

// kernel: kernel.7.cloned.1.call-start
scs
__scs_entry_jumppad:
0x0: {  	(pc) =	sbr.rel $0x88, $3  }
0x1: {  	(tag) =	ssettag $0x0;
	lr =	simm.s32 $0x1  }
0x2: {  	[smem:$0x3F93] =	sst lr;
	_ =	strace $0xD0000000  }
0x3: {  	_ = 	snop  }
0x4: {  	_ = 	snop  }
0x5: {  	_ = 	snop  }
0x6: {  	_ = 	snop  }
0x7: {  	_ = 	snop  }
__scs_overlays_trampoline_lowered:
0x8: {  	[smem:$0x3FA2] =	sst s0  }
0x9: {  	[smem:$0x3FA3] =	sst s1  }
0xa: {  	[smem:$0x3FA4] =	sst s2  }
0xb: {  	[smem:$0x3FA5] =	sst s3  }
0xc: {  	[smem:$0x3FA6] =	sst s4  }
0xd: {  	[smem:$0x3FA7] =	sst s5  }
0xe: {  	[smem:$0x3FA8] =	sst s6  }
0xf: {  	[smem:$0x3FA9] =	sst s7  }
0x10: {  	[smem:$0x3FAA] =	sst s8  }
0x11: {  	[smem:$0x3FAB] =	sst s9;
	s0 =	simm.s32 @!p0 $0x0  }
0x12: {  	s1 =	sld [smem:$0x3F91];
	s0 =	simm.s32 @p0 $0x1  }
0x13: {  	[smem:$0x3FAC] =	sst s0;
	s0 =	simm.s32 @!p1 $0x0  }
0x14: {  	s2 =	sld [smem:$0x3F90];
	s0 =	simm.s32 @p1 $0x1  }
0x15: {  	[smem:$0x3FAD] =	sst s0;
	s0 =	simm.s32 @!p2 $0x0  }
0x16: {  	s3 =	sld [smem:$0x3FDB];
	s0 =	simm.s32 @p2 $0x1  }
0x17: {  	s4 =	simm.s32 $0x1BF5;
	[smem:$0x3FAF] =	sst s0  }
0x18: {  	s0 =	sld [smem:$0x3F92];
	_ =	swait.ge [sflag:s4], $0x0  }
0x19: {  	s7 =	sld [smem:$0x3F93]  }
0x1a: {  	s8 =	sadd.s32 $0xFFFFE003, lr  }
0x1b: {  	s9 =	sadd.s32 $0xFFFFFEF7, lr;
	s5 =	simm.s32 $0xFFFFFFFF;
	p2 =	slt.u32 s8, $0xFFFFF086  }
0x1c: {  	p1 =	slt.u32 s9, $0xF7A;
	s5 =	simm.s32 @!p2 $0x0  }
0x1d: {  	s5 =	simm.s32 @p1 $0x1;
	p0 =	seq.s32 s7, s2  }
0x1e: {  	s7 =	smul.u32 @!p0 $0xF7A, s2;
	p2 =	seq.s32 @!p0 s5, $0x0  }
0x1f: {  	s9 =	smul.u32 $0xF7A, s1;
	s8 =	simm.s32 @!p0 $0x1BF5;
	p2 =	por !p2, p0  }
0x20: {  	[sflag:s8] =	ssyncset.s32 @!p0 $0xFFFFF086;
	s6 =	sadd.s32 @!p0 s3, s7;
	s7 =	simm.s32 @!p0 $0x108  }
0x21: {  	s3 =	sadd.s32 s3, s9;
	s6 =	sadd.s32 @!p0 $0x88, s6;
	s7 =	simm.s32 @p2 $0x1082  }
0x22: {  	[simem:s7], [sflag:s8] =	dma.local @!p0 [hbm:s6], $0xF7A  }
0x23: {  	s9 =	sor.u32 $0xD0000000, s2;
	s6 =	simm.s32 $0x108;
	_ =	swait.ge @!p0 [sflag:s8], $0x0  }
0x24: {  	s3 =	sadd.s32 $0x88, s3;
	s6 =	simm.s32 @!p1 $0x1082;
	[sflag:s4] =	ssyncset.s32 $0xFFFFF086  }
0x25: {  	[simem:s6], [sflag:s4] =	dma.local [hbm:s3], $0xF7A  }
0x26: {  	[smem:$0x3F93] =	sst s1;
	(tag) =	ssettag s2;
	_ =	strace s9  }
0x27: {  	s1 =	sld [smem:$0x3FA3]  }
0x28: {  	s2 =	sld [smem:$0x3FA4]  }
0x29: {  	s4 =	sld [smem:$0x3FA6]  }
0x2a: {  	p0 =	seq.s32 s5, $0x0;
	s5 =	sld [smem:$0x3FA7]  }
0x2b: {  	s6 =	sld [smem:$0x3FA8]  }
0x2c: {  	s7 =	sld [smem:$0x3FA9]  }
0x2d: {  	s3 =	simm.s32 $0x108;
	s8 =	sld [smem:$0x3FAA]  }
0x2e: {  	s3 =	simm.s32 @!p0 $0x1082;
	s9 =	sld [smem:$0x3FAB]  }
0x2f: {  	lr =	sadd.s32 s0, s3;
	s0 =	sld [smem:$0x3FA2]  }
0x30: {  	s3 =	sld [smem:$0x3FA5]  }
0x31: {  	[smem:$0x3FAE] =	sst s10  }
0x32: {  	s10 =	sld [smem:$0x3FAC];
	_ =	sdelay $0x3  }
0x33: {  	p0 =	seq.s32 s10, $0x1;
	s10 =	sld [smem:$0x3FAE];
	_ =	sdelay $0x3  }
0x34: {  	[smem:$0x3FAE] =	sst s10  }
0x35: {  	s10 =	sld [smem:$0x3FAD];
	_ =	sdelay $0x3  }
0x36: {  	p1 =	seq.s32 s10, $0x1;
	s10 =	sld [smem:$0x3FAE];
	_ =	sdelay $0x3  }
0x37: {  	[smem:$0x3FAE] =	sst s10  }
0x38: {  	s10 =	sld [smem:$0x3FAF]  }
0x39: {  	_ = 	snop;
	(pc) =	sbr.ind lr, $3  }
0x3a: {  	_ = 	snop  }
0x3b: {  	_ = 	snop  }
0x3c: {  	p2 =	seq.s32 s10, $0x1;
	s10 =	sld [smem:$0x3FAE]  }
0x3d: {  	_ =	shalt  }
0x3e: {  	_ =	shalt  }
0x3f: {  	_ =	shalt  }
0x40: {  	_ =	shalt  }
0x41: {  	_ =	shalt  }
0x42: {  	_ =	shalt  }
0x43: {  	_ =	shalt  }
0x44: {  	_ =	shalt  }
0x45: {  	_ =	shalt  }
0x46: {  	_ =	shalt  }
0x47: {  	_ =	shalt  }
0x48: {  	_ =	shalt  }
0x49: {  	_ =	shalt  }
0x4a: {  	_ =	shalt  }
0x4b: {  	_ =	shalt  }
0x4c: {  	_ =	shalt  }
0x4d: {  	_ =	shalt  }
0x4e: {  	_ =	shalt  }
0x4f: {  	_ =	shalt  }
0x50: {  	_ =	shalt  }
0x51: {  	_ =	shalt  }
0x52: {  	_ =	shalt  }
0x53: {  	_ =	shalt  }
0x54: {  	_ =	shalt  }
0x55: {  	_ =	shalt  }
0x56: {  	_ =	shalt  }
0x57: {  	_ =	shalt  }
0x58: {  	_ =	shalt  }
0x59: {  	_ =	shalt  }
0x5a: {  	_ =	shalt  }
0x5b: {  	_ =	shalt  }
0x5c: {  	_ =	shalt  }
0x5d: {  	_ =	shalt  }
0x5e: {  	_ =	shalt  }
0x5f: {  	_ =	shalt  }
0x60: {  	_ =	shalt  }
0x61: {  	_ =	shalt  }
0x62: {  	_ =	shalt  }
0x63: {  	_ =	shalt  }
0x64: {  	_ =	shalt  }
0x65: {  	_ =	shalt  }
0x66: {  	_ =	shalt  }
0x67: {  	_ =	shalt  }
0x68: {  	_ =	shalt  }
0x69: {  	_ =	shalt  }
0x6a: {  	_ =	shalt  }
0x6b: {  	_ =	shalt  }
0x6c: {  	_ =	shalt  }
0x6d: {  	_ =	shalt  }
0x6e: {  	_ =	shalt  }
0x6f: {  	_ =	shalt  }
0x70: {  	_ =	shalt  }
0x71: {  	_ =	shalt  }
0x72: {  	_ =	shalt  }
0x73: {  	_ =	shalt  }
0x74: {  	_ =	shalt  }
0x75: {  	_ =	shalt  }
0x76: {  	_ =	shalt  }
0x77: {  	_ =	shalt  }
0x78: {  	_ =	shalt  }
0x79: {  	_ =	shalt  }
0x7a: {  	_ =	shalt  }
0x7b: {  	_ =	shalt  }
0x7c: {  	_ =	shalt  }
0x7d: {  	_ =	shalt  }
0x7e: {  	_ =	shalt  }
0x7f: {  	_ =	shalt  }
0x80: {  	_ =	shalt  }
0x81: {  	_ =	shalt  }
0x82: {  	_ =	shalt  }
0x83: {  	_ =	shalt  }
0x84: {  	_ =	shalt  }
0x85: {  	_ =	shalt  }
0x86: {  	_ =	shalt  }
0x87: {  	_ =	shalt  }
.Lfunc_end0:
.L_simem_size_0:
called_computation_lowered:
.L_overlay_start_0:
0x88: {  	s2 =	sld [smem:$0x3FD9]  }
0x89: {  	s3 =	sld [smem:$0x3FFE];
	_ =	sdelay $0x1  }
0x8a: {  	s1 =	srdreg.scid  }
0x8b: {  	s0 =	sand.u32 $0x1, s1  }
0x8c: {  	s17 =	sshll.u32 s0, $0xA;
	s2 =	sadd.s32 s3, s2  }
0x8d: {  	s2 =	sadd.s32 s2, s17  }
0x8e: {  	[smem:$0x3FBA] =	sst s2  }
0x8f: {  	_ = 	snop  }
0x90: {  	s2 =	sld [smem:$0x3FC9]  }
0x91: {  	s18 =	sld [smem:$0x3FC8]  }
0x92: {  	s4 =	sld [smem:$0x3FC6];
	(tm) =	ssettm $0x1  }
0x93: {  	s5 =	sld [smem:$0x3FFB];
	_ =	sdelay $0x3  }
0x94: {  	_ =	strace s5  }
0x95: {  	s5 =	sld [smem:$0x3FFC];
	_ =	sdelay $0x3  }
0x96: {  	_ =	strace s5  }
0x97: {  	s5 =	sld [smem:$0x3FFD];
	_ =	sdelay $0x3  }
0x98: {  	_ =	strace s5  }
0x99: {  	_ =	strace $0x8FFFFFFF  }
0x9a: {  	s19 =	sld [smem:$0x3FDB];
	_ =	sdelay $0x1  }
0x9b: {  	s6 =	simm.s32 $_scs_section_size  }
0x9c: {  	s7 =	simm.s32 $_size__tile_overlayer_lowered;
	s8 =	simm.s32 $_tile_overlayer_lowered  }
0x9d: {  	s22 =	simm.s32 $0x1BFF;
	s21 =	sshll.u32 s8, $0x1;
	s5 =	sadd.s32 s6, s19  }
0x9e: {  	s9 =	simm.s32 $0x0;
	s20 =	sshll.u32 s7, $0x1;
	s7 =	sadd.s32 s21, s5  }
0x9f: {  	[timem:s9], [sflag:s22] =	dma.local [hbm:s7], s20  }
0xa0: {  	_ =	swait.ge [sflag:s22], s20  }
0xa1: {  	s6 =	ssub.s32 $0x0, s20;
	[sflag:s22] =	ssyncset.done $0x0  }
0xa2: {  	[sflag:s22] =	ssyncadd.s32 s6;
	_ =	sdelay $0x1  }
0xa3: {  	s23 =	simm.s32 $0x1B8B  }
0xa4: {  	_ =	swait.ge [sflag:s23], $0x1  }
0xa5: {  	[sflag:s23] =	ssyncset.done $0x0  }
0xa6: {  	s25 =	simm.s32 $0x1B8E;
	s24 =	sld [smem:$0x3FFE];
	[sflag:s23] =	ssyncadd.s32 $0xFFFFFFFF  }
0xa7: {  	s26 =	simm.s32 $execute0_lowered;
	[smem:$0x3FD2] =	sst s25  }
0xa8: {  	s7 =	sshll.u32 s26, $0x1;
	_ =	strace $0x80000046;
	[dreg:$0x1] =	wrdreg $0xFFFFFFFF  }
0xa9: {  	s28 =	simm.s32 $_size_execute0_lowered;
	s5 =	sadd.s32 s5, s7;
	[dreg:$0x0] =	wrdreg $0x0  }
0xaa: {  	s7 =	sshll.u32 s28, $0x1;
	[dreg:$0x2] =	wrdreg s5  }
0xab: {  	[dreg:$0x3] =	wrdreg s7  }
0xac: {  	[dreg:$0x4] =	wrdreg $0xC0  }
0xad: {  	_ =	task [dreg:s9], $0x5FFFF  }
0xae: {  	[dreg:$0x1] =	wrdreg $0xFFFFFFFF  }
0xaf: {  	[dreg:$0x0] =	wrdreg $0x60  }
0xb0: {  	[dreg:$0x2] =	wrdreg s4  }
0xb1: {  	[dreg:$0x3] =	wrdreg s18  }
0xb2: {  	[dreg:$0x4] =	wrdreg s24  }
0xb3: {  	[dreg:$0x5] =	wrdreg s2  }
0xb4: {  	[dreg:$0x6] =	wrdreg $0x1A0000  }
0xb5: {  	[dreg:$0x7] =	wrdreg $0x9  }
0xb6: {  	_ =	task.clear_ibuf [dreg:s9], $0x8FFFF;
	_ =	strace $0x90000046  }
0xb7: {  	s29 =	simm.s32 $0x9;
	_ =	strace $0x80000048  }
0xb8: {  	_ =	swait.ge [sflag:s29], $0x1  }
0xb9: {  	[sflag:s29] =	ssyncadd.s32 $0xFFFFFFFF  }
0xba: {  	_ =	strace $0x90000048  }
0xbb: {  	_ =	sfence  }
0xbc: {  	s30 =	sld [smem:$0x0];
	_ =	sdelay $0x2  }
0xbd: {  	s31 =	sshll.u32 s1, $0xD;
	s1 =	sshrl.u32 s1, $0x2  }
0xbe: {  	s3 =	sand.u32 $0x4000, s31;
	s1 =	sadd.s32 s1, s30  }
0xbf: {  	s0 =	sor.u32 s3, s0;
	s1 =	sshll.u32 s1, $0x11  }
0xc0: {  	s0 =	sor.u32 s1, s0  }
0xc1: {  	s0 =	sadd.s32 $0x8F2B, s0  }
0xc2: {  	[sflag:s0] =	ssyncadd.remote.s32 $0x1  }
0xc3: {  	_ =	sfence.sel $0xFFFF  }
0xc4: {  	[dreg:$0x0] =	wrdreg $0xFFFFFFFF;
	(pc) =	sbr.abs _section_cstart, $3  }
0xc5: {  	[dreg:$0x1] =	wrdreg $0xFFFFFFFF  }
0xc6: {  	_ =	task.clear_ibuf [dreg:s9], $0x2FFFF;
	_ =	strace $0x9FFFFFFF  }
0xc7: {  	(tm) =	ssettm $0x7FFFFFFF  }
tec
execute0_lowered:
.L_overlay_start_1:
0x0: {  	(tag) =	ssettag $0x1  }
0x1: {  	s0 =	rddreg [dreg:$0x0]  }
0x2: {  	s2 =	rddreg [dreg:$0x1]  }
0x3: {  	s3 =	rddreg [dreg:$0x2]  }
0x4: {  	s4 =	srdreg.scid;
	s1 =	rddreg [dreg:$0x3]  }
0x5: {  	s14 =	rddreg [dreg:$0x4];
	s9 =	stileid.u32  }
0x6: {  	s29 =	simm.s32 $0x1580;
	s30 =	simm.s32 $0x6B80;
	s31 =	simm.s32 $0x6F80  }
0x7: {  	s28 =	simm.s32 $0x7780;
	s5 =	sand.u32 $0x1, s4;
	s4 =	simm.s32 $0x0  }
0x8: {  	s13 =	sshll.u32 s9, $0xD;
	s25 =	sadd.s32 $0xFFFFFFFF, s9;
	s19 =	smul.u32 $0x1400, s9  }
0x9: {  	s17 =	sshll.u32 s9, $0x6;
	s18 =	sadd.s32 $0x100, s1;
	s6 =	smul.u32 $0x1540, s5  }
0xa: {  	s20 =	sadd.s32 $0x200, s1;
	s21 =	sadd.s32 $0x300, s1;
	[smem:$0x7FF] =	sst s4  }
0xb: {  	p0 =	sne.s32 s9, $0x0;
	s7 =	smul.u32 $0xAA000, s5;
	[dreg:$0x13] =	wrdreg s6  }
0xc: {  	s12 =	sshll.u32 s5, $0x11;
	_ =	strace $0x80000047;
	[dreg:$0x14] =	wrdreg s25  }
0xd: {  	s23 =	sshll.u32 s5, $0x7;
	s5 =	ssub.s32 $0x2, s5;
	[dreg:$0x15] =	wrdreg s18  }
0xe: {  	s12 =	sor.u32 s13, s12;
	s6 =	sshrl.u32 s6, $0x3;
	[dreg:$0x16] =	wrdreg s20  }
0xf: {  	s10 =	sadd.s32 s7, s3;
	s0 =	sadd.s32 s0, s6;
	[dreg:$0x17] =	wrdreg s21  }
0x10: {  	s12 =	sadd.s32 s12, s3;
	s26 =	sadd.s32 s2, s6;
	[dreg:$0x6] =	wrdreg s0  }
0x11: {  	s8 =	sadd.s32 s6, s3;
	s22 =	sadd.s32 $0x4200, s12;
	[dreg:$0x7] =	wrdreg s26  }
0x12: {  	s3 =	sadd.s32 s23, s3;
	s23 =	sadd.s32 $0x5200, s12;
	[dreg:$0x10] =	wrdreg s22  }
0x13: {  	s24 =	sshrl.u32 s5, $0x1;
	s2 =	sadd.s32 $0x3600, s8;
	[dreg:$0x11] =	wrdreg s23  }
0x14: {  	s13 =	ssub.s32 s5, s24;
	s5 =	sadd.s32 $0x3000, s8;
	[dreg:$0x8] =	wrdreg s2  }
0x15: {  	s24 =	sadd.s32 s7, s1;
	s6 =	sadd.s32 $0x2A00, s8;
	[dreg:$0x9] =	wrdreg s5  }
0x16: {  	s1 =	simm.s32 $0x2;
	s8 =	sadd.s32 $0x198600, s3;
	[dreg:$0xa] =	wrdreg s6  }
0x17: {  	s7 =	simm.s32 $0x11F80;
	s11 =	sadd.s32 $0x3E00, s3;
	[dreg:$0xb] =	wrdreg s8  }
0x18: {  	s25 =	sadd.s32 s19, s10;
	s15 =	sadd.s32 $0x4000, s3;
	[dreg:$0xc] =	wrdreg s11  }
0x19: {  	s20 =	simm.s32 $0x16780;
	s16 =	sadd.s32 $0x3C00, s3;
	[dreg:$0xd] =	wrdreg s15  }
.Ltmp0:
0x1a: {  	s0 =	sadd.s32 s17, s14;
	[dreg:$0xe] =	wrdreg s16;
	(pc) =	sbr.rel .LBB2_1-.Ltmp0, $4  }
0x1b: {  	s21 =	simm.s32 $0x16F80;
	s26 =	smax.u32 s13, $0x1;
	[dreg:$0xf] =	wrdreg s0  }
0x1c: {  	v0 =	vimm.s32 $0x0;
	v1 =	vimm.s32 $0x2A80;
	v2 =	vlaneseq.u32;
	s22 =	sadd.s32 s19, s24;
	s23 =	sadd.s32 $0x44200, s25;
	[dreg:$0x12] =	wrdreg s26  }
0x1d: {  	v3 =	vimm.f32 $0.0e+00;
	vm0 =	vmmov $0xffff;
	v5 =	vshrl.u32 v2, $0x3;
	s0 =	simm.s32 $0x7380;
	s2 =	simm.s32 $0x7B80;
	s5 =	simm.s32 $0x0  }
0x1e: {  	v4 =	vand.u32 $0x7, v2;
	v6 =	vor.u32 $0x8, v2;
	v5 =	vmul.u32 $0x8, v5;
	s11 =	simm.s32 $0x17F80;
	s26 =	simm.s32 $0x18F80;
	s16 =	simm.s32 $0x1  }
.LBB2_29:
0x1f: {  	s9 =	sadd.s32 @!p2 s3, s22;
	s10 =	simm.s32 @!p2 $0x0  }
0x20: {  	[sflag:s12] =	ssyncset.done @!p1 $0x0;
	p1 =	por p1, p1;
	p2 =	por p2, p2  }
0x21: {  	s13 =	simm.s32 @!p2 $0x7F80;
	s14 =	simm.s32 @!p2 $0x3;
	[sflag:s12] =	ssyncadd.s32 @!p1 $0xFFFF6000  }
0x22: {  	[tilespmem:s13], [sflag:$0x3] =	stream.linear.gather @!p2 [hbm4b:s9+s10], $0xA000, $0x38;
	[tilespmem:$0x1A040] =	vst v63  }
0x23: {  	_ =	swait.ge @!p2 [sflag:s14], $0xA000  }
0x24: {  	[sflag:s14] =	ssyncset.done @!p2 $0x0  }
0x25: {  	s3 =	sadd.s32 @!p2 s3, s23;
	s9 =	simm.s32 @!p2 $0x2;
	[sflag:s14] =	ssyncadd.s32 @!p2 $0xFFFF6000  }
0x26: {  	[hbm4b:s3+s10] =	stream.linear.scatter @!p2 [tilespmem:s13], [sflag:$0x2], $0xA000, $0x38;
	[tilespmem:$0x1A040] =	vst v63  }
0x27: {  	_ =	swait.ge @!p2 [sflag:s9], $0xA000  }
0x28: {  	p1 =	por p2, p2;
	[sflag:s9] =	ssyncset.done @!p2 $0x0  }
0x29: {  	s5 =	smov.u32 s6;
	[sflag:s9] =	ssyncadd.s32 @!p1 $0xFFFF6000  }
.LBB2_30:
0x2a: {  	[bflag:$0x0] =	sbarrier.arrive $0xFFFF  }
0x2b: {  	s9 =	simm.s32 $0x19F80;
	s3 =	rddreg [dreg:$0xf]  }
0x2c: {  	[tilespmem:s9], [sflag:$0x2] =	stream.linear.gather [spmem:s3], $0x40, $0x38;
	[tilespmem:$0x1A040] =	vst v63  }
0x2d: {  	_ =	swait.ge [sflag:s1], $0x40  }
0x2e: {  	[sflag:s1] =	ssyncset.done $0x0  }
0x2f: {  	[sflag:s1] =	ssyncadd.s32 $0xFFFFFFC0  }
0x30: {  	v7 =	vld [tilespmem:$0x19F80];
	_ =	sdelay $0x4  }
0x31: {  	v8 =	vshll.u32 v7, $0x3  }
0x32: {  	v7 =	vand.u32 $0x7, v7;
	v8 =	vand.u32 $0xFFFFFFC0, v8  }
0x33: {  	v7 =	vor.u32 v7, v8  }
0x34: {  	v8 =	vperm.xlane v7, v4;
	_ =	sdelay $0x1  }
0x35: {  	v8 =	vadd.s32 v5, v8;
	_ =	sdelay $0x3  }
0x36: {  	s8 =	rddreg [dreg:$0x3]  }
0x37: {  	[tilespmem:s7], [sflag:$0x1] =	stream.indirect_vreg.gather [hbm4b:s8+s4], $0x80, v8, vm0, $0xb8;
	[tilespmem:$0x1A040] =	vst v63  }
0x38: {  	s9 =	simm.s32 $0x12780;
	s17 =	rddreg [dreg:$0x15];
	v7 =	vperm.xlane v7, v6  }
0x39: {  	[tilespmem:s9], [sflag:$0x1] =	stream.indirect_vreg.gather [hbm4b:s17+s4], $0x80, v8, vm0, $0xb8;
	[tilespmem:$0x1A040] =	vst v63  }
0x3a: {  	s10 =	simm.s32 $0x12F80;
	s18 =	rddreg [dreg:$0x16];
	v7 =	vadd.s32 v5, v7  }
0x3b: {  	[tilespmem:s10], [sflag:$0x1] =	stream.indirect_vreg.gather [hbm4b:s18+s4], $0x80, v8, vm0, $0xb8;
	[tilespmem:$0x1A040] =	vst v63  }
0x3c: {  	s12 =	simm.s32 $0x13780;
	s25 =	rddreg [dreg:$0x17]  }
0x3d: {  	[tilespmem:s12], [sflag:$0x1] =	stream.indirect_vreg.gather [hbm4b:s25+s4], $0x80, v8, vm0, $0xb8;
	[tilespmem:$0x1A040] =	vst v63  }
0x3e: {  	s13 =	simm.s32 $0x13F80  }
0x3f: {  	[tilespmem:s13], [sflag:$0x1] =	stream.indirect_vreg.gather [hbm4b:s8+s4], $0x80, v7, vm0, $0xb8;
	[tilespmem:$0x1A040] =	vst v63  }
0x40: {  	s14 =	simm.s32 $0x14780  }
0x41: {  	[tilespmem:s14], [sflag:$0x1] =	stream.indirect_vreg.gather [hbm4b:s17+s4], $0x80, v7, vm0, $0xb8;
	[tilespmem:$0x1A040] =	vst v63  }
0x42: {  	s15 =	simm.s32 $0x14F80  }
0x43: {  	[tilespmem:s15], [sflag:$0x1] =	stream.indirect_vreg.gather [hbm4b:s18+s4], $0x80, v7, vm0, $0xb8;
	[tilespmem:$0x1A040] =	vst v63  }
0x44: {  	s19 =	simm.s32 $0x15780  }
0x45: {  	[tilespmem:s19], [sflag:$0x1] =	stream.indirect_vreg.gather [hbm4b:s25+s4], $0x80, v7, vm0, $0xb8;
	[tilespmem:$0x1A040] =	vst v63  }
0x46: {  	v7 =	vld [tilespmem:$0x19F90];
	_ =	sdelay $0x4  }
0x47: {  	v8 =	vshll.u32 v7, $0x3  }
0x48: {  	v7 =	vand.u32 $0x7, v7;
	v8 =	vand.u32 $0xFFFFFFC0, v8  }
0x49: {  	v7 =	vor.u32 v7, v8  }
0x4a: {  	v8 =	vperm.xlane v7, v4;
	_ =	sdelay $0x1  }
0x4b: {  	v8 =	vadd.s32 v5, v8;
	_ =	sdelay $0x3  }
0x4c: {  	s24 =	simm.s32 $0x15F80  }
0x4d: {  	[tilespmem:s24], [sflag:$0x1] =	stream.indirect_vreg.gather [hbm4b:s8+s4], $0x80, v8, vm0, $0xb8;
	[tilespmem:$0x1A040] =	vst v63  }
0x4e: {  	v7 =	vperm.xlane v7, v6  }
0x4f: {  	[tilespmem:s20], [sflag:$0x1] =	stream.indirect_vreg.gather [hbm4b:s17+s4], $0x80, v8, vm0, $0xb8;
	[tilespmem:$0x1A040] =	vst v63  }
0x50: {  	v7 =	vadd.s32 v5, v7  }
0x51: {  	[tilespmem:s21], [sflag:$0x1] =	stream.indirect_vreg.gather [hbm4b:s18+s4], $0x80, v8, vm0, $0xb8;
	[tilespmem:$0x1A040] =	vst v63  }
0x52: {  	s6 =	simm.s32 $0x17780  }
0x53: {  	[tilespmem:s6], [sflag:$0x1] =	stream.indirect_vreg.gather [hbm4b:s25+s4], $0x80, v8, vm0, $0xb8;
	[tilespmem:$0x1A040] =	vst v63  }
0x54: {  	_ = 	snop  }
0x55: {  	[tilespmem:s11], [sflag:$0x1] =	stream.indirect_vreg.gather [hbm4b:s8+s4], $0x80, v7, vm0, $0xb8;
	[tilespmem:$0x1A040] =	vst v63  }
0x56: {  	s3 =	simm.s32 $0x18780  }
0x57: {  	[tilespmem:s3], [sflag:$0x1] =	stream.indirect_vreg.gather [hbm4b:s17+s4], $0x80, v7, vm0, $0xb8;
	[tilespmem:$0x1A040] =	vst v63  }
0x58: {  	_ = 	snop  }
0x59: {  	[tilespmem:s26], [sflag:$0x1] =	stream.indirect_vreg.gather [hbm4b:s18+s4], $0x80, v7, vm0, $0xb8;
	[tilespmem:$0x1A040] =	vst v63  }
0x5a: {  	s3 =	simm.s32 $0x19780  }
0x5b: {  	[tilespmem:s3], [sflag:$0x1] =	stream.indirect_vreg.gather [hbm4b:s25+s4], $0x80, v7, vm0, $0xb8;
	[tilespmem:$0x1A040] =	vst v63  }
0x5c: {  	_ =	swait.ge [sflag:s16], $0x8000  }
0x5d: {  	[sflag:s16] =	ssyncset.done $0x0  }
0x5e: {  	s1 =	simm.s32 $0x2;
	s3 =	rddreg [dreg:$0x10];
	[sflag:s16] =	ssyncadd.s32 $0xFFFF8000  }
0x5f: {  	[hbm4b:s3+s4] =	stream.linear.scatter [tilespmem:s7], [sflag:$0x2], $0x8000, $0x38;
	[tilespmem:$0x1A040] =	vst v63  }
0x60: {  	_ =	swait.ge [sflag:s1], $0x8000  }
0x61: {  	[sflag:s1] =	ssyncset.done $0x0  }
0x62: {  	[sflag:s1] =	ssyncadd.s32 $0xFFFF8000  }
0x63: {  	v7 =	vld [tilespmem:$0x19FA0];
	_ =	sdelay $0x4  }
0x64: {  	v8 =	vshll.u32 v7, $0x3  }
0x65: {  	v7 =	vand.u32 $0x7, v7;
	v8 =	vand.u32 $0xFFFFFFC0, v8  }
0x66: {  	v7 =	vor.u32 v7, v8  }
0x67: {  	v8 =	vperm.xlane v7, v4;
	_ =	sdelay $0x1  }
0x68: {  	v8 =	vadd.s32 v5, v8;
	_ =	sdelay $0x4  }
0x69: {  	[tilespmem:s7], [sflag:$0x1] =	stream.indirect_vreg.gather [hbm4b:s8+s4], $0x80, v8, vm0, $0xb8;
	[tilespmem:$0x1A040] =	vst v63  }
0x6a: {  	v7 =	vperm.xlane v7, v6  }
0x6b: {  	[tilespmem:s9], [sflag:$0x1] =	stream.indirect_vreg.gather [hbm4b:s17+s4], $0x80, v8, vm0, $0xb8;
	[tilespmem:$0x1A040] =	vst v63  }
0x6c: {  	v7 =	vadd.s32 v5, v7  }
0x6d: {  	[tilespmem:s10], [sflag:$0x1] =	stream.indirect_vreg.gather [hbm4b:s18+s4], $0x80, v8, vm0, $0xb8;
	[tilespmem:$0x1A040] =	vst v63  }
0x6e: {  	_ = 	snop  }
0x6f: {  	[tilespmem:s12], [sflag:$0x1] =	stream.indirect_vreg.gather [hbm4b:s25+s4], $0x80, v8, vm0, $0xb8;
	[tilespmem:$0x1A040] =	vst v63  }
0x70: {  	_ = 	snop  }
0x71: {  	[tilespmem:s13], [sflag:$0x1] =	stream.indirect_vreg.gather [hbm4b:s8+s4], $0x80, v7, vm0, $0xb8;
	[tilespmem:$0x1A040] =	vst v63  }
0x72: {  	_ = 	snop  }
0x73: {  	[tilespmem:s14], [sflag:$0x1] =	stream.indirect_vreg.gather [hbm4b:s17+s4], $0x80, v7, vm0, $0xb8;
	[tilespmem:$0x1A040] =	vst v63  }
0x74: {  	_ = 	snop  }
0x75: {  	[tilespmem:s15], [sflag:$0x1] =	stream.indirect_vreg.gather [hbm4b:s18+s4], $0x80, v7, vm0, $0xb8;
	[tilespmem:$0x1A040] =	vst v63  }
0x76: {  	_ = 	snop  }
0x77: {  	[tilespmem:s19], [sflag:$0x1] =	stream.indirect_vreg.gather [hbm4b:s25+s4], $0x80, v7, vm0, $0xb8;
	[tilespmem:$0x1A040] =	vst v63  }
0x78: {  	v7 =	vld [tilespmem:$0x19FB0];
	_ =	sdelay $0x4  }
0x79: {  	v8 =	vshll.u32 v7, $0x3  }
0x7a: {  	v7 =	vand.u32 $0x7, v7;
	v8 =	vand.u32 $0xFFFFFFC0, v8  }
0x7b: {  	v7 =	vor.u32 v7, v8  }
0x7c: {  	v8 =	vperm.xlane v7, v4;
	_ =	sdelay $0x1  }
0x7d: {  	v8 =	vadd.s32 v5, v8;
	_ =	sdelay $0x4  }
0x7e: {  	[tilespmem:s24], [sflag:$0x1] =	stream.indirect_vreg.gather [hbm4b:s8+s4], $0x80, v8, vm0, $0xb8;
	[tilespmem:$0x1A040] =	vst v63  }
0x7f: {  	v7 =	vperm.xlane v7, v6  }
0x80: {  	[tilespmem:s20], [sflag:$0x1] =	stream.indirect_vreg.gather [hbm4b:s17+s4], $0x80, v8, vm0, $0xb8;
	[tilespmem:$0x1A040] =	vst v63  }
0x81: {  	v7 =	vadd.s32 v5, v7  }
0x82: {  	[tilespmem:s21], [sflag:$0x1] =	stream.indirect_vreg.gather [hbm4b:s18+s4], $0x80, v8, vm0, $0xb8;
	[tilespmem:$0x1A040] =	vst v63  }
0x83: {  	_ = 	snop  }
0x84: {  	[tilespmem:s6], [sflag:$0x1] =	stream.indirect_vreg.gather [hbm4b:s25+s4], $0x80, v8, vm0, $0xb8;
	[tilespmem:$0x1A040] =	vst v63  }
0x85: {  	_ = 	snop  }
0x86: {  	[tilespmem:s11], [sflag:$0x1] =	stream.indirect_vreg.gather [hbm4b:s8+s4], $0x80, v7, vm0, $0xb8;
	[tilespmem:$0x1A040] =	vst v63  }
0x87: {  	s15 =	simm.s32 $0x18780  }
0x88: {  	[tilespmem:s15], [sflag:$0x1] =	stream.indirect_vreg.gather [hbm4b:s17+s4], $0x80, v7, vm0, $0xb8;
	[tilespmem:$0x1A040] =	vst v63  }
0x89: {  	_ = 	snop  }
0x8a: {  	[tilespmem:s26], [sflag:$0x1] =	stream.indirect_vreg.gather [hbm4b:s18+s4], $0x80, v7, vm0, $0xb8;
	[tilespmem:$0x1A040] =	vst v63  }
0x8b: {  	s19 =	simm.s32 $0x19780  }
0x8c: {  	[tilespmem:s19], [sflag:$0x1] =	stream.indirect_vreg.gather [hbm4b:s25+s4], $0x80, v7, vm0, $0xb8;
	[tilespmem:$0x1A040] =	vst v63  }
0x8d: {  	_ =	swait.ge [sflag:s16], $0x8000  }
0x8e: {  	[sflag:s16] =	ssyncset.done $0x0  }
0x8f: {  	s1 =	simm.s32 $0x2;
	s24 =	rddreg [dreg:$0x11];
	[sflag:s16] =	ssyncadd.s32 $0xFFFF8000  }
0x90: {  	[hbm4b:s24+s4] =	stream.linear.scatter [tilespmem:s7], [sflag:$0x2], $0x8000, $0x38;
	[tilespmem:$0x1A040] =	vst v63  }
0x91: {  	_ =	swait.ge [sflag:s1], $0x8000  }
0x92: {  	s5 =	sadd.s32 $0x1, s5;
	s25 =	rddreg [dreg:$0x12]  }
0x93: {  	p1 =	sne.s32 s5, s25  }
.Ltmp1:
0x94: {  	_ = 	snop;
	(pc) =	sbr.rel @!p1 .LBB2_31-.Ltmp1, $3  }
0x95: {  	_ =	sdelay $0x1  }
0x96: {  	[sflag:s1] =	ssyncset.done $0x0  }
0x97: {  	[sflag:s1] =	ssyncadd.s32 $0xFFFF8000  }
.LBB2_1:
.Ltmp2:
0x98: {  	(pc) =	sbr.rel @!p0 .LBB2_2-.Ltmp2, $1  }
0x99: {  	_ =	sdelay $0x3  }
0x9a: {  	s25 =	rddreg [dreg:$0x14]  }
0x9b: {  	p2 =	sgt.s32 s25, $0x87  }
0x9c: {  	s3 =	sadd.s32 @!p2 $0xFFFFEC00, s22;
	p1 =	por p2, p2  }
0x9d: {  	s9 =	simm.s32 @!p2 $0x0;
	s10 =	simm.s32 @!p1 $0x7F80;
	s12 =	simm.s32 @!p1 $0x3  }
0x9e: {  	[tilespmem:s10], [sflag:$0x3] =	stream.linear.gather @!p1 [hbm4b:s3+s9], $0xA000, $0x38;
	[tilespmem:$0x1A040] =	vst v63  }
0x9f: {  	_ =	swait.ge @!p1 [sflag:s12], $0xA000  }
0xa0: {  	[sflag:s12] =	ssyncset.done @!p1 $0x0  }
0xa1: {  	s6 =	smov.u32 s5;
	s3 =	sadd.s32 @!p1 $0xFFFFEC00, s23;
	[sflag:s12] =	ssyncadd.s32 @!p1 $0xFFFF6000  }
0xa2: {  	[hbm4b:s3+s9] =	stream.linear.scatter @!p1 [tilespmem:s10], [sflag:$0x2], $0xA000, $0x38;
	[tilespmem:$0x1A040] =	vst v63  }
0xa3: {  	s12 =	simm.s32 @!p1 $0x2;
	s3 =	simm.s32 $0x11800;
	s9 =	sadd.s32 $0xF, s25  }
0xa4: {  	s10 =	simm.s32 $0x24400;
	p2 =	sgt.s32 s9, $0x87;
	_ =	swait.ge @!p1 [sflag:s12], $0xA000  }
.LBB2_28:
0xa5: {  	s13 =	sadd.s32 @!p2 s3, s22;
	s14 =	simm.s32 @!p2 $0x0  }
0xa6: {  	[sflag:s12] =	ssyncset.done @!p1 $0x0;
	p3 =	por p1, p1;
	p1 =	por p2, p2  }
0xa7: {  	s24 =	smov.u32 s10;
	s10 =	sadd.s32 $0x12C00, s10;
	s15 =	simm.s32 @!p1 $0x7F80  }
0xa8: {  	s19 =	simm.s32 @!p1 $0x3;
	[sflag:s12] =	ssyncadd.s32 @!p3 $0xFFFF6000;
	p3 =	sne.s32 s10, $0xBA400  }
0xa9: {  	[tilespmem:s15], [sflag:$0x3] =	stream.linear.gather @!p1 [hbm4b:s13+s14], $0xA000, $0x38;
	[tilespmem:$0x1A040] =	vst v63  }
.Ltmp3:
0xaa: {  	_ =	swait.ge @!p1 [sflag:s19], $0xA000;
	(pc) =	sbr.rel @p3 .LBB2_28-.Ltmp3, $4  }
0xab: {  	s3 =	sadd.s32 @!p1 s3, s23;
	[sflag:s19] =	ssyncset.done @!p1 $0x0  }
0xac: {  	s9 =	sadd.s32 $0xF, s9;
	s12 =	simm.s32 @!p1 $0x2;
	[sflag:s19] =	ssyncadd.s32 @!p1 $0xFFFF6000  }
0xad: {  	[hbm4b:s3+s14] =	stream.linear.scatter @!p1 [tilespmem:s15], [sflag:$0x2], $0xA000, $0x38;
	[tilespmem:$0x1A040] =	vst v63  }
0xae: {  	p2 =	sgt.s32 s9, $0x87;
	s3 =	smov.u32 s24;
	_ =	swait.ge @!p1 [sflag:s12], $0xA000  }
.Ltmp4:
0xaf: {  	_ = 	snop;
	(pc) =	sbr.rel .LBB2_29-.Ltmp4, $1  }
0xb0: {  	_ =	sdelay $0x3  }
.LBB2_2:
0xb1: {  	s3 =	simm.s32 $0x0;
	s9 =	rddreg [dreg:$0x6];
	s10 =	simm.s32 $0x2B00  }
0xb2: {  	[tilespmem:s10], [sflag:$0x2] =	stream.linear.gather [hbm4b:s9+s3], $0x1540, $0x38;
	[tilespmem:$0x1A040] =	vst v63  }
0xb3: {  	_ =	swait.ge [sflag:s1], $0x1540  }
0xb4: {  	[sflag:s1] =	ssyncset.done $0x0  }
0xb5: {  	s25 =	simm.s32 $0x4080;
	s24 =	rddreg [dreg:$0x7];
	[sflag:s1] =	ssyncadd.s32 $0xFFFFEAC0  }
0xb6: {  	[tilespmem:s25], [sflag:$0x2] =	stream.linear.gather [hbm4b:s24+s3], $0x1540, $0x38;
	[tilespmem:$0x1A040] =	vst v63  }
0xb7: {  	_ =	swait.ge [sflag:s1], $0x1540  }
0xb8: {  	[sflag:s1] =	ssyncset.done $0x0  }
0xb9: {  	s3 =	simm.s32 $0x0;
	[sflag:s1] =	ssyncadd.s32 $0xFFFFEAC0  }
0xba: {  	v7 =	vld [tilespmem:s3+$0x2B00]  }
0xbb: {  	v8 =	vld [tilespmem:s3+$0x4080];
	_ =	sdelay $0x2  }
0xbc: {  	s9 =	simm.s32 $0x40  }
.LBB2_3:
0xbd: {  	s10 =	sshra.s32 s9, $0x2;
	p1 =	sne.s32 s9, $0x54C0  }
.Ltmp5:
0xbe: {  	s9 =	sadd.s32 $0x40, s9;
	v9 =	vadd.f32 v8, v7;
	v7 =	vld [tilespmem:s10+$0x2B00];
	(pc) =	sbr.rel @p1 .LBB2_3-.Ltmp5, $4  }
0xbf: {  	v8 =	vld [tilespmem:s10+$0x4080]  }
0xc0: {  	vm1 =	vlt.s32 v9, $0x0;
	v10 =	vxor.u32 $0x7FFFFFFF, v9  }
0xc1: {  	v9 =	vsel vm1, v10, v9  }
0xc2: {  	[tilespmem:s3+$0x0] =	vst v9;
	s3 =	smov.u32 s10  }
0xc3: {  	_ = 	snop  }
0xc4: {  	v7 =	vadd.f32 v8, v7;
	_ =	sdelay $0x1  }
0xc5: {  	vm1 =	vlt.s32 v7, $0x0;
	v8 =	vxor.u32 $0x7FFFFFFF, v7  }
0xc6: {  	v7 =	vsel vm1, v8, v7  }
0xc7: {  	s9 =	rddreg [dreg:$0x8];
	s10 =	simm.s32 $0x2B00;
	[tilespmem:s3+$0x0] =	vst v7;
	s3 =	simm.s32 $0x0  }
0xc8: {  	[tilespmem:s10], [sflag:$0x2] =	stream.linear.gather [hbm4b:s9+s3], $0x1540, $0x38;
	[tilespmem:$0x1A040] =	vst v63  }
0xc9: {  	_ =	swait.ge [sflag:s1], $0x1540  }
0xca: {  	[sflag:s1] =	ssyncset.done $0x0  }
0xcb: {  	s19 =	simm.s32 $0x4080;
	s18 =	rddreg [dreg:$0x9];
	[sflag:s1] =	ssyncadd.s32 $0xFFFFEAC0  }
0xcc: {  	[tilespmem:s19], [sflag:$0x2] =	stream.linear.gather [hbm4b:s18+s3], $0x1540, $0x38;
	[tilespmem:$0x1A040] =	vst v63  }
0xcd: {  	_ =	swait.ge [sflag:s1], $0x1540  }
0xce: {  	[sflag:s1] =	ssyncset.done $0x0  }
0xcf: {  	s25 =	simm.s32 $0x5600;
	s24 =	rddreg [dreg:$0xa];
	[sflag:s1] =	ssyncadd.s32 $0xFFFFEAC0  }
0xd0: {  	[tilespmem:s25], [sflag:$0x2] =	stream.linear.gather [hbm4b:s24+s3], $0x1540, $0x38;
	[tilespmem:$0x1A040] =	vst v63  }
0xd1: {  	_ =	swait.ge [sflag:s1], $0x1540  }
0xd2: {  	[sflag:s1] =	ssyncset.done $0x0  }
0xd3: {  	v8 =	vimm.s32 $0x7FFF;
	v7 =	vimm.s32 $0xFFFF8000;
	[sflag:s1] =	ssyncadd.s32 $0xFFFFEAC0  }
.LBB2_5:
0xd4: {  	s10 =	simm.s32 $0x0  }
0xd5: {  	v9 =	vadd.s32 v8, v7;
	v12 =	vld [tilespmem:s10+$0x0]  }
0xd6: {  	v9 =	vadd.s32 $0x1, v9  }
0xd7: {  	v9 =	vshra.s32 v9, $0x1  }
0xd8: {  	v10 =	vimm.s32 $0x0;
	s9 =	simm.s32 $0x40;
	v11 =	vshll.u32 v9, $0x10  }
.LBB2_6:
0xd9: {  	p1 =	sne.s32 s9, $0x54C0  }
.Ltmp6:
0xda: {  	s10 =	sshra.s32 s9, $0x2;
	s9 =	sadd.s32 $0x40, s9;
	v13 =	vand.u32 $0xFFFF0000, v12;
	(pc) =	sbr.rel @p1 .LBB2_6-.Ltmp6, $3  }
0xdb: {  	v12 =	vld [tilespmem:s10+$0x0];
	vm1 =	vge.s32 v13, v11  }
0xdc: {  	v13 =	vmpcnt.ones.xlane vm1;
	_ =	sdelay $0x1  }
0xdd: {  	v10 =	vadd.s32 v10, v13  }
0xde: {  	_ = 	snop  }
0xdf: {  	s3 =	sadd.s32 $0x1, s3;
	v12 =	vand.u32 $0xFFFF0000, v12  }
0xe0: {  	p1 =	sne.s32 s3, $0x10;
	vm1 =	vge.s32 v12, v11  }
.Ltmp7:
0xe1: {  	v11 =	vmpcnt.ones.xlane vm1;
	(pc) =	sbr.rel @p1 .LBB2_5-.Ltmp7, $4  }
0xe2: {  	_ = 	snop  }
0xe3: {  	v10 =	vadd.s32 v10, v11  }
0xe4: {  	vm1 =	vgt.s32 v10, $0x3E7;
	v10 =	vadd.s32 $0xFFFFFFFF, v9  }
0xe5: {  	v7 =	vsel vm1, v9, v7;
	v8 =	vsel vm1, v8, v10  }
0xe6: {  	s10 =	simm.s32 $0x0  }
0xe7: {  	v9 =	vld [tilespmem:s10+$0x0];
	_ =	sdelay $0x2  }
0xe8: {  	v7 =	vshll.u32 v7, $0x10;
	v8 =	vimm.s32 $0x0;
	s3 =	simm.s32 $0x0;
	s9 =	simm.s32 $0x40  }
.LBB2_9:
0xe9: {  	p1 =	sne.s32 s9, $0x54C0  }
.Ltmp8:
0xea: {  	s10 =	sshra.s32 s9, $0x2;
	s9 =	sadd.s32 $0x40, s9;
	v10 =	vand.u32 $0xFFFF0000, v9;
	(pc) =	sbr.rel @p1 .LBB2_9-.Ltmp8, $3  }
0xeb: {  	v9 =	vld [tilespmem:s10+$0x0];
	vm1 =	vgt.s32 v10, v7  }
0xec: {  	v10 =	vmpcnt.ones.xlane vm1;
	_ =	sdelay $0x1  }
0xed: {  	v8 =	vadd.s32 v8, v10  }
0xee: {  	_ = 	snop  }
0xef: {  	v9 =	vand.u32 $0xFFFF0000, v9  }
0xf0: {  	vm1 =	vgt.s32 v9, v7  }
0xf1: {  	v9 =	vmpcnt.ones.xlane vm1;
	_ =	sdelay $0x1  }
0xf2: {  	v8 =	vadd.s32 v8, v9  }
.LBB2_11:
0xf3: {  	p1 =	sne.s32 s3, $0x54C0  }
.Ltmp9:
0xf4: {  	_ = 	snop;
	(pc) =	sbr.rel @p1 .LBB2_11-.Ltmp9, $3  }
0xf5: {  	_ =	sdelay $0x1  }
0xf6: {  	s9 =	sshra.s32 s3, $0x2  }
0xf7: {  	s3 =	sadd.s32 $0x40, s3;
	[tilespmem:s9+$0x1580] =	vst v7  }
0xf8: {  	v10 =	vimm.s32 $0x0;
	s9 =	simm.s32 $0x0;
	s3 =	simm.s32 $0x40;
	v9 =	vimm.s32 $0x0  }
.LBB2_13:
0xf9: {  	p1 =	sne.s32 s3, $0x54C0;
	v11 =	vld [tilespmem:s9+$0x0];
	_ =	sdelay $0x4  }
0xfa: {  	v12 =	vand.u32 $0xFFFF0000, v11  }
0xfb: {  	vm1 =	veq.s32 v12, v7  }
0xfc: {  	v12 =	vsel vm1, $0x1, v0;
	v13 =	vmpcnt.ones.xlane vm1  }
0xfd: {  	(xrf0) =	vadd.scan.msk.s32 $0xffff, v12  }
0xfe: {  	v10 =	vadd.s32 v10, v13;
	_ =	sdelay $0x4  }
0xff: {  	v12, _, _ =	vpop (xrf0)  }
0x100: {  	v12 =	vadd.s32 v12, v9;
	v9 =	vmov v10  }
0x101: {  	v12 =	vadd.s32 $0xFFFFFFFF, v12  }
.Ltmp10:
0x102: {  	(pc) =	sbr.rel @p1 .LBB2_13-.Ltmp10, $2  }
0x103: {  	_ =	sdelay $0x2  }
0x104: {  	s9 =	sshra.s32 s3, $0x2;
	s3 =	sadd.s32 $0x40, s3;
	[tilespmem:v12+s29+$0x0] =	vst.idx.msk vm1, v11  }
0x105: {  	v11 =	vld [tilespmem:s9+$0x0];
	_ =	sdelay $0x4  }
0x106: {  	v12 =	vand.u32 $0xFFFF0000, v11  }
0x107: {  	vm1 =	veq.s32 v12, v7  }
0x108: {  	v12 =	vmpcnt.ones.xlane vm1;
	_ =	sdelay $0x1  }
0x109: {  	v10 =	vadd.s32 v10, v12  }
0x10a: {  	v10 =	vadd.s32 $0xF, v10  }
0x10b: {  	v62 =	vsel vm1, $0x1, v0;
	v10 =	vshra.s32 v10, $0x4  }
0x10c: {  	(xrf0) =	vadd.scan.msk.s32 $0xffff, v62;
	v10 =	vxor.u32 $0x80000000, v10  }
0x10d: {  	(xrf0) =	vmax.scan.msk.u32 $0xffff, v10;
	_ =	sdelay $0x4  }
0x10e: {  	v10, _, _ =	vpop (xrf0)  }
0x10f: {  	v63, _, _ =	vpop (xrf0)  }
0x110: {  	(v2sf) =	vpush v63, $0xF;
	_ =	sdelay $0xa  }
0x111: {  	v9 =	vadd.s32 v10, v9  }
0x112: {  	v9 =	vadd.s32 $0xFFFFFFFF, v9  }
.Ltmp11:
0x113: {  	_ = 	snop;
	(pc) =	sbr.rel .LBB2_15-.Ltmp11, $4  }
0x114: {  	_ = 	snop  }
0x115: {  	s3 =	spop (v2sf)  }
0x116: {  	s3 =	sxor.u32 $0x80000000, s3  }
0x117: {  	s9 =	simm.s32 $0x0;
	v10 =	vimm.s32 $0xFFFF;
	[tilespmem:v9+s29+$0x0] =	vst.idx.msk vm1, v11;
	v9 =	vsub.s32 $0x3E8, v8;
	v8 =	vimm.s32 $0x0;
	p1 =	slt.s32 s3, $0x1  }
.LBB2_18:
0x118: {  	v12 =	vmpcnt.ones.xlane vm1;
	_ =	sdelay $0x1  }
0x119: {  	v12 =	vadd.s32 v13, v12  }
.LBB2_19:
0x11a: {  	s9 =	sadd.s32 $0x1, s9  }
0x11b: {  	p2 =	sne.s32 s9, $0x10  }
.Ltmp12:
0x11c: {  	_ = 	snop;
	(pc) =	sbr.rel @!p2 .LBB2_20-.Ltmp12, $3  }
0x11d: {  	_ =	sdelay $0x1  }
0x11e: {  	vm1 =	vlt.s32 v12, v9;
	v63 =	vadd.s32 $0xFFFFFFFF, v11  }
0x11f: {  	v8 =	vsel vm1, v8, v11;
	v10 =	vsel vm1, v63, v10  }
.LBB2_15:
.Ltmp13:
0x120: {  	(pc) =	sbr.rel @p1 .LBB2_19-.Ltmp13, $4  }
0x121: {  	_ = 	snop  }
0x122: {  	v11 =	vadd.s32 v10, v8  }
0x123: {  	v11 =	vadd.s32 $0x1, v11  }
0x124: {  	v12 =	vimm.s32 $0x0;
	v11 =	vshra.s32 v11, $0x1  }
0x125: {  	s10 =	simm.s32 $0x1580  }
0x126: {  	p2 =	sne.s32 s3, $0x1;
	v13 =	vld [tilespmem:s10+$0x0]  }
.Ltmp14:
0x127: {  	_ = 	snop;
	(pc) =	sbr.rel @!p2 .LBB2_18-.Ltmp14, $3  }
0x128: {  	_ =	sdelay $0x1  }
0x129: {  	v12 =	vadd.s32 v7, v11  }
0x12a: {  	s12 =	simm.s32 $0x1590;
	s10 =	sadd.s32 $0xFFFFFFFF, s3;
	vm1 =	vge.s32 v13, v12;
	v13 =	vimm.s32 $0x0  }
.LBB2_17:
0x12b: {  	v14 =	vld [tilespmem:s12+$0x0];
	p2 =	sne.s32 s10, $0x1;
	s10 =	sadd.s32 $0xFFFFFFFF, s10;
	v15 =	vmpcnt.ones.xlane vm1  }
.Ltmp15:
0x12c: {  	(pc) =	sbr.rel @p2 .LBB2_17-.Ltmp15, $2  }
0x12d: {  	v13 =	vadd.s32 v13, v15;
	_ =	sdelay $0x2  }
0x12e: {  	s12 =	sadd.s32 $0x10, s12;
	vm1 =	vge.s32 v14, v12  }
.Ltmp16:
0x12f: {  	_ = 	snop;
	(pc) =	sbr.rel .LBB2_18-.Ltmp16, $1  }
0x130: {  	_ =	sdelay $0x3  }
.LBB2_20:
0x131: {  	s9 =	simm.s32 $0x40;
	s3 =	simm.s32 $0x0  }
.LBB2_21:
0x132: {  	p1 =	sne.s32 s9, $0xFC0;
	[tilespmem:s3+$0x7B80] =	vst v3;
	s10 =	smov.u32 s9;
	s9 =	sadd.s32 $0x40, s9  }
.Ltmp17:
0x133: {  	[tilespmem:s3+$0x7780] =	vst v3;
	(pc) =	sbr.rel @p1 .LBB2_21-.Ltmp17, $4  }
0x134: {  	[tilespmem:s3+$0x7380] =	vst v3  }
0x135: {  	[tilespmem:s3+$0x6B80] =	vst v0  }
0x136: {  	[tilespmem:s3+$0x6F80] =	vst v1  }
0x137: {  	s3 =	sshra.s32 s10, $0x2  }
0x138: {  	[tilespmem:s3+$0x7B80] =	vst v3  }
0x139: {  	[tilespmem:s3+$0x7780] =	vst v3  }
0x13a: {  	[tilespmem:s3+$0x7380] =	vst v3  }
0x13b: {  	[tilespmem:s3+$0x6B80] =	vst v0  }
0x13c: {  	[tilespmem:s3+$0x6F80] =	vst v1;
	s10 =	simm.s32 $0x0  }
0x13d: {  	v9 =	vld [tilespmem:s10+$0x0];
	_ =	sdelay $0x3  }
0x13e: {  	v7 =	vadd.s32 v7, v8  }
0x13f: {  	vm1 =	vgt.s32 v9, v7  }
0x140: {  	v8 =	vsel vm1, $0x1, v0  }
0x141: {  	(xrf0) =	vadd.scan.msk.s32 $0xffff, v8;
	_ =	sdelay $0x5  }
0x142: {  	v9 =	vimm.s32 $0x0;
	v8, _, _ =	vpop (xrf0)  }
0x143: {  	v8 =	vadd.s32 v8, v9  }
0x144: {  	v11 =	vadd.s32 $0xFFFFFFFF, v8;
	_ =	sdelay $0x2  }
0x145: {  	s3 =	rddreg [dreg:$0x13]  }
0x146: {  	v8 =	vor.u32 s3, v2  }
0x147: {  	[tilespmem:v11+s30+$0x0] =	vst.idx.msk vm1, v8  }
0x148: {  	[tilespmem:v11+s31+$0x0] =	vst.idx.msk vm1, v8  }
0x149: {  	v10 =	vld [tilespmem:s10+$0x2B00];
	_ =	sdelay $0x4  }
0x14a: {  	[tilespmem:v11+s0+$0x0] =	vst.idx.msk vm1, v10  }
0x14b: {  	v10 =	vld [tilespmem:s10+$0x4080];
	_ =	sdelay $0x2  }
0x14c: {  	v12 =	vmpcnt.ones.xlane vm1;
	_ =	sdelay $0x1  }
0x14d: {  	v9 =	vadd.s32 v9, v12;
	[tilespmem:v11+s28+$0x0] =	vst.idx.msk vm1, v10  }
0x14e: {  	s9 =	simm.s32 $0x40;
	s13 =	simm.s32 $0x80;
	s12 =	simm.s32 $0x40;
	v10 =	vmov v9;
	v12 =	vld [tilespmem:s10+$0x5600]  }
.LBB2_23:
0x14f: {  	_ =	sdelay $0x2  }
0x150: {  	s14 =	sshra.s32 s12, $0x2  }
0x151: {  	s3 =	sadd.s32 $0x10, s3;
	s12 =	smov.u32 s13;
	s24 =	sadd.s32 $0x40, s13;
	[tilespmem:v11+s2+$0x0] =	vst.idx.msk vm1, v12  }
0x152: {  	p1 =	sne.s32 s13, $0x54C0;
	v11 =	vld [tilespmem:s14+$0x0];
	_ =	sdelay $0x4  }
0x153: {  	vm1 =	vgt.s32 v11, v7  }
0x154: {  	v11 =	vsel vm1, $0x1, v0;
	v12 =	vmpcnt.ones.xlane vm1  }
0x155: {  	(xrf0) =	vadd.scan.msk.s32 $0xffff, v11  }
0x156: {  	v9 =	vadd.s32 v9, v12;
	_ =	sdelay $0x4  }
0x157: {  	v11, _, _ =	vpop (xrf0)  }
0x158: {  	v11 =	vadd.s32 v11, v10;
	v10 =	vmov v9  }
0x159: {  	v11 =	vadd.s32 $0xFFFFFFFF, v11;
	_ =	sdelay $0x3  }
0x15a: {  	v12 =	vor.u32 s3, v2  }
0x15b: {  	[tilespmem:v11+s30+$0x0] =	vst.idx.msk vm1, v12  }
0x15c: {  	[tilespmem:v11+s31+$0x0] =	vst.idx.msk vm1, v12  }
0x15d: {  	v12 =	vld [tilespmem:s14+$0x2B00];
	_ =	sdelay $0x4  }
0x15e: {  	[tilespmem:v11+s0+$0x0] =	vst.idx.msk vm1, v12  }
0x15f: {  	v12 =	vld [tilespmem:s14+$0x4080];
	_ =	sdelay $0x1  }
.Ltmp18:
0x160: {  	(pc) =	sbr.rel @p1 .LBB2_23-.Ltmp18, $3  }
0x161: {  	_ =	sdelay $0x1  }
0x162: {  	[tilespmem:v11+s28+$0x0] =	vst.idx.msk vm1, v12  }
0x163: {  	s13 =	smov.u32 s24;
	v12 =	vld [tilespmem:s14+$0x5600]  }
0x164: {  	_ =	sdelay $0x4  }
0x165: {  	s12 =	sshra.s32 s12, $0x2;
	[tilespmem:v11+s2+$0x0] =	vst.idx.msk vm1, v12  }
0x166: {  	v11 =	vld [tilespmem:s12+$0x0];
	_ =	sdelay $0x4  }
0x167: {  	vm1 =	vgt.s32 v11, v7  }
0x168: {  	v11 =	vsel vm1, $0x1, v0  }
0x169: {  	(xrf0) =	vadd.scan.msk.s32 $0xffff, v11;
	_ =	sdelay $0x5  }
0x16a: {  	v11, _, _ =	vpop (xrf0)  }
0x16b: {  	v10 =	vadd.s32 v11, v10  }
0x16c: {  	v10 =	vadd.s32 $0xFFFFFFFF, v10;
	_ =	sdelay $0x2  }
0x16d: {  	s3 =	sadd.s32 $0x10, s3  }
0x16e: {  	v11 =	vor.u32 s3, v2  }
0x16f: {  	[tilespmem:v10+s30+$0x0] =	vst.idx.msk vm1, v11  }
0x170: {  	[tilespmem:v10+s31+$0x0] =	vst.idx.msk vm1, v11  }
0x171: {  	v11 =	vld [tilespmem:s12+$0x2B00];
	_ =	sdelay $0x4  }
0x172: {  	[tilespmem:v10+s0+$0x0] =	vst.idx.msk vm1, v11  }
0x173: {  	v11 =	vld [tilespmem:s12+$0x4080];
	_ =	sdelay $0x4  }
0x174: {  	[tilespmem:v10+s28+$0x0] =	vst.idx.msk vm1, v11  }
0x175: {  	v11 =	vld [tilespmem:s12+$0x5600];
	_ =	sdelay $0x4  }
0x176: {  	[tilespmem:v10+s2+$0x0] =	vst.idx.msk vm1, v11  }
0x177: {  	v10 =	vld [tilespmem:s10+$0x0];
	_ =	sdelay $0x4  }
0x178: {  	vm2 =	veq.s32 v10, v7  }
0x179: {  	v10 =	vsel vm2, $0x1, v0  }
0x17a: {  	(xrf0) =	vadd.scan.msk.s32 $0xffff, v10;
	_ =	sdelay $0x1  }
0x17b: {  	v10 =	vmpcnt.ones.xlane vm1;
	_ =	sdelay $0x3  }
0x17c: {  	v9 =	vadd.s32 v9, v10;
	v10, _, _ =	vpop (xrf0)  }
0x17d: {  	v10 =	vadd.s32 v10, v9  }
0x17e: {  	v10 =	vadd.s32 $0xFFFFFFFF, v10  }
0x17f: {  	vm1 =	vlt.s32 v10, $0x3E8  }
0x180: {  	vm1 =	vmand vm2, vm1;
	_ =	sdelay $0x5  }
0x181: {  	[tilespmem:v10+s30+$0x0] =	vst.idx.msk vm1, v8  }
0x182: {  	[tilespmem:v10+s31+$0x0] =	vst.idx.msk vm1, v8  }
0x183: {  	v8 =	vld [tilespmem:s10+$0x2B00];
	_ =	sdelay $0x4  }
0x184: {  	[tilespmem:v10+s0+$0x0] =	vst.idx.msk vm1, v8  }
0x185: {  	v8 =	vld [tilespmem:s10+$0x4080];
	_ =	sdelay $0x2  }
0x186: {  	v11 =	vmpcnt.ones.xlane vm2;
	_ =	sdelay $0x1  }
0x187: {  	v9 =	vadd.s32 v9, v11;
	[tilespmem:v10+s28+$0x0] =	vst.idx.msk vm1, v8  }
0x188: {  	s12 =	simm.s32 $0x80;
	v8 =	vmov v9;
	v11 =	vld [tilespmem:s10+$0x5600];
	s10 =	rddreg [dreg:$0x13]  }
.LBB2_25:
0x189: {  	_ =	sdelay $0x2  }
0x18a: {  	s3 =	sshra.s32 s9, $0x2  }
0x18b: {  	s10 =	sadd.s32 $0x10, s10;
	s9 =	smov.u32 s12;
	s13 =	sadd.s32 $0x40, s12;
	[tilespmem:v10+s2+$0x0] =	vst.idx.msk vm1, v11  }
0x18c: {  	p1 =	sne.s32 s12, $0x54C0;
	v10 =	vld [tilespmem:s3+$0x0];
	_ =	sdelay $0x4  }
0x18d: {  	vm1 =	veq.s32 v10, v7  }
0x18e: {  	v10 =	vsel vm1, $0x1, v0;
	v11 =	vmpcnt.ones.xlane vm1  }
0x18f: {  	(xrf0) =	vadd.scan.msk.s32 $0xffff, v10  }
0x190: {  	v9 =	vadd.s32 v9, v11;
	_ =	sdelay $0x4  }
0x191: {  	v10, _, _ =	vpop (xrf0)  }
0x192: {  	v10 =	vadd.s32 v10, v8;
	v8 =	vmov v9  }
0x193: {  	v10 =	vadd.s32 $0xFFFFFFFF, v10  }
0x194: {  	vm2 =	vlt.s32 v10, $0x3E8  }
0x195: {  	vm1 =	vmand vm1, vm2;
	_ =	sdelay $0x4  }
0x196: {  	v11 =	vor.u32 s10, v2  }
0x197: {  	[tilespmem:v10+s30+$0x0] =	vst.idx.msk vm1, v11  }
0x198: {  	[tilespmem:v10+s31+$0x0] =	vst.idx.msk vm1, v11  }
0x199: {  	v11 =	vld [tilespmem:s3+$0x2B00];
	_ =	sdelay $0x4  }
0x19a: {  	[tilespmem:v10+s0+$0x0] =	vst.idx.msk vm1, v11  }
0x19b: {  	v11 =	vld [tilespmem:s3+$0x4080];
	_ =	sdelay $0x1  }
.Ltmp19:
0x19c: {  	(pc) =	sbr.rel @p1 .LBB2_25-.Ltmp19, $3  }
0x19d: {  	_ =	sdelay $0x1  }
0x19e: {  	[tilespmem:v10+s28+$0x0] =	vst.idx.msk vm1, v11  }
0x19f: {  	s12 =	smov.u32 s13;
	v11 =	vld [tilespmem:s3+$0x5600]  }
0x1a0: {  	_ =	sdelay $0x4  }
0x1a1: {  	s3 =	sshra.s32 s9, $0x2;
	[tilespmem:v10+s2+$0x0] =	vst.idx.msk vm1, v11  }
0x1a2: {  	v9 =	vld [tilespmem:s3+$0x0];
	_ =	sdelay $0x4  }
0x1a3: {  	vm1 =	veq.s32 v9, v7  }
0x1a4: {  	v7 =	vsel vm1, $0x1, v0  }
0x1a5: {  	(xrf0) =	vadd.scan.msk.s32 $0xffff, v7;
	_ =	sdelay $0x5  }
0x1a6: {  	v7, _, _ =	vpop (xrf0)  }
0x1a7: {  	v7 =	vadd.s32 v7, v8  }
0x1a8: {  	v7 =	vadd.s32 $0xFFFFFFFF, v7  }
0x1a9: {  	vm2 =	vlt.s32 v7, $0x3E8  }
0x1aa: {  	vm1 =	vmand vm1, vm2;
	_ =	sdelay $0x3  }
0x1ab: {  	s15 =	sadd.s32 $0x10, s10  }
0x1ac: {  	v8 =	vor.u32 s15, v2  }
0x1ad: {  	[tilespmem:v7+s30+$0x0] =	vst.idx.msk vm1, v8  }
0x1ae: {  	[tilespmem:v7+s31+$0x0] =	vst.idx.msk vm1, v8  }
0x1af: {  	v8 =	vld [tilespmem:s3+$0x2B00];
	_ =	sdelay $0x4  }
0x1b0: {  	[tilespmem:v7+s0+$0x0] =	vst.idx.msk vm1, v8  }
0x1b1: {  	v8 =	vld [tilespmem:s3+$0x4080];
	_ =	sdelay $0x4  }
0x1b2: {  	[tilespmem:v7+s28+$0x0] =	vst.idx.msk vm1, v8  }
0x1b3: {  	v8 =	vld [tilespmem:s3+$0x5600];
	_ =	sdelay $0x4  }
0x1b4: {  	s17 =	rddreg [dreg:$0xb];
	[tilespmem:v7+s2+$0x0] =	vst.idx.msk vm1, v8  }
0x1b5: {  	[hbm4b:s17+s4] =	stream.linear.scatter [tilespmem:s31], [sflag:$0x2], $0x400, $0x38;
	[tilespmem:$0x1A040] =	vst v63  }
0x1b6: {  	_ =	swait.ge [sflag:s1], $0x400  }
0x1b7: {  	[sflag:s1] =	ssyncset.done $0x0  }
0x1b8: {  	s18 =	rddreg [dreg:$0xc];
	[sflag:s1] =	ssyncadd.s32 $0xFFFFFC00  }
0x1b9: {  	[hbm4b:s18+s4] =	stream.linear.scatter [tilespmem:s0], [sflag:$0x2], $0x400, $0x38;
	[tilespmem:$0x1A040] =	vst v63  }
0x1ba: {  	_ =	swait.ge [sflag:s1], $0x400  }
0x1bb: {  	[sflag:s1] =	ssyncset.done $0x0  }
0x1bc: {  	s19 =	rddreg [dreg:$0xd];
	[sflag:s1] =	ssyncadd.s32 $0xFFFFFC00  }
0x1bd: {  	[hbm4b:s19+s4] =	stream.linear.scatter [tilespmem:s28], [sflag:$0x2], $0x400, $0x38;
	[tilespmem:$0x1A040] =	vst v63  }
0x1be: {  	_ =	swait.ge [sflag:s1], $0x400  }
0x1bf: {  	[sflag:s1] =	ssyncset.done $0x0  }
0x1c0: {  	s24 =	rddreg [dreg:$0xe];
	[sflag:s1] =	ssyncadd.s32 $0xFFFFFC00  }
0x1c1: {  	[hbm4b:s24+s4] =	stream.linear.scatter [tilespmem:s2], [sflag:$0x2], $0x400, $0x38;
	[tilespmem:$0x1A040] =	vst v63  }
0x1c2: {  	_ =	swait.ge [sflag:s1], $0x400  }
0x1c3: {  	[sflag:s1] =	ssyncset.done $0x0  }
0x1c4: {  	[sflag:s1] =	ssyncadd.s32 $0xFFFFFC00  }
.Ltmp20:
0x1c5: {  	s25 =	rddreg [dreg:$0x4];
	(pc) =	sbr.rel .LBB2_30-.Ltmp20, $4  }
0x1c6: {  	[spmem:s25] =	stream.linear.scatter [tilespmem:s30], [sflag:$0x2], $0x400, $0x38;
	[tilespmem:$0x1A040] =	vst v63  }
0x1c7: {  	_ =	swait.ge [sflag:s1], $0x400  }
0x1c8: {  	[sflag:s1] =	ssyncset.done $0x0  }
0x1c9: {  	[sflag:s1] =	ssyncadd.s32 $0xFFFFFC00  }
.LBB2_31:
0x1ca: {  	_ =	sfence.sel $0x180000  }
0x1cb: {  	[bflag:$0x0] =	sbarrier.arrive $0xFFFF  }
0x1cc: {  	_ =	strace $0x90000047  }
0x1cd: {  	[bflag:$0x2] =	sbarrier.arrive $0xFFFF  }
0x1ce: {  	s0 =	rddreg [dreg:$0x5]  }
0x1cf: {  	s0 =	sadd.s32 @!p0 $0x100000, s0  }
0x1d0: {  	[sflag:s0] =	ssyncadd.tile.s32 @!p0 $0x1;
	_ =	shalt  }
.Lfunc_end2:
_tile_overlayer_lowered:
.L_overlay_start_2:
0x1d1: {  	(tag) =	ssettag $0x2  }
0x1d2: {  	s0 =	rddreg [dreg:$0x0];
	s2 =	stileid.u32  }
0x1d3: {  	s1 =	rddreg [dreg:$0x1];
	p0 =	sne.s32 s2, $0x0  }
0x1d4: {  	s3 =	rddreg [dreg:$0x2];
	[bflag:$0x3] =	sbarrier.arrive $0xFFFF;
	s2 =	simm.s32 @!p0 $0x1C02  }
0x1d5: {  	[timem:s3], [sflag:s2] =	dma.local @!p0 [hbm:s0], s1  }
0x1d6: {  	s0 =	simm.s32 @!p0 $0x2  }
0x1d7: {  	_ =	swait.ge @!p0 [sflag:s0], s1  }
0x1d8: {  	s1 =	ssub.s32 @!p0 $0x0, s1;
	[sflag:s0] =	ssyncset.done @!p0 $0x0  }
0x1d9: {  	[sflag:s0] =	ssyncadd.s32 @!p0 s1  }
0x1da: {  	[bflag:$0x3] =	sbarrier.arrive $0xFFFF  }
0x1db: {  	_ =	shalt  }

</sc_bundles>
